<compile_context>
chip_gen: v7x
topology: tpu7x:2x2x1
jax: 0.10.2.dev20260603
libtpu: 0.0.44.dev20260713+nightly
codegen_flags: <defaults>
</compile_context>

<pallas_src>
import functools

import jax
import jax.numpy as jnp
from jax import lax
from jax.experimental import pallas as pl
from jax.experimental.pallas import tpu as pltpu
from jax.experimental.pallas import tpu_sc as plsc

N = 9916
NG = 37
PER = 268
E = 317312
IN = 268
H = 128
C = 7
KP = 214

RP = 272
INP = 272
NP = NG * RP
ACCR = 10240
DUMMY = 10080

NW = 32
EB = 80
NB = 124
EP = NW * NB * EB
ET = NB * EB

_NEG = -3.0e38


def _ln(x, g, b, eps=1e-5):
    m = x.mean(-1, keepdims=True)
    v = ((x - m) ** 2).mean(-1, keepdims=True)
    return (x - m) / jnp.sqrt(v + eps) * g + b


def _elu(x):
    return jnp.where(x > 0, x, jnp.exp(x) - 1.0)


def _sigmoid(x):
    return 1.0 / (1.0 + jnp.exp(-x))



def _pre_body(x_ref, win_ref, bin_ref, g1_ref, b1_ref, roi_ref, basis_ref,
              out_ref):
    xb = jnp.dot(x_ref[0], win_ref[...],
                 preferred_element_type=jnp.float32) + bin_ref[...]
    hb = _elu(_ln(xb, g1_ref[...], b1_ref[...]))
    roi = roi_ref[...]
    roi = roi - jnp.max(roi, -1, keepdims=True)
    er = jnp.exp(roi)
    cw = er / jnp.sum(er, -1, keepdims=True)
    acc = jnp.zeros((PER, H), jnp.float32)
    for c in range(C):
        acc = acc + jnp.dot(hb * cw[:, c:c + 1], basis_ref[c],
                            preferred_element_type=jnp.float32)
    out_ref[...] = jnp.concatenate(
        [acc, jnp.zeros((RP - PER, H), jnp.float32)], axis=0)


def _pre(x3, w_in, b_in, ln1_g, ln1_b, roi, basis):
    return pl.pallas_call(
        _pre_body,
        grid=(NG,),
        in_specs=[
            pl.BlockSpec((1, PER, IN), lambda g: (g, 0, 0)),
            pl.BlockSpec((IN, H), lambda g: (0, 0)),
            pl.BlockSpec((1, H), lambda g: (0, 0)),
            pl.BlockSpec((1, H), lambda g: (0, 0)),
            pl.BlockSpec((1, H), lambda g: (0, 0)),
            pl.BlockSpec((PER, C), lambda g: (0, 0)),
            pl.BlockSpec((C, H, H), lambda g: (0, 0, 0)),
        ],
        out_specs=pl.BlockSpec((RP, H), lambda g: (g, 0)),
        out_shape=jax.ShapeDtypeStruct((NP, H), jnp.float32),
    )(x3, w_in, b_in, ln1_g, ln1_b, roi, basis)



def _sc_body(xt_hbm, src_hbm, dst_hbm, ea_hbm, we_hbm, be_hbm,
             out_hbm,
             s0, s1, d0, d1, a0, a1, we_v, be_v, buf0, buf1, acc_sh,
             sem0, sem1, semi0, semi1):
    cid = lax.axis_index("c")
    sid = lax.axis_index("s")
    wid = cid * 16 + sid
    base = wid * ET

    pltpu.sync_copy(we_hbm, we_v)
    pltpu.sync_copy(be_hbm, be_v)

    nw = [-(we_v[pl.ds(f * 16, 16)]) for f in range(H // 16)]
    nb = [-(be_v[pl.ds(f * 16, 16)]) for f in range(H // 16)]

    zero16 = jnp.zeros((16,), jnp.float32)

    def _zrow(i, _):
        for f in range(H // 16):
            buf0[i, pl.ds(f * 16, 16)] = zero16
        return 0

    lax.fori_loop(0, EB, _zrow, 0)
    for k in range(640 // EB):
        pltpu.sync_copy(buf0, acc_sh.at[pl.ds(sid * 640 + k * EB, EB)])
    plsc.subcore_barrier()

    def _fetch_idx(j, sv, dv, av, sem):
        off = base + j * EB
        pltpu.async_copy(src_hbm.at[pl.ds(off, EB)], sv, sem)
        pltpu.async_copy(dst_hbm.at[pl.ds(off, EB)], dv, sem)
        pltpu.async_copy(ea_hbm.at[pl.ds(off, EB)], av, sem)

    def _wait_idx(j, sv, dv, av, sem):
        off = base + j * EB
        pltpu.make_async_copy(src_hbm.at[pl.ds(off, EB)], sv, sem).wait()
        pltpu.make_async_copy(dst_hbm.at[pl.ds(off, EB)], dv, sem).wait()
        pltpu.make_async_copy(ea_hbm.at[pl.ds(off, EB)], av, sem).wait()

    def _apply_ew(buf, av):
        def _edge2(t, _):
            for u in range(2):
                e = 2 * t + u
                eab = plsc.load_gather(av, [jnp.full((16,), e, jnp.int32)])
                for f in range(H // 16):
                    s = 1.0 / (1.0 + jnp.exp(eab * nw[f] + nb[f]))
                    buf[e, pl.ds(f * 16, 16)] = buf[e, pl.ds(f * 16, 16)] * s
            return 0

        lax.fori_loop(0, EB // 2, _edge2, 0)

    _fetch_idx(0, s0, d0, a0, semi0)
    _wait_idx(0, s0, d0, a0, semi0)
    _fetch_idx(1, s1, d1, a1, semi1)
    _wait_idx(1, s1, d1, a1, semi1)
    pltpu.async_copy(xt_hbm.at[s0], buf0, sem0)
    pltpu.async_copy(xt_hbm.at[s1], buf1, sem1)

    def _outer(k, _):
        j0 = 2 * k
        pltpu.make_async_copy(xt_hbm.at[s0], buf0, sem0).wait()
        _apply_ew(buf0, a0)
        pltpu.sync_copy(buf0, acc_sh.at[d0], add=True)

        @pl.when(k < NB // 2 - 1)
        def _():
            _fetch_idx(j0 + 2, s0, d0, a0, semi0)

        j1 = 2 * k + 1
        pltpu.make_async_copy(xt_hbm.at[s1], buf1, sem1).wait()
        _apply_ew(buf1, a1)
        pltpu.sync_copy(buf1, acc_sh.at[d1], add=True)

        @pl.when(k < NB // 2 - 1)
        def _():
            _fetch_idx(j1 + 2, s1, d1, a1, semi1)
            _wait_idx(j0 + 2, s0, d0, a0, semi0)
            pltpu.async_copy(xt_hbm.at[s0], buf0, sem0)
            _wait_idx(j1 + 2, s1, d1, a1, semi1)
            pltpu.async_copy(xt_hbm.at[s1], buf1, sem1)

        return 0

    lax.fori_loop(0, NB // 2, _outer, 0)
    plsc.subcore_barrier()

    pltpu.sync_copy(acc_sh.at[pl.ds(sid * 640, 640)],
                    out_hbm.at[cid, pl.ds(sid * 640, 640)])


def _sc_edges(xt_p, src_r, dst_r, ea_r, we_f, be_f):
    mesh = plsc.VectorSubcoreMesh(core_axis_name="c", subcore_axis_name="s")
    f = pl.kernel(
        _sc_body,
        out_type=jax.ShapeDtypeStruct((2, ACCR, H), jnp.float32),
        mesh=mesh,
        compiler_params=pltpu.CompilerParams(needs_layout_passes=False,
                                             use_tc_tiling_on_sc=True),
        scratch_types=[
            pltpu.VMEM((EB,), jnp.int32),
            pltpu.VMEM((EB,), jnp.int32),
            pltpu.VMEM((EB,), jnp.int32),
            pltpu.VMEM((EB,), jnp.int32),
            pltpu.VMEM((EB,), jnp.float32),
            pltpu.VMEM((EB,), jnp.float32),
            pltpu.VMEM((H,), jnp.float32),
            pltpu.VMEM((H,), jnp.float32),
            pltpu.VMEM((EB, H), jnp.float32),
            pltpu.VMEM((EB, H), jnp.float32),
            pltpu.VMEM_SHARED((ACCR, H), jnp.float32),
            pltpu.SemaphoreType.DMA,
            pltpu.SemaphoreType.DMA,
            pltpu.SemaphoreType.DMA,
            pltpu.SemaphoreType.DMA,
        ],
    )
    return f(xt_p, src_r, dst_r, ea_r, we_f, be_f)



def _post_body(a0_ref, a1_ref, xt_ref, we_ref, be_ref, cb_ref, g2_ref,
               b2_ref, wa1_ref, ba1_ref, wa2_ref, ba2_ref, wg1_ref, bg1_ref,
               wg2_ref, bg2_ref, wh1_ref, bh1_ref, gh_ref, bh_ref, wh2_ref,
               bh2_ref, wh3_ref, bh3_ref, out_ref):
    ewl = _sigmoid(we_ref[...] + be_ref[...])
    acc = (a0_ref[0] + a1_ref[0] + xt_ref[...] * ewl + cb_ref[...])
    o = _ln(_elu(acc), g2_ref[...], b2_ref[...])

    t1 = jnp.tanh(jnp.dot(o, wa1_ref[...],
                          preferred_element_type=jnp.float32) + ba1_ref[...])
    scol = jnp.dot(t1, wa2_ref[...],
                   preferred_element_type=jnp.float32) + ba2_ref[...]

    ri = lax.broadcasted_iota(jnp.int32, (RP, RP), 0)
    rj = lax.broadcasted_iota(jnp.int32, (RP, RP), 1)
    valid = (lax.broadcasted_iota(jnp.int32, (RP, 1), 0) < PER)
    s_eff = jnp.where(valid, scol, _NEG)
    eye = (ri == rj).astype(jnp.float32)
    srow = lax.dot_general(s_eff, eye, (((0,), (0,)), ((), ())),
                           preferred_element_type=jnp.float32)
    gt = (srow > s_eff).astype(jnp.float32)
    tie = ((srow == s_eff) & (rj < ri)).astype(jnp.float32)
    rank = jnp.sum(gt + tie, axis=1, keepdims=True)
    sel = rank < KP

    xp = o * _sigmoid(scol)
    tg = jnp.dot(jnp.tanh(jnp.dot(xp, wg1_ref[...],
                                  preferred_element_type=jnp.float32)
                          + bg1_ref[...]), wg2_ref[...],
                 preferred_element_type=jnp.float32) + bg2_ref[...]
    mt = jnp.where(sel, tg, _NEG)
    tmax = jnp.max(mt, axis=0, keepdims=True)
    a = jnp.where(sel, jnp.exp(tg - tmax), 0.0)
    denom = jnp.sum(a, axis=0, keepdims=True)
    xg = lax.dot_general(a, xp, (((0,), (0,)), ((), ())),
                         preferred_element_type=jnp.float32) / denom

    h1 = _elu(_ln(jnp.dot(xg, wh1_ref[...],
                          preferred_element_type=jnp.float32) + bh1_ref[...],
                  gh_ref[...], bh_ref[...]))
    h2 = _elu(jnp.dot(h1, wh2_ref[...],
                      preferred_element_type=jnp.float32) + bh2_ref[...])
    pr = jnp.dot(h2, wh3_ref[...],
                 preferred_element_type=jnp.float32) + bh3_ref[...]
    out_ref[...] = jnp.broadcast_to(pr.reshape(1, 1, 1), (1, 8, H))


def _post(accs, xt_p, we, be, cb, g2, b2, wa1, ba1, wa2, ba2, wg1, bg1,
          wg2, bg2, wh1, bh1, gh, bh, wh2, bh2, wh3, bh3):
    full = lambda *shape: pl.BlockSpec(shape, lambda g: (0,) * len(shape))
    return pl.pallas_call(
        _post_body,
        grid=(NG,),
        in_specs=[
            pl.BlockSpec((1, RP, H), lambda g: (0, g, 0)),
            pl.BlockSpec((1, RP, H), lambda g: (1, g, 0)),
            pl.BlockSpec((RP, H), lambda g: (g, 0)),
            full(1, H), full(1, H), full(1, H), full(1, H), full(1, H),
            full(H, H), full(1, H), full(H, 1), full(1, 1),
            full(H, H), full(1, H), full(H, 1), full(1, 1),
            full(H, H), full(1, H), full(1, H), full(1, H),
            full(H, H // 2), full(1, H // 2), full(H // 2, 1), full(1, 1),
        ],
        out_specs=pl.BlockSpec((1, 8, H), lambda g: (g, 0, 0)),
        out_shape=jax.ShapeDtypeStruct((NG, 8, H), jnp.float32),
    )(accs, accs, xt_p, we, be, cb, g2, b2, wa1, ba1, wa2, ba2, wg1, bg1,
      wg2, bg2, wh1, bh1, gh, bh, wh2, bh2, wh3, bh3)



def kernel(x, edge_index, edge_attr, batch, W_in, b_in, ln1_g, ln1_b,
           basis_kernels, roi_community, W_e, b_e, conv_bias, ln2_g, ln2_b,
           Wa1, ba1, Wa2, ba2, Wg1, bg1, Wg2, bg2, Wh1, bh1, lnh_g, lnh_b,
           Wh2, bh2, Wh3, bh3):
    f32 = jnp.float32
    row = lambda v: v.reshape(1, -1).astype(f32)

    xt_p = _pre(x.reshape(NG, PER, IN), W_in, row(b_in), row(ln1_g),
                row(ln1_b), roi_community, basis_kernels)

    pad = EP - E
    src = jnp.concatenate([edge_index[0], jnp.zeros((pad,), jnp.int32)])
    dst = jnp.concatenate([edge_index[1], jnp.full((pad,), DUMMY, jnp.int32)])
    src_r = src + (RP - PER) * (src // PER)
    dst_r = dst + (RP - PER) * (dst // PER)
    ea_r = jnp.concatenate([edge_attr.reshape(-1), jnp.zeros((pad,), f32)])

    accs = _sc_edges(xt_p, src_r, dst_r, ea_r, W_e.reshape(-1).astype(f32),
                     b_e.astype(f32))

    predm = _post(accs,
                  xt_p, row(W_e), row(b_e), row(conv_bias), row(ln2_g),
                  row(ln2_b), Wa1, row(ba1), Wa2, ba2.reshape(1, 1), Wg1,
                  row(bg1), Wg2, bg2.reshape(1, 1), Wh1, row(bh1),
                  row(lnh_g), row(lnh_b), Wh2, row(bh2), Wh3,
                  bh3.reshape(1, 1))
    return predm[:, 0, 0]

# --- scband reference (transcript-rebuilt; emitter-appended) ---
"""Pipeline reference for scband-brain-gnn-81784767250575 (READ-ONLY COPY).

The authoritative reference and input builder live on the scoring server;
editing this copy changes nothing except your own understanding.
"""

import jax, jax.numpy as jnp
import numpy as np

N = 9916
NG = 37
PER = 268
E = 317312
IN = 268
H = 128
C = 7
KP = 214  # int(268 * 0.8) = 214 >= min_nodes


def _ln(x, g, b, eps=1e-5):
    m = x.mean(-1, keepdims=True)
    v = ((x - m) ** 2).mean(-1, keepdims=True)
    return (x - m) / jnp.sqrt(v + eps) * g + b


def setup_inputs(seed: int = 0):
    key = jax.random.key(seed)
    ks = jax.random.split(key, 20)
    p = {}
    p["x"] = jax.random.normal(ks[0], (N, IN), jnp.float32)
    p["edge_index"] = jax.random.randint(ks[1], (2, E), 0, N, jnp.int32)
    p["edge_attr"] = jax.random.uniform(ks[2], (E, 1), jnp.float32)
    p["batch"] = jnp.repeat(jnp.arange(NG, dtype=jnp.int32), PER)

    def nrm(k, shape, s=0.05):
        return jax.random.normal(k, shape, jnp.float32) * s

    p["W_in"] = nrm(ks[3], (IN, H))
    p["b_in"] = jnp.zeros((H,), jnp.float32)
    p["ln1_g"] = jnp.ones((H,), jnp.float32)
    p["ln1_b"] = jnp.zeros((H,), jnp.float32)
    p["basis_kernels"] = nrm(ks[4], (C, H, H))
    p["roi_community"] = nrm(ks[5], (PER, C), 0.5)
    p["W_e"] = nrm(ks[6], (1, H), 0.5)
    p["b_e"] = jnp.zeros((H,), jnp.float32)
    p["conv_bias"] = jnp.zeros((H,), jnp.float32)
    p["ln2_g"] = jnp.ones((H,), jnp.float32)
    p["ln2_b"] = jnp.zeros((H,), jnp.float32)
    p["Wa1"] = nrm(ks[7], (H, H))
    p["ba1"] = jnp.zeros((H,), jnp.float32)
    p["Wa2"] = nrm(ks[8], (H, 1))
    p["ba2"] = jnp.zeros((1,), jnp.float32)
    p["Wg1"] = nrm(ks[9], (H, H))
    p["bg1"] = jnp.zeros((H,), jnp.float32)
    p["Wg2"] = nrm(ks[10], (H, 1))
    p["bg2"] = jnp.zeros((1,), jnp.float32)
    p["Wh1"] = nrm(ks[11], (H, H))
    p["bh1"] = jnp.zeros((H,), jnp.float32)
    p["lnh_g"] = jnp.ones((H,), jnp.float32)
    p["lnh_b"] = jnp.zeros((H,), jnp.float32)
    p["Wh2"] = nrm(ks[12], (H, H // 2))
    p["bh2"] = jnp.zeros((H // 2,), jnp.float32)
    p["Wh3"] = nrm(ks[13], (H // 2, 1))
    p["bh3"] = jnp.zeros((1,), jnp.float32)
    return p


def reference(x, edge_index, edge_attr, batch, W_in, b_in, ln1_g, ln1_b, basis_kernels, roi_community, W_e, b_e, conv_bias, ln2_g, ln2_b, Wa1, ba1, Wa2, ba2, Wg1, bg1, Wg2, bg2, Wh1, bh1, lnh_g, lnh_b, Wh2, bh2, Wh3, bh3):
    # input_proj (dropout=0, eval)
    ea = edge_attr.reshape(-1)  # squeeze(-1)
    h = jax.nn.elu(_ln(x @ W_in + b_in, ln1_g, ln1_b))
    # --- ROIAwareConv ---
    loop = jnp.arange(N, dtype=edge_index.dtype)
    src = jnp.concatenate([edge_index[0], loop])
    dst = jnp.concatenate([edge_index[1], loop])
    ea2 = jnp.concatenate([ea, jnp.ones((N,), jnp.float32)])  # self-loop fill 1.0
    cw = jax.nn.softmax(roi_community, axis=-1)
    rk = jnp.einsum('rc,cio->rio', cw, basis_kernels)  # [R, H, H]
    node_ids = jnp.arange(N) % PER
    nk = rk[node_ids]  # [N, H, H] gather (memory heavy)
    xt = jnp.einsum('ni,nio->no', h, nk)  # bmm
    xj = xt[src]
    ew = jax.nn.sigmoid(ea2[:, None] @ W_e + b_e)  # [E', H]
    msg = xj * ew
    out = jnp.zeros((N, H), jnp.float32).at[dst].add(msg) + conv_bias
    out = _ln(jax.nn.elu(out), ln2_g, ln2_b)
    # --- ROIPool (all graphs have PER nodes, k = KP) ---
    scores = (jnp.tanh(out @ Wa1 + ba1) @ Wa2 + ba2).reshape(-1)
    _, idx = jax.lax.top_k(scores.reshape(NG, PER), KP)
    perm = (jnp.arange(NG)[:, None] * PER + idx).reshape(-1)
    xp = out[perm] * jax.nn.sigmoid(scores[perm])[:, None]
    # --- global attention pooling ---
    gate = jnp.tanh(xp @ Wg1 + bg1) @ Wg2 + bg2
    gate = jax.nn.softmax(gate.reshape(NG, KP, 1), axis=1)
    xg = (xp.reshape(NG, KP, H) * gate).sum(axis=1)
    # --- head ---
    h1 = jax.nn.elu(_ln(xg @ Wh1 + bh1, lnh_g, lnh_b))
    h2 = jax.nn.elu(h1 @ Wh2 + bh2)
    pred = (h2 @ Wh3 + bh3).reshape(-1)
    return pred

if __name__ == "__main__":
    import jax
    _d = setup_inputs()
    print(jax.jit(kernel)(*tuple(_d.values())))

</pallas_src>

<mosaic_0001>
#map = affine_map<(d0, d1) -> (0, 0)>
#map1 = affine_map<(d0, d1) -> (0)>
#map2 = affine_map<(d0, d1) -> (0, 0, 0)>
module attributes {stable_mosaic.version = 14 : i64} {
  func.func @_sc_body(%arg0: i32, %arg1: i32, %arg2: memref<10064x128xf32, #tpu.memory_space<hbm>>, %arg3: memref<317440xi32, #tpu.memory_space<hbm>>, %arg4: memref<317440xi32, #tpu.memory_space<hbm>>, %arg5: memref<317440xf32, #tpu.memory_space<hbm>>, %arg6: memref<128xf32, #tpu.memory_space<hbm>>, %arg7: memref<128xf32, #tpu.memory_space<hbm>>, %arg8: memref<2x10240x128xf32, #tpu.memory_space<hbm>>, %arg9: memref<80xi32, #tpu.memory_space<vmem>>, %arg10: memref<80xi32, #tpu.memory_space<vmem>>, %arg11: memref<80xi32, #tpu.memory_space<vmem>>, %arg12: memref<80xi32, #tpu.memory_space<vmem>>, %arg13: memref<80xf32, #tpu.memory_space<vmem>>, %arg14: memref<80xf32, #tpu.memory_space<vmem>>, %arg15: memref<128xf32, #tpu.memory_space<vmem>>, %arg16: memref<128xf32, #tpu.memory_space<vmem>>, %arg17: memref<80x128xf32, #tpu.memory_space<vmem>>, %arg18: memref<80x128xf32, #tpu.memory_space<vmem>>, %arg19: memref<10240x128xf32, #tpu.memory_space<vmem_shared>>, %arg20: memref<!tpu.dma_semaphore, #tpu.memory_space<semaphore_mem>>, %arg21: memref<!tpu.dma_semaphore, #tpu.memory_space<semaphore_mem>>, %arg22: memref<!tpu.dma_semaphore, #tpu.memory_space<semaphore_mem>>, %arg23: memref<!tpu.dma_semaphore, #tpu.memory_space<semaphore_mem>>) attributes {dimension_semantics = [#tpu.dimension_semantics<core_parallel>, #tpu.dimension_semantics<subcore_parallel>], iteration_bounds = array<i64: 2, 16>, scalar_prefetch = 0 : i64, scratch_operands = 15 : i64, tpu.core_type = #tpu.core_type<sc_vector_subcore>, window_params = [{transform_indices = #map}, {transform_indices = #map1}, {transform_indices = #map1}, {transform_indices = #map1}, {transform_indices = #map1}, {transform_indices = #map1}, {transform_indices = #map2}]} {
    %mul3A = arith.constant 16 : i32
    %mul3A_0 = arith.muli %arg0, %mul3A : i32
    %add3A = arith.addi %mul3A_0, %arg1 : i32
    %mul3A_1 = arith.constant 9920 : i32
    %mul3A_2 = arith.muli %add3A, %mul3A_1 : i32
    "tpu.region"() ({
      %run_scoped3A = tpu.sem_alloc : memref<!tpu.dma_semaphore, #tpu.memory_space<semaphore_mem>>
      tpu.enqueue_dma source(%arg6 : memref<128xf32, #tpu.memory_space<hbm>>) target(%arg15 : memref<128xf32, #tpu.memory_space<vmem>>) target_semaphore(%run_scoped3A : memref<!tpu.dma_semaphore, #tpu.memory_space<semaphore_mem>>)
      tpu.wait_dma2 semaphore(%run_scoped3A : memref<!tpu.dma_semaphore, #tpu.memory_space<semaphore_mem>>) src(%arg6 : memref<128xf32, #tpu.memory_space<hbm>>) dst(%arg15 : memref<128xf32, #tpu.memory_space<vmem>>)
      tpu.yield
    }) : () -> ()
    "tpu.region"() ({
      %run_scoped3A = tpu.sem_alloc : memref<!tpu.dma_semaphore, #tpu.memory_space<semaphore_mem>>
      tpu.enqueue_dma source(%arg7 : memref<128xf32, #tpu.memory_space<hbm>>) target(%arg16 : memref<128xf32, #tpu.memory_space<vmem>>) target_semaphore(%run_scoped3A : memref<!tpu.dma_semaphore, #tpu.memory_space<semaphore_mem>>)
      tpu.wait_dma2 semaphore(%run_scoped3A : memref<!tpu.dma_semaphore, #tpu.memory_space<semaphore_mem>>) src(%arg7 : memref<128xf32, #tpu.memory_space<hbm>>) dst(%arg16 : memref<128xf32, #tpu.memory_space<vmem>>)
      tpu.yield
    }) : () -> ()
    %get3A = arith.constant 0 : index
    %get3A_3 = tpu.vector_load %arg15[%get3A] {strides = array<i32>} : memref<128xf32, #tpu.memory_space<vmem>>, vector<16xf32>,
    %neg3A = arith.constant 0.000000e+00 : f32
    %neg3A_4 = vector.broadcast %neg3A : f32 to vector<16xf32>
    %neg3A_5 = arith.subf %neg3A_4, %get3A_3 : vector<16xf32>
    %get3A_6 = arith.constant 16 : index
    %get3A_7 = tpu.vector_load %arg15[%get3A_6] {strides = array<i32>} : memref<128xf32, #tpu.memory_space<vmem>>, vector<16xf32>,
    %neg3A_8 = arith.constant 0.000000e+00 : f32
    %neg3A_9 = vector.broadcast %neg3A_8 : f32 to vector<16xf32>
    %neg3A_10 = arith.subf %neg3A_9, %get3A_7 : vector<16xf32>
    %get3A_11 = arith.constant 32 : index
    %get3A_12 = tpu.vector_load %arg15[%get3A_11] {strides = array<i32>} : memref<128xf32, #tpu.memory_space<vmem>>, vector<16xf32>,
    %neg3A_13 = arith.constant 0.000000e+00 : f32
    %neg3A_14 = vector.broadcast %neg3A_13 : f32 to vector<16xf32>
    %neg3A_15 = arith.subf %neg3A_14, %get3A_12 : vector<16xf32>
    %get3A_16 = arith.constant 48 : index
    %get3A_17 = tpu.vector_load %arg15[%get3A_16] {strides = array<i32>} : memref<128xf32, #tpu.memory_space<vmem>>, vector<16xf32>,
    %neg3A_18 = arith.constant 0.000000e+00 : f32
    %neg3A_19 = vector.broadcast %neg3A_18 : f32 to vector<16xf32>
    %neg3A_20 = arith.subf %neg3A_19, %get3A_17 : vector<16xf32>
    %get3A_21 = arith.constant 64 : index
    %get3A_22 = tpu.vector_load %arg15[%get3A_21] {strides = array<i32>} : memref<128xf32, #tpu.memory_space<vmem>>, vector<16xf32>,
    %neg3A_23 = arith.constant 0.000000e+00 : f32
    %neg3A_24 = vector.broadcast %neg3A_23 : f32 to vector<16xf32>
    %neg3A_25 = arith.subf %neg3A_24, %get3A_22 : vector<16xf32>
    %get3A_26 = arith.constant 80 : index
    %get3A_27 = tpu.vector_load %arg15[%get3A_26] {strides = array<i32>} : memref<128xf32, #tpu.memory_space<vmem>>, vector<16xf32>,
    %neg3A_28 = arith.constant 0.000000e+00 : f32
    %neg3A_29 = vector.broadcast %neg3A_28 : f32 to vector<16xf32>
    %neg3A_30 = arith.subf %neg3A_29, %get3A_27 : vector<16xf32>
    %get3A_31 = arith.constant 96 : index
    %get3A_32 = tpu.vector_load %arg15[%get3A_31] {strides = array<i32>} : memref<128xf32, #tpu.memory_space<vmem>>, vector<16xf32>,
    %neg3A_33 = arith.constant 0.000000e+00 : f32
    %neg3A_34 = vector.broadcast %neg3A_33 : f32 to vector<16xf32>
    %neg3A_35 = arith.subf %neg3A_34, %get3A_32 : vector<16xf32>
    %get3A_36 = arith.constant 112 : index
    %get3A_37 = tpu.vector_load %arg15[%get3A_36] {strides = array<i32>} : memref<128xf32, #tpu.memory_space<vmem>>, vector<16xf32>,
    %neg3A_38 = arith.constant 0.000000e+00 : f32
    %neg3A_39 = vector.broadcast %neg3A_38 : f32 to vector<16xf32>
    %neg3A_40 = arith.subf %neg3A_39, %get3A_37 : vector<16xf32>
    %get3A_41 = arith.constant 0 : index
    %get3A_42 = tpu.vector_load %arg16[%get3A_41] {strides = array<i32>} : memref<128xf32, #tpu.memory_space<vmem>>, vector<16xf32>,
    %neg3A_43 = arith.constant 0.000000e+00 : f32
    %neg3A_44 = vector.broadcast %neg3A_43 : f32 to vector<16xf32>
    %neg3A_45 = arith.subf %neg3A_44, %get3A_42 : vector<16xf32>
    %get3A_46 = arith.constant 16 : index
    %get3A_47 = tpu.vector_load %arg16[%get3A_46] {strides = array<i32>} : memref<128xf32, #tpu.memory_space<vmem>>, vector<16xf32>,
    %neg3A_48 = arith.constant 0.000000e+00 : f32
    %neg3A_49 = vector.broadcast %neg3A_48 : f32 to vector<16xf32>
    %neg3A_50 = arith.subf %neg3A_49, %get3A_47 : vector<16xf32>
    %get3A_51 = arith.constant 32 : index
    %get3A_52 = tpu.vector_load %arg16[%get3A_51] {strides = array<i32>} : memref<128xf32, #tpu.memory_space<vmem>>, vector<16xf32>,
    %neg3A_53 = arith.constant 0.000000e+00 : f32
    %neg3A_54 = vector.broadcast %neg3A_53 : f32 to vector<16xf32>
    %neg3A_55 = arith.subf %neg3A_54, %get3A_52 : vector<16xf32>
    %get3A_56 = arith.constant 48 : index
    %get3A_57 = tpu.vector_load %arg16[%get3A_56] {strides = array<i32>} : memref<128xf32, #tpu.memory_space<vmem>>, vector<16xf32>,
    %neg3A_58 = arith.constant 0.000000e+00 : f32
    %neg3A_59 = vector.broadcast %neg3A_58 : f32 to vector<16xf32>
    %neg3A_60 = arith.subf %neg3A_59, %get3A_57 : vector<16xf32>
    %get3A_61 = arith.constant 64 : index
    %get3A_62 = tpu.vector_load %arg16[%get3A_61] {strides = array<i32>} : memref<128xf32, #tpu.memory_space<vmem>>, vector<16xf32>,
    %neg3A_63 = arith.constant 0.000000e+00 : f32
    %neg3A_64 = vector.broadcast %neg3A_63 : f32 to vector<16xf32>
    %neg3A_65 = arith.subf %neg3A_64, %get3A_62 : vector<16xf32>
    %get3A_66 = arith.constant 80 : index
    %get3A_67 = tpu.vector_load %arg16[%get3A_66] {strides = array<i32>} : memref<128xf32, #tpu.memory_space<vmem>>, vector<16xf32>,
    %neg3A_68 = arith.constant 0.000000e+00 : f32
    %neg3A_69 = vector.broadcast %neg3A_68 : f32 to vector<16xf32>
    %neg3A_70 = arith.subf %neg3A_69, %get3A_67 : vector<16xf32>
    %get3A_71 = arith.constant 96 : index
    %get3A_72 = tpu.vector_load %arg16[%get3A_71] {strides = array<i32>} : memref<128xf32, #tpu.memory_space<vmem>>, vector<16xf32>,
    %neg3A_73 = arith.constant 0.000000e+00 : f32
    %neg3A_74 = vector.broadcast %neg3A_73 : f32 to vector<16xf32>
    %neg3A_75 = arith.subf %neg3A_74, %get3A_72 : vector<16xf32>
    %get3A_76 = arith.constant 112 : index
    %get3A_77 = tpu.vector_load %arg16[%get3A_76] {strides = array<i32>} : memref<128xf32, #tpu.memory_space<vmem>>, vector<16xf32>,
    %neg3A_78 = arith.constant 0.000000e+00 : f32
    %neg3A_79 = vector.broadcast %neg3A_78 : f32 to vector<16xf32>
    %neg3A_80 = arith.subf %neg3A_79, %get3A_77 : vector<16xf32>
    %broadcast_in_dim3A = arith.constant 0.000000e+00 : f32
    %broadcast_in_dim3A_81 = vector.broadcast %broadcast_in_dim3A : f32 to vector<16xf32>
    %scan3A = arith.constant 0 : i32
    %scan3A_82 = arith.constant 0 : i32
    %scan3A_83 = arith.constant 80 : i32
    %scan3A_84 = arith.addi %scan3A_82, %scan3A_83 : i32
    %scan3A_85 = arith.constant 1 : i32
    %scan3A_86 = scf.for %scan3A_168 = %scan3A_82 to %scan3A_84 step %scan3A_85 iter_args(%scan3A_169 = %scan3A) -> (i32)  : i32 {
      %swap3A = arith.index_cast %scan3A_168 : i32 to index
      %swap3A_170 = arith.constant 0 : index
      %swap3A_171 = tpu.vector_load %arg17[%swap3A, %swap3A_170] {strides = array<i32>} : memref<80x128xf32, #tpu.memory_space<vmem>>, vector<16xf32>,
      tpu.vector_store %arg17[%swap3A, %swap3A_170], %broadcast_in_dim3A_81 {strides = array<i32>} : memref<80x128xf32, #tpu.memory_space<vmem>>, vector<16xf32>,
      %swap3A_172 = arith.index_cast %scan3A_168 : i32 to index
      %swap3A_173 = arith.constant 16 : index
      %swap3A_174 = tpu.vector_load %arg17[%swap3A_172, %swap3A_173] {strides = array<i32>} : memref<80x128xf32, #tpu.memory_space<vmem>>, vector<16xf32>,
      tpu.vector_store %arg17[%swap3A_172, %swap3A_173], %broadcast_in_dim3A_81 {strides = array<i32>} : memref<80x128xf32, #tpu.memory_space<vmem>>, vector<16xf32>,
      %swap3A_175 = arith.index_cast %scan3A_168 : i32 to index
      %swap3A_176 = arith.constant 32 : index
      %swap3A_177 = tpu.vector_load %arg17[%swap3A_175, %swap3A_176] {strides = array<i32>} : memref<80x128xf32, #tpu.memory_space<vmem>>, vector<16xf32>,
      tpu.vector_store %arg17[%swap3A_175, %swap3A_176], %broadcast_in_dim3A_81 {strides = array<i32>} : memref<80x128xf32, #tpu.memory_space<vmem>>, vector<16xf32>,
      %swap3A_178 = arith.index_cast %scan3A_168 : i32 to index
      %swap3A_179 = arith.constant 48 : index
      %swap3A_180 = tpu.vector_load %arg17[%swap3A_178, %swap3A_179] {strides = array<i32>} : memref<80x128xf32, #tpu.memory_space<vmem>>, vector<16xf32>,
      tpu.vector_store %arg17[%swap3A_178, %swap3A_179], %broadcast_in_dim3A_81 {strides = array<i32>} : memref<80x128xf32, #tpu.memory_space<vmem>>, vector<16xf32>,
      %swap3A_181 = arith.index_cast %scan3A_168 : i32 to index
      %swap3A_182 = arith.constant 64 : index
      %swap3A_183 = tpu.vector_load %arg17[%swap3A_181, %swap3A_182] {strides = array<i32>} : memref<80x128xf32, #tpu.memory_space<vmem>>, vector<16xf32>,
      tpu.vector_store %arg17[%swap3A_181, %swap3A_182], %broadcast_in_dim3A_81 {strides = array<i32>} : memref<80x128xf32, #tpu.memory_space<vmem>>, vector<16xf32>,
      %swap3A_184 = arith.index_cast %scan3A_168 : i32 to index
      %swap3A_185 = arith.constant 80 : index
      %swap3A_186 = tpu.vector_load %arg17[%swap3A_184, %swap3A_185] {strides = array<i32>} : memref<80x128xf32, #tpu.memory_space<vmem>>, vector<16xf32>,
      tpu.vector_store %arg17[%swap3A_184, %swap3A_185], %broadcast_in_dim3A_81 {strides = array<i32>} : memref<80x128xf32, #tpu.memory_space<vmem>>, vector<16xf32>,
      %swap3A_187 = arith.index_cast %scan3A_168 : i32 to index
      %swap3A_188 = arith.constant 96 : index
      %swap3A_189 = tpu.vector_load %arg17[%swap3A_187, %swap3A_188] {strides = array<i32>} : memref<80x128xf32, #tpu.memory_space<vmem>>, vector<16xf32>,
      tpu.vector_store %arg17[%swap3A_187, %swap3A_188], %broadcast_in_dim3A_81 {strides = array<i32>} : memref<80x128xf32, #tpu.memory_space<vmem>>, vector<16xf32>,
      %swap3A_190 = arith.index_cast %scan3A_168 : i32 to index
      %swap3A_191 = arith.constant 112 : index
      %swap3A_192 = tpu.vector_load %arg17[%swap3A_190, %swap3A_191] {strides = array<i32>} : memref<80x128xf32, #tpu.memory_space<vmem>>, vector<16xf32>,
      tpu.vector_store %arg17[%swap3A_190, %swap3A_191], %broadcast_in_dim3A_81 {strides = array<i32>} : memref<80x128xf32, #tpu.memory_space<vmem>>, vector<16xf32>,
      %scan3A_193 = arith.constant 0 : i32
      scf.yield %scan3A_193 : i32
    }
    %scan3A_87 = arith.constant 80 : i32
    %mul3A_88 = arith.constant 640 : i32
    %mul3A_89 = arith.muli %arg1, %mul3A_88 : i32
    %add3A_90 = arith.constant 0 : i32
    %add3A_91 = arith.addi %mul3A_89, %add3A_90 : i32
    "tpu.region"() ({
      %run_scoped3A = tpu.sem_alloc : memref<!tpu.dma_semaphore, #tpu.memory_space<semaphore_mem>>
      %dma_start3A_168 = arith.constant 0 : i32
      %dma_start3A_169 = tpu.memref_slice %arg19[%add3A_91, %dma_start3A_168] : memref<10240x128xf32, #tpu.memory_space<vmem_shared>> -> memref<80x128xf32, #tpu.memory_space<vmem_shared>>
      %dma_start3A_170 = arith.constant 0 : i32
      %dma_start3A_171 = tpu.memref_slice %arg19[%add3A_91, %dma_start3A_170] : memref<10240x128xf32, #tpu.memory_space<vmem_shared>> -> memref<80x128xf32, #tpu.memory_space<vmem_shared>>
      tpu.enqueue_dma source(%arg17 : memref<80x128xf32, #tpu.memory_space<vmem>>) target(%dma_start3A_171 : memref<80x128xf32, #tpu.memory_space<vmem_shared>>) target_semaphore(%run_scoped3A : memref<!tpu.dma_semaphore, #tpu.memory_space<semaphore_mem>>)
      %dma_wait3A_172 = arith.constant 0 : i32
      %dma_wait3A_173 = tpu.memref_slice %arg19[%add3A_91, %dma_wait3A_172] : memref<10240x128xf32, #tpu.memory_space<vmem_shared>> -> memref<80x128xf32, #tpu.memory_space<vmem_shared>>
      %dma_wait3A_174 = arith.constant 0 : i32
      %dma_wait3A_175 = tpu.memref_slice %arg19[%add3A_91, %dma_wait3A_174] : memref<10240x128xf32, #tpu.memory_space<vmem_shared>> -> memref<80x128xf32, #tpu.memory_space<vmem_shared>>
      tpu.wait_dma2 semaphore(%run_scoped3A : memref<!tpu.dma_semaphore, #tpu.memory_space<semaphore_mem>>) src(%arg17 : memref<80x128xf32, #tpu.memory_space<vmem>>) dst(%dma_wait3A_175 : memref<80x128xf32, #tpu.memory_space<vmem_shared>>)
      tpu.yield
    }) : () -> ()
    %mul3A_92 = arith.constant 640 : i32
    %mul3A_93 = arith.muli %arg1, %mul3A_92 : i32
    %add3A_94 = arith.constant 80 : i32
    %add3A_95 = arith.addi %mul3A_93, %add3A_94 : i32
    "tpu.region"() ({
      %run_scoped3A = tpu.sem_alloc : memref<!tpu.dma_semaphore, #tpu.memory_space<semaphore_mem>>
      %dma_start3A_168 = arith.constant 0 : i32
      %dma_start3A_169 = tpu.memref_slice %arg19[%add3A_95, %dma_start3A_168] : memref<10240x128xf32, #tpu.memory_space<vmem_shared>> -> memref<80x128xf32, #tpu.memory_space<vmem_shared>>
      %dma_start3A_170 = arith.constant 0 : i32
      %dma_start3A_171 = tpu.memref_slice %arg19[%add3A_95, %dma_start3A_170] : memref<10240x128xf32, #tpu.memory_space<vmem_shared>> -> memref<80x128xf32, #tpu.memory_space<vmem_shared>>
      tpu.enqueue_dma source(%arg17 : memref<80x128xf32, #tpu.memory_space<vmem>>) target(%dma_start3A_171 : memref<80x128xf32, #tpu.memory_space<vmem_shared>>) target_semaphore(%run_scoped3A : memref<!tpu.dma_semaphore, #tpu.memory_space<semaphore_mem>>)
      %dma_wait3A_172 = arith.constant 0 : i32
      %dma_wait3A_173 = tpu.memref_slice %arg19[%add3A_95, %dma_wait3A_172] : memref<10240x128xf32, #tpu.memory_space<vmem_shared>> -> memref<80x128xf32, #tpu.memory_space<vmem_shared>>
      %dma_wait3A_174 = arith.constant 0 : i32
      %dma_wait3A_175 = tpu.memref_slice %arg19[%add3A_95, %dma_wait3A_174] : memref<10240x128xf32, #tpu.memory_space<vmem_shared>> -> memref<80x128xf32, #tpu.memory_space<vmem_shared>>
      tpu.wait_dma2 semaphore(%run_scoped3A : memref<!tpu.dma_semaphore, #tpu.memory_space<semaphore_mem>>) src(%arg17 : memref<80x128xf32, #tpu.memory_space<vmem>>) dst(%dma_wait3A_175 : memref<80x128xf32, #tpu.memory_space<vmem_shared>>)
      tpu.yield
    }) : () -> ()
    %mul3A_96 = arith.constant 640 : i32
    %mul3A_97 = arith.muli %arg1, %mul3A_96 : i32
    %add3A_98 = arith.constant 160 : i32
    %add3A_99 = arith.addi %mul3A_97, %add3A_98 : i32
    "tpu.region"() ({
      %run_scoped3A = tpu.sem_alloc : memref<!tpu.dma_semaphore, #tpu.memory_space<semaphore_mem>>
      %dma_start3A_168 = arith.constant 0 : i32
      %dma_start3A_169 = tpu.memref_slice %arg19[%add3A_99, %dma_start3A_168] : memref<10240x128xf32, #tpu.memory_space<vmem_shared>> -> memref<80x128xf32, #tpu.memory_space<vmem_shared>>
      %dma_start3A_170 = arith.constant 0 : i32
      %dma_start3A_171 = tpu.memref_slice %arg19[%add3A_99, %dma_start3A_170] : memref<10240x128xf32, #tpu.memory_space<vmem_shared>> -> memref<80x128xf32, #tpu.memory_space<vmem_shared>>
      tpu.enqueue_dma source(%arg17 : memref<80x128xf32, #tpu.memory_space<vmem>>) target(%dma_start3A_171 : memref<80x128xf32, #tpu.memory_space<vmem_shared>>) target_semaphore(%run_scoped3A : memref<!tpu.dma_semaphore, #tpu.memory_space<semaphore_mem>>)
      %dma_wait3A_172 = arith.constant 0 : i32
      %dma_wait3A_173 = tpu.memref_slice %arg19[%add3A_99, %dma_wait3A_172] : memref<10240x128xf32, #tpu.memory_space<vmem_shared>> -> memref<80x128xf32, #tpu.memory_space<vmem_shared>>
      %dma_wait3A_174 = arith.constant 0 : i32
      %dma_wait3A_175 = tpu.memref_slice %arg19[%add3A_99, %dma_wait3A_174] : memref<10240x128xf32, #tpu.memory_space<vmem_shared>> -> memref<80x128xf32, #tpu.memory_space<vmem_shared>>
      tpu.wait_dma2 semaphore(%run_scoped3A : memref<!tpu.dma_semaphore, #tpu.memory_space<semaphore_mem>>) src(%arg17 : memref<80x128xf32, #tpu.memory_space<vmem>>) dst(%dma_wait3A_175 : memref<80x128xf32, #tpu.memory_space<vmem_shared>>)
      tpu.yield
    }) : () -> ()
    %mul3A_100 = arith.constant 640 : i32
    %mul3A_101 = arith.muli %arg1, %mul3A_100 : i32
    %add3A_102 = arith.constant 240 : i32
    %add3A_103 = arith.addi %mul3A_101, %add3A_102 : i32
    "tpu.region"() ({
      %run_scoped3A = tpu.sem_alloc : memref<!tpu.dma_semaphore, #tpu.memory_space<semaphore_mem>>
      %dma_start3A_168 = arith.constant 0 : i32
      %dma_start3A_169 = tpu.memref_slice %arg19[%add3A_103, %dma_start3A_168] : memref<10240x128xf32, #tpu.memory_space<vmem_shared>> -> memref<80x128xf32, #tpu.memory_space<vmem_shared>>
      %dma_start3A_170 = arith.constant 0 : i32
      %dma_start3A_171 = tpu.memref_slice %arg19[%add3A_103, %dma_start3A_170] : memref<10240x128xf32, #tpu.memory_space<vmem_shared>> -> memref<80x128xf32, #tpu.memory_space<vmem_shared>>
      tpu.enqueue_dma source(%arg17 : memref<80x128xf32, #tpu.memory_space<vmem>>) target(%dma_start3A_171 : memref<80x128xf32, #tpu.memory_space<vmem_shared>>) target_semaphore(%run_scoped3A : memref<!tpu.dma_semaphore, #tpu.memory_space<semaphore_mem>>)
      %dma_wait3A_172 = arith.constant 0 : i32
      %dma_wait3A_173 = tpu.memref_slice %arg19[%add3A_103, %dma_wait3A_172] : memref<10240x128xf32, #tpu.memory_space<vmem_shared>> -> memref<80x128xf32, #tpu.memory_space<vmem_shared>>
      %dma_wait3A_174 = arith.constant 0 : i32
      %dma_wait3A_175 = tpu.memref_slice %arg19[%add3A_103, %dma_wait3A_174] : memref<10240x128xf32, #tpu.memory_space<vmem_shared>> -> memref<80x128xf32, #tpu.memory_space<vmem_shared>>
      tpu.wait_dma2 semaphore(%run_scoped3A : memref<!tpu.dma_semaphore, #tpu.memory_space<semaphore_mem>>) src(%arg17 : memref<80x128xf32, #tpu.memory_space<vmem>>) dst(%dma_wait3A_175 : memref<80x128xf32, #tpu.memory_space<vmem_shared>>)
      tpu.yield
    }) : () -> ()
    %mul3A_104 = arith.constant 640 : i32
    %mul3A_105 = arith.muli %arg1, %mul3A_104 : i32
    %add3A_106 = arith.constant 320 : i32
    %add3A_107 = arith.addi %mul3A_105, %add3A_106 : i32
    "tpu.region"() ({
      %run_scoped3A = tpu.sem_alloc : memref<!tpu.dma_semaphore, #tpu.memory_space<semaphore_mem>>
      %dma_start3A_168 = arith.constant 0 : i32
      %dma_start3A_169 = tpu.memref_slice %arg19[%add3A_107, %dma_start3A_168] : memref<10240x128xf32, #tpu.memory_space<vmem_shared>> -> memref<80x128xf32, #tpu.memory_space<vmem_shared>>
      %dma_start3A_170 = arith.constant 0 : i32
      %dma_start3A_171 = tpu.memref_slice %arg19[%add3A_107, %dma_start3A_170] : memref<10240x128xf32, #tpu.memory_space<vmem_shared>> -> memref<80x128xf32, #tpu.memory_space<vmem_shared>>
      tpu.enqueue_dma source(%arg17 : memref<80x128xf32, #tpu.memory_space<vmem>>) target(%dma_start3A_171 : memref<80x128xf32, #tpu.memory_space<vmem_shared>>) target_semaphore(%run_scoped3A : memref<!tpu.dma_semaphore, #tpu.memory_space<semaphore_mem>>)
      %dma_wait3A_172 = arith.constant 0 : i32
      %dma_wait3A_173 = tpu.memref_slice %arg19[%add3A_107, %dma_wait3A_172] : memref<10240x128xf32, #tpu.memory_space<vmem_shared>> -> memref<80x128xf32, #tpu.memory_space<vmem_shared>>
      %dma_wait3A_174 = arith.constant 0 : i32
      %dma_wait3A_175 = tpu.memref_slice %arg19[%add3A_107, %dma_wait3A_174] : memref<10240x128xf32, #tpu.memory_space<vmem_shared>> -> memref<80x128xf32, #tpu.memory_space<vmem_shared>>
      tpu.wait_dma2 semaphore(%run_scoped3A : memref<!tpu.dma_semaphore, #tpu.memory_space<semaphore_mem>>) src(%arg17 : memref<80x128xf32, #tpu.memory_space<vmem>>) dst(%dma_wait3A_175 : memref<80x128xf32, #tpu.memory_space<vmem_shared>>)
      tpu.yield
    }) : () -> ()
    %mul3A_108 = arith.constant 640 : i32
    %mul3A_109 = arith.muli %arg1, %mul3A_108 : i32
    %add3A_110 = arith.constant 400 : i32
    %add3A_111 = arith.addi %mul3A_109, %add3A_110 : i32
    "tpu.region"() ({
      %run_scoped3A = tpu.sem_alloc : memref<!tpu.dma_semaphore, #tpu.memory_space<semaphore_mem>>
      %dma_start3A_168 = arith.constant 0 : i32
      %dma_start3A_169 = tpu.memref_slice %arg19[%add3A_111, %dma_start3A_168] : memref<10240x128xf32, #tpu.memory_space<vmem_shared>> -> memref<80x128xf32, #tpu.memory_space<vmem_shared>>
      %dma_start3A_170 = arith.constant 0 : i32
      %dma_start3A_171 = tpu.memref_slice %arg19[%add3A_111, %dma_start3A_170] : memref<10240x128xf32, #tpu.memory_space<vmem_shared>> -> memref<80x128xf32, #tpu.memory_space<vmem_shared>>
      tpu.enqueue_dma source(%arg17 : memref<80x128xf32, #tpu.memory_space<vmem>>) target(%dma_start3A_171 : memref<80x128xf32, #tpu.memory_space<vmem_shared>>) target_semaphore(%run_scoped3A : memref<!tpu.dma_semaphore, #tpu.memory_space<semaphore_mem>>)
      %dma_wait3A_172 = arith.constant 0 : i32
      %dma_wait3A_173 = tpu.memref_slice %arg19[%add3A_111, %dma_wait3A_172] : memref<10240x128xf32, #tpu.memory_space<vmem_shared>> -> memref<80x128xf32, #tpu.memory_space<vmem_shared>>
      %dma_wait3A_174 = arith.constant 0 : i32
      %dma_wait3A_175 = tpu.memref_slice %arg19[%add3A_111, %dma_wait3A_174] : memref<10240x128xf32, #tpu.memory_space<vmem_shared>> -> memref<80x128xf32, #tpu.memory_space<vmem_shared>>
      tpu.wait_dma2 semaphore(%run_scoped3A : memref<!tpu.dma_semaphore, #tpu.memory_space<semaphore_mem>>) src(%arg17 : memref<80x128xf32, #tpu.memory_space<vmem>>) dst(%dma_wait3A_175 : memref<80x128xf32, #tpu.memory_space<vmem_shared>>)
      tpu.yield
    }) : () -> ()
    %mul3A_112 = arith.constant 640 : i32
    %mul3A_113 = arith.muli %arg1, %mul3A_112 : i32
    %add3A_114 = arith.constant 480 : i32
    %add3A_115 = arith.addi %mul3A_113, %add3A_114 : i32
    "tpu.region"() ({
      %run_scoped3A = tpu.sem_alloc : memref<!tpu.dma_semaphore, #tpu.memory_space<semaphore_mem>>
      %dma_start3A_168 = arith.constant 0 : i32
      %dma_start3A_169 = tpu.memref_slice %arg19[%add3A_115, %dma_start3A_168] : memref<10240x128xf32, #tpu.memory_space<vmem_shared>> -> memref<80x128xf32, #tpu.memory_space<vmem_shared>>
      %dma_start3A_170 = arith.constant 0 : i32
      %dma_start3A_171 = tpu.memref_slice %arg19[%add3A_115, %dma_start3A_170] : memref<10240x128xf32, #tpu.memory_space<vmem_shared>> -> memref<80x128xf32, #tpu.memory_space<vmem_shared>>
      tpu.enqueue_dma source(%arg17 : memref<80x128xf32, #tpu.memory_space<vmem>>) target(%dma_start3A_171 : memref<80x128xf32, #tpu.memory_space<vmem_shared>>) target_semaphore(%run_scoped3A : memref<!tpu.dma_semaphore, #tpu.memory_space<semaphore_mem>>)
      %dma_wait3A_172 = arith.constant 0 : i32
      %dma_wait3A_173 = tpu.memref_slice %arg19[%add3A_115, %dma_wait3A_172] : memref<10240x128xf32, #tpu.memory_space<vmem_shared>> -> memref<80x128xf32, #tpu.memory_space<vmem_shared>>
      %dma_wait3A_174 = arith.constant 0 : i32
      %dma_wait3A_175 = tpu.memref_slice %arg19[%add3A_115, %dma_wait3A_174] : memref<10240x128xf32, #tpu.memory_space<vmem_shared>> -> memref<80x128xf32, #tpu.memory_space<vmem_shared>>
      tpu.wait_dma2 semaphore(%run_scoped3A : memref<!tpu.dma_semaphore, #tpu.memory_space<semaphore_mem>>) src(%arg17 : memref<80x128xf32, #tpu.memory_space<vmem>>) dst(%dma_wait3A_175 : memref<80x128xf32, #tpu.memory_space<vmem_shared>>)
      tpu.yield
    }) : () -> ()
    %mul3A_116 = arith.constant 640 : i32
    %mul3A_117 = arith.muli %arg1, %mul3A_116 : i32
    %add3A_118 = arith.constant 560 : i32
    %add3A_119 = arith.addi %mul3A_117, %add3A_118 : i32
    "tpu.region"() ({
      %run_scoped3A = tpu.sem_alloc : memref<!tpu.dma_semaphore, #tpu.memory_space<semaphore_mem>>
      %dma_start3A_168 = arith.constant 0 : i32
      %dma_start3A_169 = tpu.memref_slice %arg19[%add3A_119, %dma_start3A_168] : memref<10240x128xf32, #tpu.memory_space<vmem_shared>> -> memref<80x128xf32, #tpu.memory_space<vmem_shared>>
      %dma_start3A_170 = arith.constant 0 : i32
      %dma_start3A_171 = tpu.memref_slice %arg19[%add3A_119, %dma_start3A_170] : memref<10240x128xf32, #tpu.memory_space<vmem_shared>> -> memref<80x128xf32, #tpu.memory_space<vmem_shared>>
      tpu.enqueue_dma source(%arg17 : memref<80x128xf32, #tpu.memory_space<vmem>>) target(%dma_start3A_171 : memref<80x128xf32, #tpu.memory_space<vmem_shared>>) target_semaphore(%run_scoped3A : memref<!tpu.dma_semaphore, #tpu.memory_space<semaphore_mem>>)
      %dma_wait3A_172 = arith.constant 0 : i32
      %dma_wait3A_173 = tpu.memref_slice %arg19[%add3A_119, %dma_wait3A_172] : memref<10240x128xf32, #tpu.memory_space<vmem_shared>> -> memref<80x128xf32, #tpu.memory_space<vmem_shared>>
      %dma_wait3A_174 = arith.constant 0 : i32
      %dma_wait3A_175 = tpu.memref_slice %arg19[%add3A_119, %dma_wait3A_174] : memref<10240x128xf32, #tpu.memory_space<vmem_shared>> -> memref<80x128xf32, #tpu.memory_space<vmem_shared>>
      tpu.wait_dma2 semaphore(%run_scoped3A : memref<!tpu.dma_semaphore, #tpu.memory_space<semaphore_mem>>) src(%arg17 : memref<80x128xf32, #tpu.memory_space<vmem>>) dst(%dma_wait3A_175 : memref<80x128xf32, #tpu.memory_space<vmem_shared>>)
      tpu.yield
    }) : () -> ()
    %barrier3A = arith.constant 0 : index
    tpu.barrier barrier_id(%barrier3A)
    %add3A_120 = arith.constant 0 : i32
    %add3A_121 = arith.addi %mul3A_2, %add3A_120 : i32
    %dma_start3A = tpu.memref_slice %arg3[%add3A_121] : memref<317440xi32, #tpu.memory_space<hbm>> -> memref<80xi32, #tpu.memory_space<hbm>>
    %dma_start3A_122 = tpu.memref_slice %arg3[%add3A_121] : memref<317440xi32, #tpu.memory_space<hbm>> -> memref<80xi32, #tpu.memory_space<hbm>>
    tpu.enqueue_dma source(%dma_start3A_122 : memref<80xi32, #tpu.memory_space<hbm>>) target(%arg9 : memref<80xi32, #tpu.memory_space<vmem>>) target_semaphore(%arg22 : memref<!tpu.dma_semaphore, #tpu.memory_space<semaphore_mem>>)
    %dma_start3A_123 = tpu.memref_slice %arg4[%add3A_121] : memref<317440xi32, #tpu.memory_space<hbm>> -> memref<80xi32, #tpu.memory_space<hbm>>
    %dma_start3A_124 = tpu.memref_slice %arg4[%add3A_121] : memref<317440xi32, #tpu.memory_space<hbm>> -> memref<80xi32, #tpu.memory_space<hbm>>
    tpu.enqueue_dma source(%dma_start3A_124 : memref<80xi32, #tpu.memory_space<hbm>>) target(%arg11 : memref<80xi32, #tpu.memory_space<vmem>>) target_semaphore(%arg22 : memref<!tpu.dma_semaphore, #tpu.memory_space<semaphore_mem>>)
    %dma_start3A_125 = tpu.memref_slice %arg5[%add3A_121] : memref<317440xf32, #tpu.memory_space<hbm>> -> memref<80xf32, #tpu.memory_space<hbm>>
    %dma_start3A_126 = tpu.memref_slice %arg5[%add3A_121] : memref<317440xf32, #tpu.memory_space<hbm>> -> memref<80xf32, #tpu.memory_space<hbm>>
    tpu.enqueue_dma source(%dma_start3A_126 : memref<80xf32, #tpu.memory_space<hbm>>) target(%arg13 : memref<80xf32, #tpu.memory_space<vmem>>) target_semaphore(%arg22 : memref<!tpu.dma_semaphore, #tpu.memory_space<semaphore_mem>>)
    %add3A_127 = arith.constant 0 : i32
    %add3A_128 = arith.addi %mul3A_2, %add3A_127 : i32
    %dma_wait3A = tpu.memref_slice %arg3[%add3A_128] : memref<317440xi32, #tpu.memory_space<hbm>> -> memref<80xi32, #tpu.memory_space<hbm>>
    %dma_wait3A_129 = tpu.memref_slice %arg3[%add3A_128] : memref<317440xi32, #tpu.memory_space<hbm>> -> memref<80xi32, #tpu.memory_space<hbm>>
    tpu.wait_dma2 semaphore(%arg22 : memref<!tpu.dma_semaphore, #tpu.memory_space<semaphore_mem>>) src(%dma_wait3A_129 : memref<80xi32, #tpu.memory_space<hbm>>) dst(%arg9 : memref<80xi32, #tpu.memory_space<vmem>>)
    %dma_wait3A_130 = tpu.memref_slice %arg4[%add3A_128] : memref<317440xi32, #tpu.memory_space<hbm>> -> memref<80xi32, #tpu.memory_space<hbm>>
    %dma_wait3A_131 = tpu.memref_slice %arg4[%add3A_128] : memref<317440xi32, #tpu.memory_space<hbm>> -> memref<80xi32, #tpu.memory_space<hbm>>
    tpu.wait_dma2 semaphore(%arg22 : memref<!tpu.dma_semaphore, #tpu.memory_space<semaphore_mem>>) src(%dma_wait3A_131 : memref<80xi32, #tpu.memory_space<hbm>>) dst(%arg11 : memref<80xi32, #tpu.memory_space<vmem>>)
    %dma_wait3A_132 = tpu.memref_slice %arg5[%add3A_128] : memref<317440xf32, #tpu.memory_space<hbm>> -> memref<80xf32, #tpu.memory_space<hbm>>
    %dma_wait3A_133 = tpu.memref_slice %arg5[%add3A_128] : memref<317440xf32, #tpu.memory_space<hbm>> -> memref<80xf32, #tpu.memory_space<hbm>>
    tpu.wait_dma2 semaphore(%arg22 : memref<!tpu.dma_semaphore, #tpu.memory_space<semaphore_mem>>) src(%dma_wait3A_133 : memref<80xf32, #tpu.memory_space<hbm>>) dst(%arg13 : memref<80xf32, #tpu.memory_space<vmem>>)
    %add3A_134 = arith.constant 80 : i32
    %add3A_135 = arith.addi %mul3A_2, %add3A_134 : i32
    %dma_start3A_136 = tpu.memref_slice %arg3[%add3A_135] : memref<317440xi32, #tpu.memory_space<hbm>> -> memref<80xi32, #tpu.memory_space<hbm>>
    %dma_start3A_137 = tpu.memref_slice %arg3[%add3A_135] : memref<317440xi32, #tpu.memory_space<hbm>> -> memref<80xi32, #tpu.memory_space<hbm>>
    tpu.enqueue_dma source(%dma_start3A_137 : memref<80xi32, #tpu.memory_space<hbm>>) target(%arg10 : memref<80xi32, #tpu.memory_space<vmem>>) target_semaphore(%arg23 : memref<!tpu.dma_semaphore, #tpu.memory_space<semaphore_mem>>)
    %dma_start3A_138 = tpu.memref_slice %arg4[%add3A_135] : memref<317440xi32, #tpu.memory_space<hbm>> -> memref<80xi32, #tpu.memory_space<hbm>>
    %dma_start3A_139 = tpu.memref_slice %arg4[%add3A_135] : memref<317440xi32, #tpu.memory_space<hbm>> -> memref<80xi32, #tpu.memory_space<hbm>>
    tpu.enqueue_dma source(%dma_start3A_139 : memref<80xi32, #tpu.memory_space<hbm>>) target(%arg12 : memref<80xi32, #tpu.memory_space<vmem>>) target_semaphore(%arg23 : memref<!tpu.dma_semaphore, #tpu.memory_space<semaphore_mem>>)
    %dma_start3A_140 = tpu.memref_slice %arg5[%add3A_135] : memref<317440xf32, #tpu.memory_space<hbm>> -> memref<80xf32, #tpu.memory_space<hbm>>
    %dma_start3A_141 = tpu.memref_slice %arg5[%add3A_135] : memref<317440xf32, #tpu.memory_space<hbm>> -> memref<80xf32, #tpu.memory_space<hbm>>
    tpu.enqueue_dma source(%dma_start3A_141 : memref<80xf32, #tpu.memory_space<hbm>>) target(%arg14 : memref<80xf32, #tpu.memory_space<vmem>>) target_semaphore(%arg23 : memref<!tpu.dma_semaphore, #tpu.memory_space<semaphore_mem>>)
    %add3A_142 = arith.constant 80 : i32
    %add3A_143 = arith.addi %mul3A_2, %add3A_142 : i32
    %dma_wait3A_144 = tpu.memref_slice %arg3[%add3A_143] : memref<317440xi32, #tpu.memory_space<hbm>> -> memref<80xi32, #tpu.memory_space<hbm>>
    %dma_wait3A_145 = tpu.memref_slice %arg3[%add3A_143] : memref<317440xi32, #tpu.memory_space<hbm>> -> memref<80xi32, #tpu.memory_space<hbm>>
    tpu.wait_dma2 semaphore(%arg23 : memref<!tpu.dma_semaphore, #tpu.memory_space<semaphore_mem>>) src(%dma_wait3A_145 : memref<80xi32, #tpu.memory_space<hbm>>) dst(%arg10 : memref<80xi32, #tpu.memory_space<vmem>>)
    %dma_wait3A_146 = tpu.memref_slice %arg4[%add3A_143] : memref<317440xi32, #tpu.memory_space<hbm>> -> memref<80xi32, #tpu.memory_space<hbm>>
    %dma_wait3A_147 = tpu.memref_slice %arg4[%add3A_143] : memref<317440xi32, #tpu.memory_space<hbm>> -> memref<80xi32, #tpu.memory_space<hbm>>
    tpu.wait_dma2 semaphore(%arg23 : memref<!tpu.dma_semaphore, #tpu.memory_space<semaphore_mem>>) src(%dma_wait3A_147 : memref<80xi32, #tpu.memory_space<hbm>>) dst(%arg12 : memref<80xi32, #tpu.memory_space<vmem>>)
    %dma_wait3A_148 = tpu.memref_slice %arg5[%add3A_143] : memref<317440xf32, #tpu.memory_space<hbm>> -> memref<80xf32, #tpu.memory_space<hbm>>
    %dma_wait3A_149 = tpu.memref_slice %arg5[%add3A_143] : memref<317440xf32, #tpu.memory_space<hbm>> -> memref<80xf32, #tpu.memory_space<hbm>>
    tpu.wait_dma2 semaphore(%arg23 : memref<!tpu.dma_semaphore, #tpu.memory_space<semaphore_mem>>) src(%dma_wait3A_149 : memref<80xf32, #tpu.memory_space<hbm>>) dst(%arg14 : memref<80xf32, #tpu.memory_space<vmem>>)
    %dma_start3A_150 = arith.constant 0 : i32
    %dma_start3A_151 = arith.constant 0 : i32
    %dma_start3A_152 = tpu.memref_slice %arg2[%dma_start3A_150, %dma_start3A_151] : memref<10064x128xf32, #tpu.memory_space<hbm>> -> memref<10064x128xf32, #tpu.memory_space<hbm>>
    tpu.enqueue_indirect_dma source(%dma_start3A_152 : memref<10064x128xf32, #tpu.memory_space<hbm>>) target(%arg17 : memref<80x128xf32, #tpu.memory_space<vmem>>) offsets(%arg9 : memref<80xi32, #tpu.memory_space<vmem>>) semaphore(%arg20 : memref<!tpu.dma_semaphore, #tpu.memory_space<semaphore_mem>>)
    %dma_start3A_153 = arith.constant 0 : i32
    %dma_start3A_154 = arith.constant 0 : i32
    %dma_start3A_155 = tpu.memref_slice %arg2[%dma_start3A_153, %dma_start3A_154] : memref<10064x128xf32, #tpu.memory_space<hbm>> -> memref<10064x128xf32, #tpu.memory_space<hbm>>
    tpu.enqueue_indirect_dma source(%dma_start3A_155 : memref<10064x128xf32, #tpu.memory_space<hbm>>) target(%arg18 : memref<80x128xf32, #tpu.memory_space<vmem>>) offsets(%arg10 : memref<80xi32, #tpu.memory_space<vmem>>) semaphore(%arg21 : memref<!tpu.dma_semaphore, #tpu.memory_space<semaphore_mem>>)
    %scan3A_156 = arith.constant 0 : i32
    %scan3A_157 = arith.constant 0 : i32
    %scan3A_158 = arith.constant 62 : i32
    %scan3A_159 = arith.addi %scan3A_157, %scan3A_158 : i32
    %scan3A_160 = arith.constant 1 : i32
    %scan3A_161 = scf.for %scan3A_168 = %scan3A_157 to %scan3A_159 step %scan3A_160 iter_args(%scan3A_169 = %scan3A_156) -> (i32)  : i32 {
      %mul3A_170 = arith.constant 2 : i32
      %mul3A_171 = arith.muli %mul3A_170, %scan3A_168 : i32
      %dma_wait3A_172 = arith.constant 0 : i32
      %dma_wait3A_173 = arith.constant 0 : i32
      %dma_wait3A_174 = tpu.memref_slice %arg2[%dma_wait3A_172, %dma_wait3A_173] : memref<10064x128xf32, #tpu.memory_space<hbm>> -> memref<10064x128xf32, #tpu.memory_space<hbm>>
      tpu.wait_indirect_dma semaphore(%arg20 : memref<!tpu.dma_semaphore, #tpu.memory_space<semaphore_mem>>) src(%dma_wait3A_174 : memref<10064x128xf32, #tpu.memory_space<hbm>>) dst(%arg17 : memref<80x128xf32, #tpu.memory_space<vmem>>)
      %scan3A_175 = arith.constant 0 : i32
      %scan3A_176 = arith.constant 0 : i32
      %scan3A_177 = arith.constant 40 : i32
      %scan3A_178 = arith.addi %scan3A_176, %scan3A_177 : i32
      %scan3A_179 = arith.constant 1 : i32
      %scan3A_180 = scf.for %scan3A_204 = %scan3A_176 to %scan3A_178 step %scan3A_179 iter_args(%scan3A_205 = %scan3A_175) -> (i32)  : i32 {
        %mul3A_206 = arith.constant 2 : i32
        %mul3A_207 = arith.muli %mul3A_206, %scan3A_204 : i32
        %add3A_208 = arith.constant 0 : i32
        %add3A_209 = arith.addi %mul3A_207, %add3A_208 : i32
        %broadcast_in_dim3A_210 = vector.broadcast %add3A_209 : i32 to vector<16xi32>
        %gather3A = tpu.vector_load_idx %arg13[%broadcast_in_dim3A_210] : memref<80xf32, #tpu.memory_space<vmem>>[vector<16xi32>], vector<16xf32>,
        %mul3A_211 = arith.mulf %gather3A, %neg3A_5 : vector<16xf32>
        %add3A_212 = arith.addf %mul3A_211, %neg3A_45 : vector<16xf32>
        %exp3A = math.exp %add3A_212 : vector<16xf32>
        %add3A_213 = arith.constant 1.000000e+00 : f32
        %add3A_214 = vector.broadcast %add3A_213 : f32 to vector<16xf32>
        %add3A_215 = arith.addf %add3A_214, %exp3A : vector<16xf32>
        %div3A = arith.constant 1.000000e+00 : f32
        %div3A_216 = vector.broadcast %div3A : f32 to vector<16xf32>
        %div3A_217 = arith.divf %div3A_216, %add3A_215 : vector<16xf32>
        %get3A_218 = arith.index_cast %add3A_209 : i32 to index
        %get3A_219 = arith.constant 0 : index
        %get3A_220 = tpu.vector_load %arg17[%get3A_218, %get3A_219] {strides = array<i32>} : memref<80x128xf32, #tpu.memory_space<vmem>>, vector<16xf32>,
        %mul3A_221 = arith.mulf %get3A_220, %div3A_217 : vector<16xf32>
        %swap3A = arith.index_cast %add3A_209 : i32 to index
        %swap3A_222 = arith.constant 0 : index
        %swap3A_223 = tpu.vector_load %arg17[%swap3A, %swap3A_222] {strides = array<i32>} : memref<80x128xf32, #tpu.memory_space<vmem>>, vector<16xf32>,
        tpu.vector_store %arg17[%swap3A, %swap3A_222], %mul3A_221 {strides = array<i32>} : memref<80x128xf32, #tpu.memory_space<vmem>>, vector<16xf32>,
        %mul3A_224 = arith.mulf %gather3A, %neg3A_10 : vector<16xf32>
        %add3A_225 = arith.addf %mul3A_224, %neg3A_50 : vector<16xf32>
        %exp3A_226 = math.exp %add3A_225 : vector<16xf32>
        %add3A_227 = arith.constant 1.000000e+00 : f32
        %add3A_228 = vector.broadcast %add3A_227 : f32 to vector<16xf32>
        %add3A_229 = arith.addf %add3A_228, %exp3A_226 : vector<16xf32>
        %div3A_230 = arith.constant 1.000000e+00 : f32
        %div3A_231 = vector.broadcast %div3A_230 : f32 to vector<16xf32>
        %div3A_232 = arith.divf %div3A_231, %add3A_229 : vector<16xf32>
        %get3A_233 = arith.index_cast %add3A_209 : i32 to index
        %get3A_234 = arith.constant 16 : index
        %get3A_235 = tpu.vector_load %arg17[%get3A_233, %get3A_234] {strides = array<i32>} : memref<80x128xf32, #tpu.memory_space<vmem>>, vector<16xf32>,
        %mul3A_236 = arith.mulf %get3A_235, %div3A_232 : vector<16xf32>
        %swap3A_237 = arith.index_cast %add3A_209 : i32 to index
        %swap3A_238 = arith.constant 16 : index
        %swap3A_239 = tpu.vector_load %arg17[%swap3A_237, %swap3A_238] {strides = array<i32>} : memref<80x128xf32, #tpu.memory_space<vmem>>, vector<16xf32>,
        tpu.vector_store %arg17[%swap3A_237, %swap3A_238], %mul3A_236 {strides = array<i32>} : memref<80x128xf32, #tpu.memory_space<vmem>>, vector<16xf32>,
        %mul3A_240 = arith.mulf %gather3A, %neg3A_15 : vector<16xf32>
        %add3A_241 = arith.addf %mul3A_240, %neg3A_55 : vector<16xf32>
        %exp3A_242 = math.exp %add3A_241 : vector<16xf32>
        %add3A_243 = arith.constant 1.000000e+00 : f32
        %add3A_244 = vector.broadcast %add3A_243 : f32 to vector<16xf32>
        %add3A_245 = arith.addf %add3A_244, %exp3A_242 : vector<16xf32>
        %div3A_246 = arith.constant 1.000000e+00 : f32
        %div3A_247 = vector.broadcast %div3A_246 : f32 to vector<16xf32>
        %div3A_248 = arith.divf %div3A_247, %add3A_245 : vector<16xf32>
        %get3A_249 = arith.index_cast %add3A_209 : i32 to index
        %get3A_250 = arith.constant 32 : index
        %get3A_251 = tpu.vector_load %arg17[%get3A_249, %get3A_250] {strides = array<i32>} : memref<80x128xf32, #tpu.memory_space<vmem>>, vector<16xf32>,
        %mul3A_252 = arith.mulf %get3A_251, %div3A_248 : vector<16xf32>
        %swap3A_253 = arith.index_cast %add3A_209 : i32 to index
        %swap3A_254 = arith.constant 32 : index
        %swap3A_255 = tpu.vector_load %arg17[%swap3A_253, %swap3A_254] {strides = array<i32>} : memref<80x128xf32, #tpu.memory_space<vmem>>, vector<16xf32>,
        tpu.vector_store %arg17[%swap3A_253, %swap3A_254], %mul3A_252 {strides = array<i32>} : memref<80x128xf32, #tpu.memory_space<vmem>>, vector<16xf32>,
        %mul3A_256 = arith.mulf %gather3A, %neg3A_20 : vector<16xf32>
        %add3A_257 = arith.addf %mul3A_256, %neg3A_60 : vector<16xf32>
        %exp3A_258 = math.exp %add3A_257 : vector<16xf32>
        %add3A_259 = arith.constant 1.000000e+00 : f32
        %add3A_260 = vector.broadcast %add3A_259 : f32 to vector<16xf32>
        %add3A_261 = arith.addf %add3A_260, %exp3A_258 : vector<16xf32>
        %div3A_262 = arith.constant 1.000000e+00 : f32
        %div3A_263 = vector.broadcast %div3A_262 : f32 to vector<16xf32>
        %div3A_264 = arith.divf %div3A_263, %add3A_261 : vector<16xf32>
        %get3A_265 = arith.index_cast %add3A_209 : i32 to index
        %get3A_266 = arith.constant 48 : index
        %get3A_267 = tpu.vector_load %arg17[%get3A_265, %get3A_266] {strides = array<i32>} : memref<80x128xf32, #tpu.memory_space<vmem>>, vector<16xf32>,
        %mul3A_268 = arith.mulf %get3A_267, %div3A_264 : vector<16xf32>
        %swap3A_269 = arith.index_cast %add3A_209 : i32 to index
        %swap3A_270 = arith.constant 48 : index
        %swap3A_271 = tpu.vector_load %arg17[%swap3A_269, %swap3A_270] {strides = array<i32>} : memref<80x128xf32, #tpu.memory_space<vmem>>, vector<16xf32>,
        tpu.vector_store %arg17[%swap3A_269, %swap3A_270], %mul3A_268 {strides = array<i32>} : memref<80x128xf32, #tpu.memory_space<vmem>>, vector<16xf32>,
        %mul3A_272 = arith.mulf %gather3A, %neg3A_25 : vector<16xf32>
        %add3A_273 = arith.addf %mul3A_272, %neg3A_65 : vector<16xf32>
        %exp3A_274 = math.exp %add3A_273 : vector<16xf32>
        %add3A_275 = arith.constant 1.000000e+00 : f32
        %add3A_276 = vector.broadcast %add3A_275 : f32 to vector<16xf32>
        %add3A_277 = arith.addf %add3A_276, %exp3A_274 : vector<16xf32>
        %div3A_278 = arith.constant 1.000000e+00 : f32
        %div3A_279 = vector.broadcast %div3A_278 : f32 to vector<16xf32>
        %div3A_280 = arith.divf %div3A_279, %add3A_277 : vector<16xf32>
        %get3A_281 = arith.index_cast %add3A_209 : i32 to index
        %get3A_282 = arith.constant 64 : index
        %get3A_283 = tpu.vector_load %arg17[%get3A_281, %get3A_282] {strides = array<i32>} : memref<80x128xf32, #tpu.memory_space<vmem>>, vector<16xf32>,
        %mul3A_284 = arith.mulf %get3A_283, %div3A_280 : vector<16xf32>
        %swap3A_285 = arith.index_cast %add3A_209 : i32 to index
        %swap3A_286 = arith.constant 64 : index
        %swap3A_287 = tpu.vector_load %arg17[%swap3A_285, %swap3A_286] {strides = array<i32>} : memref<80x128xf32, #tpu.memory_space<vmem>>, vector<16xf32>,
        tpu.vector_store %arg17[%swap3A_285, %swap3A_286], %mul3A_284 {strides = array<i32>} : memref<80x128xf32, #tpu.memory_space<vmem>>, vector<16xf32>,
        %mul3A_288 = arith.mulf %gather3A, %neg3A_30 : vector<16xf32>
        %add3A_289 = arith.addf %mul3A_288, %neg3A_70 : vector<16xf32>
        %exp3A_290 = math.exp %add3A_289 : vector<16xf32>
        %add3A_291 = arith.constant 1.000000e+00 : f32
        %add3A_292 = vector.broadcast %add3A_291 : f32 to vector<16xf32>
        %add3A_293 = arith.addf %add3A_292, %exp3A_290 : vector<16xf32>
        %div3A_294 = arith.constant 1.000000e+00 : f32
        %div3A_295 = vector.broadcast %div3A_294 : f32 to vector<16xf32>
        %div3A_296 = arith.divf %div3A_295, %add3A_293 : vector<16xf32>
        %get3A_297 = arith.index_cast %add3A_209 : i32 to index
        %get3A_298 = arith.constant 80 : index
        %get3A_299 = tpu.vector_load %arg17[%get3A_297, %get3A_298] {strides = array<i32>} : memref<80x128xf32, #tpu.memory_space<vmem>>, vector<16xf32>,
        %mul3A_300 = arith.mulf %get3A_299, %div3A_296 : vector<16xf32>
        %swap3A_301 = arith.index_cast %add3A_209 : i32 to index
        %swap3A_302 = arith.constant 80 : index
        %swap3A_303 = tpu.vector_load %arg17[%swap3A_301, %swap3A_302] {strides = array<i32>} : memref<80x128xf32, #tpu.memory_space<vmem>>, vector<16xf32>,
        tpu.vector_store %arg17[%swap3A_301, %swap3A_302], %mul3A_300 {strides = array<i32>} : memref<80x128xf32, #tpu.memory_space<vmem>>, vector<16xf32>,
        %mul3A_304 = arith.mulf %gather3A, %neg3A_35 : vector<16xf32>
        %add3A_305 = arith.addf %mul3A_304, %neg3A_75 : vector<16xf32>
        %exp3A_306 = math.exp %add3A_305 : vector<16xf32>
        %add3A_307 = arith.constant 1.000000e+00 : f32
        %add3A_308 = vector.broadcast %add3A_307 : f32 to vector<16xf32>
        %add3A_309 = arith.addf %add3A_308, %exp3A_306 : vector<16xf32>
        %div3A_310 = arith.constant 1.000000e+00 : f32
        %div3A_311 = vector.broadcast %div3A_310 : f32 to vector<16xf32>
        %div3A_312 = arith.divf %div3A_311, %add3A_309 : vector<16xf32>
        %get3A_313 = arith.index_cast %add3A_209 : i32 to index
        %get3A_314 = arith.constant 96 : index
        %get3A_315 = tpu.vector_load %arg17[%get3A_313, %get3A_314] {strides = array<i32>} : memref<80x128xf32, #tpu.memory_space<vmem>>, vector<16xf32>,
        %mul3A_316 = arith.mulf %get3A_315, %div3A_312 : vector<16xf32>
        %swap3A_317 = arith.index_cast %add3A_209 : i32 to index
        %swap3A_318 = arith.constant 96 : index
        %swap3A_319 = tpu.vector_load %arg17[%swap3A_317, %swap3A_318] {strides = array<i32>} : memref<80x128xf32, #tpu.memory_space<vmem>>, vector<16xf32>,
        tpu.vector_store %arg17[%swap3A_317, %swap3A_318], %mul3A_316 {strides = array<i32>} : memref<80x128xf32, #tpu.memory_space<vmem>>, vector<16xf32>,
        %mul3A_320 = arith.mulf %gather3A, %neg3A_40 : vector<16xf32>
        %add3A_321 = arith.addf %mul3A_320, %neg3A_80 : vector<16xf32>
        %exp3A_322 = math.exp %add3A_321 : vector<16xf32>
        %add3A_323 = arith.constant 1.000000e+00 : f32
        %add3A_324 = vector.broadcast %add3A_323 : f32 to vector<16xf32>
        %add3A_325 = arith.addf %add3A_324, %exp3A_322 : vector<16xf32>
        %div3A_326 = arith.constant 1.000000e+00 : f32
        %div3A_327 = vector.broadcast %div3A_326 : f32 to vector<16xf32>
        %div3A_328 = arith.divf %div3A_327, %add3A_325 : vector<16xf32>
        %get3A_329 = arith.index_cast %add3A_209 : i32 to index
        %get3A_330 = arith.constant 112 : index
        %get3A_331 = tpu.vector_load %arg17[%get3A_329, %get3A_330] {strides = array<i32>} : memref<80x128xf32, #tpu.memory_space<vmem>>, vector<16xf32>,
        %mul3A_332 = arith.mulf %get3A_331, %div3A_328 : vector<16xf32>
        %swap3A_333 = arith.index_cast %add3A_209 : i32 to index
        %swap3A_334 = arith.constant 112 : index
        %swap3A_335 = tpu.vector_load %arg17[%swap3A_333, %swap3A_334] {strides = array<i32>} : memref<80x128xf32, #tpu.memory_space<vmem>>, vector<16xf32>,
        tpu.vector_store %arg17[%swap3A_333, %swap3A_334], %mul3A_332 {strides = array<i32>} : memref<80x128xf32, #tpu.memory_space<vmem>>, vector<16xf32>,
        %mul3A_336 = arith.constant 2 : i32
        %mul3A_337 = arith.muli %mul3A_336, %scan3A_204 : i32
        %add3A_338 = arith.constant 1 : i32
        %add3A_339 = arith.addi %mul3A_337, %add3A_338 : i32
        %broadcast_in_dim3A_340 = vector.broadcast %add3A_339 : i32 to vector<16xi32>
        %gather3A_341 = tpu.vector_load_idx %arg13[%broadcast_in_dim3A_340] : memref<80xf32, #tpu.memory_space<vmem>>[vector<16xi32>], vector<16xf32>,
        %mul3A_342 = arith.mulf %gather3A_341, %neg3A_5 : vector<16xf32>
        %add3A_343 = arith.addf %mul3A_342, %neg3A_45 : vector<16xf32>
        %exp3A_344 = math.exp %add3A_343 : vector<16xf32>
        %add3A_345 = arith.constant 1.000000e+00 : f32
        %add3A_346 = vector.broadcast %add3A_345 : f32 to vector<16xf32>
        %add3A_347 = arith.addf %add3A_346, %exp3A_344 : vector<16xf32>
        %div3A_348 = arith.constant 1.000000e+00 : f32
        %div3A_349 = vector.broadcast %div3A_348 : f32 to vector<16xf32>
        %div3A_350 = arith.divf %div3A_349, %add3A_347 : vector<16xf32>
        %get3A_351 = arith.index_cast %add3A_339 : i32 to index
        %get3A_352 = arith.constant 0 : index
        %get3A_353 = tpu.vector_load %arg17[%get3A_351, %get3A_352] {strides = array<i32>} : memref<80x128xf32, #tpu.memory_space<vmem>>, vector<16xf32>,
        %mul3A_354 = arith.mulf %get3A_353, %div3A_350 : vector<16xf32>
        %swap3A_355 = arith.index_cast %add3A_339 : i32 to index
        %swap3A_356 = arith.constant 0 : index
        %swap3A_357 = tpu.vector_load %arg17[%swap3A_355, %swap3A_356] {strides = array<i32>} : memref<80x128xf32, #tpu.memory_space<vmem>>, vector<16xf32>,
        tpu.vector_store %arg17[%swap3A_355, %swap3A_356], %mul3A_354 {strides = array<i32>} : memref<80x128xf32, #tpu.memory_space<vmem>>, vector<16xf32>,
        %mul3A_358 = arith.mulf %gather3A_341, %neg3A_10 : vector<16xf32>
        %add3A_359 = arith.addf %mul3A_358, %neg3A_50 : vector<16xf32>
        %exp3A_360 = math.exp %add3A_359 : vector<16xf32>
        %add3A_361 = arith.constant 1.000000e+00 : f32
        %add3A_362 = vector.broadcast %add3A_361 : f32 to vector<16xf32>
        %add3A_363 = arith.addf %add3A_362, %exp3A_360 : vector<16xf32>
        %div3A_364 = arith.constant 1.000000e+00 : f32
        %div3A_365 = vector.broadcast %div3A_364 : f32 to vector<16xf32>
        %div3A_366 = arith.divf %div3A_365, %add3A_363 : vector<16xf32>
        %get3A_367 = arith.index_cast %add3A_339 : i32 to index
        %get3A_368 = arith.constant 16 : index
        %get3A_369 = tpu.vector_load %arg17[%get3A_367, %get3A_368] {strides = array<i32>} : memref<80x128xf32, #tpu.memory_space<vmem>>, vector<16xf32>,
        %mul3A_370 = arith.mulf %get3A_369, %div3A_366 : vector<16xf32>
        %swap3A_371 = arith.index_cast %add3A_339 : i32 to index
        %swap3A_372 = arith.constant 16 : index
        %swap3A_373 = tpu.vector_load %arg17[%swap3A_371, %swap3A_372] {strides = array<i32>} : memref<80x128xf32, #tpu.memory_space<vmem>>, vector<16xf32>,
        tpu.vector_store %arg17[%swap3A_371, %swap3A_372], %mul3A_370 {strides = array<i32>} : memref<80x128xf32, #tpu.memory_space<vmem>>, vector<16xf32>,
        %mul3A_374 = arith.mulf %gather3A_341, %neg3A_15 : vector<16xf32>
        %add3A_375 = arith.addf %mul3A_374, %neg3A_55 : vector<16xf32>
        %exp3A_376 = math.exp %add3A_375 : vector<16xf32>
        %add3A_377 = arith.constant 1.000000e+00 : f32
        %add3A_378 = vector.broadcast %add3A_377 : f32 to vector<16xf32>
        %add3A_379 = arith.addf %add3A_378, %exp3A_376 : vector<16xf32>
        %div3A_380 = arith.constant 1.000000e+00 : f32
        %div3A_381 = vector.broadcast %div3A_380 : f32 to vector<16xf32>
        %div3A_382 = arith.divf %div3A_381, %add3A_379 : vector<16xf32>
        %get3A_383 = arith.index_cast %add3A_339 : i32 to index
        %get3A_384 = arith.constant 32 : index
        %get3A_385 = tpu.vector_load %arg17[%get3A_383, %get3A_384] {strides = array<i32>} : memref<80x128xf32, #tpu.memory_space<vmem>>, vector<16xf32>,
        %mul3A_386 = arith.mulf %get3A_385, %div3A_382 : vector<16xf32>
        %swap3A_387 = arith.index_cast %add3A_339 : i32 to index
        %swap3A_388 = arith.constant 32 : index
        %swap3A_389 = tpu.vector_load %arg17[%swap3A_387, %swap3A_388] {strides = array<i32>} : memref<80x128xf32, #tpu.memory_space<vmem>>, vector<16xf32>,
        tpu.vector_store %arg17[%swap3A_387, %swap3A_388], %mul3A_386 {strides = array<i32>} : memref<80x128xf32, #tpu.memory_space<vmem>>, vector<16xf32>,
        %mul3A_390 = arith.mulf %gather3A_341, %neg3A_20 : vector<16xf32>
        %add3A_391 = arith.addf %mul3A_390, %neg3A_60 : vector<16xf32>
        %exp3A_392 = math.exp %add3A_391 : vector<16xf32>
        %add3A_393 = arith.constant 1.000000e+00 : f32
        %add3A_394 = vector.broadcast %add3A_393 : f32 to vector<16xf32>
        %add3A_395 = arith.addf %add3A_394, %exp3A_392 : vector<16xf32>
        %div3A_396 = arith.constant 1.000000e+00 : f32
        %div3A_397 = vector.broadcast %div3A_396 : f32 to vector<16xf32>
        %div3A_398 = arith.divf %div3A_397, %add3A_395 : vector<16xf32>
        %get3A_399 = arith.index_cast %add3A_339 : i32 to index
        %get3A_400 = arith.constant 48 : index
        %get3A_401 = tpu.vector_load %arg17[%get3A_399, %get3A_400] {strides = array<i32>} : memref<80x128xf32, #tpu.memory_space<vmem>>, vector<16xf32>,
        %mul3A_402 = arith.mulf %get3A_401, %div3A_398 : vector<16xf32>
        %swap3A_403 = arith.index_cast %add3A_339 : i32 to index
        %swap3A_404 = arith.constant 48 : index
        %swap3A_405 = tpu.vector_load %arg17[%swap3A_403, %swap3A_404] {strides = array<i32>} : memref<80x128xf32, #tpu.memory_space<vmem>>, vector<16xf32>,
        tpu.vector_store %arg17[%swap3A_403, %swap3A_404], %mul3A_402 {strides = array<i32>} : memref<80x128xf32, #tpu.memory_space<vmem>>, vector<16xf32>,
        %mul3A_406 = arith.mulf %gather3A_341, %neg3A_25 : vector<16xf32>
        %add3A_407 = arith.addf %mul3A_406, %neg3A_65 : vector<16xf32>
        %exp3A_408 = math.exp %add3A_407 : vector<16xf32>
        %add3A_409 = arith.constant 1.000000e+00 : f32
        %add3A_410 = vector.broadcast %add3A_409 : f32 to vector<16xf32>
        %add3A_411 = arith.addf %add3A_410, %exp3A_408 : vector<16xf32>
        %div3A_412 = arith.constant 1.000000e+00 : f32
        %div3A_413 = vector.broadcast %div3A_412 : f32 to vector<16xf32>
        %div3A_414 = arith.divf %div3A_413, %add3A_411 : vector<16xf32>
        %get3A_415 = arith.index_cast %add3A_339 : i32 to index
        %get3A_416 = arith.constant 64 : index
        %get3A_417 = tpu.vector_load %arg17[%get3A_415, %get3A_416] {strides = array<i32>} : memref<80x128xf32, #tpu.memory_space<vmem>>, vector<16xf32>,
        %mul3A_418 = arith.mulf %get3A_417, %div3A_414 : vector<16xf32>
        %swap3A_419 = arith.index_cast %add3A_339 : i32 to index
        %swap3A_420 = arith.constant 64 : index
        %swap3A_421 = tpu.vector_load %arg17[%swap3A_419, %swap3A_420] {strides = array<i32>} : memref<80x128xf32, #tpu.memory_space<vmem>>, vector<16xf32>,
        tpu.vector_store %arg17[%swap3A_419, %swap3A_420], %mul3A_418 {strides = array<i32>} : memref<80x128xf32, #tpu.memory_space<vmem>>, vector<16xf32>,
        %mul3A_422 = arith.mulf %gather3A_341, %neg3A_30 : vector<16xf32>
        %add3A_423 = arith.addf %mul3A_422, %neg3A_70 : vector<16xf32>
        %exp3A_424 = math.exp %add3A_423 : vector<16xf32>
        %add3A_425 = arith.constant 1.000000e+00 : f32
        %add3A_426 = vector.broadcast %add3A_425 : f32 to vector<16xf32>
        %add3A_427 = arith.addf %add3A_426, %exp3A_424 : vector<16xf32>
        %div3A_428 = arith.constant 1.000000e+00 : f32
        %div3A_429 = vector.broadcast %div3A_428 : f32 to vector<16xf32>
        %div3A_430 = arith.divf %div3A_429, %add3A_427 : vector<16xf32>
        %get3A_431 = arith.index_cast %add3A_339 : i32 to index
        %get3A_432 = arith.constant 80 : index
        %get3A_433 = tpu.vector_load %arg17[%get3A_431, %get3A_432] {strides = array<i32>} : memref<80x128xf32, #tpu.memory_space<vmem>>, vector<16xf32>,
        %mul3A_434 = arith.mulf %get3A_433, %div3A_430 : vector<16xf32>
        %swap3A_435 = arith.index_cast %add3A_339 : i32 to index
        %swap3A_436 = arith.constant 80 : index
        %swap3A_437 = tpu.vector_load %arg17[%swap3A_435, %swap3A_436] {strides = array<i32>} : memref<80x128xf32, #tpu.memory_space<vmem>>, vector<16xf32>,
        tpu.vector_store %arg17[%swap3A_435, %swap3A_436], %mul3A_434 {strides = array<i32>} : memref<80x128xf32, #tpu.memory_space<vmem>>, vector<16xf32>,
        %mul3A_438 = arith.mulf %gather3A_341, %neg3A_35 : vector<16xf32>
        %add3A_439 = arith.addf %mul3A_438, %neg3A_75 : vector<16xf32>
        %exp3A_440 = math.exp %add3A_439 : vector<16xf32>
        %add3A_441 = arith.constant 1.000000e+00 : f32
        %add3A_442 = vector.broadcast %add3A_441 : f32 to vector<16xf32>
        %add3A_443 = arith.addf %add3A_442, %exp3A_440 : vector<16xf32>
        %div3A_444 = arith.constant 1.000000e+00 : f32
        %div3A_445 = vector.broadcast %div3A_444 : f32 to vector<16xf32>
        %div3A_446 = arith.divf %div3A_445, %add3A_443 : vector<16xf32>
        %get3A_447 = arith.index_cast %add3A_339 : i32 to index
        %get3A_448 = arith.constant 96 : index
        %get3A_449 = tpu.vector_load %arg17[%get3A_447, %get3A_448] {strides = array<i32>} : memref<80x128xf32, #tpu.memory_space<vmem>>, vector<16xf32>,
        %mul3A_450 = arith.mulf %get3A_449, %div3A_446 : vector<16xf32>
        %swap3A_451 = arith.index_cast %add3A_339 : i32 to index
        %swap3A_452 = arith.constant 96 : index
        %swap3A_453 = tpu.vector_load %arg17[%swap3A_451, %swap3A_452] {strides = array<i32>} : memref<80x128xf32, #tpu.memory_space<vmem>>, vector<16xf32>,
        tpu.vector_store %arg17[%swap3A_451, %swap3A_452], %mul3A_450 {strides = array<i32>} : memref<80x128xf32, #tpu.memory_space<vmem>>, vector<16xf32>,
        %mul3A_454 = arith.mulf %gather3A_341, %neg3A_40 : vector<16xf32>
        %add3A_455 = arith.addf %mul3A_454, %neg3A_80 : vector<16xf32>
        %exp3A_456 = math.exp %add3A_455 : vector<16xf32>
        %add3A_457 = arith.constant 1.000000e+00 : f32
        %add3A_458 = vector.broadcast %add3A_457 : f32 to vector<16xf32>
        %add3A_459 = arith.addf %add3A_458, %exp3A_456 : vector<16xf32>
        %div3A_460 = arith.constant 1.000000e+00 : f32
        %div3A_461 = vector.broadcast %div3A_460 : f32 to vector<16xf32>
        %div3A_462 = arith.divf %div3A_461, %add3A_459 : vector<16xf32>
        %get3A_463 = arith.index_cast %add3A_339 : i32 to index
        %get3A_464 = arith.constant 112 : index
        %get3A_465 = tpu.vector_load %arg17[%get3A_463, %get3A_464] {strides = array<i32>} : memref<80x128xf32, #tpu.memory_space<vmem>>, vector<16xf32>,
        %mul3A_466 = arith.mulf %get3A_465, %div3A_462 : vector<16xf32>
        %swap3A_467 = arith.index_cast %add3A_339 : i32 to index
        %swap3A_468 = arith.constant 112 : index
        %swap3A_469 = tpu.vector_load %arg17[%swap3A_467, %swap3A_468] {strides = array<i32>} : memref<80x128xf32, #tpu.memory_space<vmem>>, vector<16xf32>,
        tpu.vector_store %arg17[%swap3A_467, %swap3A_468], %mul3A_466 {strides = array<i32>} : memref<80x128xf32, #tpu.memory_space<vmem>>, vector<16xf32>,
        %scan3A_470 = arith.constant 0 : i32
        scf.yield %scan3A_470 : i32
      }
      %scan3A_181 = arith.constant 40 : i32
      "tpu.region"() ({
        %run_scoped3A = tpu.sem_alloc : memref<!tpu.dma_semaphore, #tpu.memory_space<semaphore_mem>>
        %dma_start3A_204 = arith.constant 0 : i32
        %dma_start3A_205 = arith.constant 0 : i32
        %dma_start3A_206 = tpu.memref_slice %arg19[%dma_start3A_204, %dma_start3A_205] : memref<10240x128xf32, #tpu.memory_space<vmem_shared>> -> memref<10240x128xf32, #tpu.memory_space<vmem_shared>>
        tpu.enqueue_indirect_dma source(%arg17 : memref<80x128xf32, #tpu.memory_space<vmem>>) target(%dma_start3A_206 : memref<10240x128xf32, #tpu.memory_space<vmem_shared>>) offsets(%arg11 : memref<80xi32, #tpu.memory_space<vmem>>) semaphore(%run_scoped3A : memref<!tpu.dma_semaphore, #tpu.memory_space<semaphore_mem>>) {add = true}
        %dma_wait3A_207 = arith.constant 0 : i32
        %dma_wait3A_208 = arith.constant 0 : i32
        %dma_wait3A_209 = tpu.memref_slice %arg19[%dma_wait3A_207, %dma_wait3A_208] : memref<10240x128xf32, #tpu.memory_space<vmem_shared>> -> memref<10240x128xf32, #tpu.memory_space<vmem_shared>>
        tpu.wait_indirect_dma semaphore(%run_scoped3A : memref<!tpu.dma_semaphore, #tpu.memory_space<semaphore_mem>>) src(%arg17 : memref<80x128xf32, #tpu.memory_space<vmem>>) dst(%dma_wait3A_209 : memref<10240x128xf32, #tpu.memory_space<vmem_shared>>)
        tpu.yield
      }) : () -> ()
      %lt3A = arith.constant 61 : i32
      %lt3A_182 = arith.cmpi slt, %scan3A_168, %lt3A : i32
      %convert_element_type3A = arith.extui %lt3A_182 : i1 to i32
      %cond3A = arith.constant 0 : i32
      %cond3A_183 = arith.cmpi ne, %convert_element_type3A, %cond3A : i32
      scf.if %cond3A_183 {
        %add3A_204 = arith.constant 2 : i32
        %add3A_205 = arith.addi %mul3A_171, %add3A_204 : i32
        %mul3A_206 = arith.constant 80 : i32
        %mul3A_207 = arith.muli %add3A_205, %mul3A_206 : i32
        %add3A_208 = arith.addi %mul3A_2, %mul3A_207 : i32
        %dma_start3A_209 = tpu.memref_slice %arg3[%add3A_208] : memref<317440xi32, #tpu.memory_space<hbm>> -> memref<80xi32, #tpu.memory_space<hbm>>
        %dma_start3A_210 = tpu.memref_slice %arg3[%add3A_208] : memref<317440xi32, #tpu.memory_space<hbm>> -> memref<80xi32, #tpu.memory_space<hbm>>
        tpu.enqueue_dma source(%dma_start3A_210 : memref<80xi32, #tpu.memory_space<hbm>>) target(%arg9 : memref<80xi32, #tpu.memory_space<vmem>>) target_semaphore(%arg22 : memref<!tpu.dma_semaphore, #tpu.memory_space<semaphore_mem>>)
        %dma_start3A_211 = tpu.memref_slice %arg4[%add3A_208] : memref<317440xi32, #tpu.memory_space<hbm>> -> memref<80xi32, #tpu.memory_space<hbm>>
        %dma_start3A_212 = tpu.memref_slice %arg4[%add3A_208] : memref<317440xi32, #tpu.memory_space<hbm>> -> memref<80xi32, #tpu.memory_space<hbm>>
        tpu.enqueue_dma source(%dma_start3A_212 : memref<80xi32, #tpu.memory_space<hbm>>) target(%arg11 : memref<80xi32, #tpu.memory_space<vmem>>) target_semaphore(%arg22 : memref<!tpu.dma_semaphore, #tpu.memory_space<semaphore_mem>>)
        %dma_start3A_213 = tpu.memref_slice %arg5[%add3A_208] : memref<317440xf32, #tpu.memory_space<hbm>> -> memref<80xf32, #tpu.memory_space<hbm>>
        %dma_start3A_214 = tpu.memref_slice %arg5[%add3A_208] : memref<317440xf32, #tpu.memory_space<hbm>> -> memref<80xf32, #tpu.memory_space<hbm>>
        tpu.enqueue_dma source(%dma_start3A_214 : memref<80xf32, #tpu.memory_space<hbm>>) target(%arg13 : memref<80xf32, #tpu.memory_space<vmem>>) target_semaphore(%arg22 : memref<!tpu.dma_semaphore, #tpu.memory_space<semaphore_mem>>)
      } else {
      }
      %mul3A_184 = arith.constant 2 : i32
      %mul3A_185 = arith.muli %mul3A_184, %scan3A_168 : i32
      %add3A_186 = arith.constant 1 : i32
      %add3A_187 = arith.addi %mul3A_185, %add3A_186 : i32
      %dma_wait3A_188 = arith.constant 0 : i32
      %dma_wait3A_189 = arith.constant 0 : i32
      %dma_wait3A_190 = tpu.memref_slice %arg2[%dma_wait3A_188, %dma_wait3A_189] : memref<10064x128xf32, #tpu.memory_space<hbm>> -> memref<10064x128xf32, #tpu.memory_space<hbm>>
      tpu.wait_indirect_dma semaphore(%arg21 : memref<!tpu.dma_semaphore, #tpu.memory_space<semaphore_mem>>) src(%dma_wait3A_190 : memref<10064x128xf32, #tpu.memory_space<hbm>>) dst(%arg18 : memref<80x128xf32, #tpu.memory_space<vmem>>)
      %scan3A_191 = arith.constant 0 : i32
      %scan3A_192 = arith.constant 0 : i32
      %scan3A_193 = arith.constant 40 : i32
      %scan3A_194 = arith.addi %scan3A_192, %scan3A_193 : i32
      %scan3A_195 = arith.constant 1 : i32
      %scan3A_196 = scf.for %scan3A_204 = %scan3A_192 to %scan3A_194 step %scan3A_195 iter_args(%scan3A_205 = %scan3A_191) -> (i32)  : i32 {
        %mul3A_206 = arith.constant 2 : i32
        %mul3A_207 = arith.muli %mul3A_206, %scan3A_204 : i32
        %add3A_208 = arith.constant 0 : i32
        %add3A_209 = arith.addi %mul3A_207, %add3A_208 : i32
        %broadcast_in_dim3A_210 = vector.broadcast %add3A_209 : i32 to vector<16xi32>
        %gather3A = tpu.vector_load_idx %arg14[%broadcast_in_dim3A_210] : memref<80xf32, #tpu.memory_space<vmem>>[vector<16xi32>], vector<16xf32>,
        %mul3A_211 = arith.mulf %gather3A, %neg3A_5 : vector<16xf32>
        %add3A_212 = arith.addf %mul3A_211, %neg3A_45 : vector<16xf32>
        %exp3A = math.exp %add3A_212 : vector<16xf32>
        %add3A_213 = arith.constant 1.000000e+00 : f32
        %add3A_214 = vector.broadcast %add3A_213 : f32 to vector<16xf32>
        %add3A_215 = arith.addf %add3A_214, %exp3A : vector<16xf32>
        %div3A = arith.constant 1.000000e+00 : f32
        %div3A_216 = vector.broadcast %div3A : f32 to vector<16xf32>
        %div3A_217 = arith.divf %div3A_216, %add3A_215 : vector<16xf32>
        %get3A_218 = arith.index_cast %add3A_209 : i32 to index
        %get3A_219 = arith.constant 0 : index
        %get3A_220 = tpu.vector_load %arg18[%get3A_218, %get3A_219] {strides = array<i32>} : memref<80x128xf32, #tpu.memory_space<vmem>>, vector<16xf32>,
        %mul3A_221 = arith.mulf %get3A_220, %div3A_217 : vector<16xf32>
        %swap3A = arith.index_cast %add3A_209 : i32 to index
        %swap3A_222 = arith.constant 0 : index
        %swap3A_223 = tpu.vector_load %arg18[%swap3A, %swap3A_222] {strides = array<i32>} : memref<80x128xf32, #tpu.memory_space<vmem>>, vector<16xf32>,
        tpu.vector_store %arg18[%swap3A, %swap3A_222], %mul3A_221 {strides = array<i32>} : memref<80x128xf32, #tpu.memory_space<vmem>>, vector<16xf32>,
        %mul3A_224 = arith.mulf %gather3A, %neg3A_10 : vector<16xf32>
        %add3A_225 = arith.addf %mul3A_224, %neg3A_50 : vector<16xf32>
        %exp3A_226 = math.exp %add3A_225 : vector<16xf32>
        %add3A_227 = arith.constant 1.000000e+00 : f32
        %add3A_228 = vector.broadcast %add3A_227 : f32 to vector<16xf32>
        %add3A_229 = arith.addf %add3A_228, %exp3A_226 : vector<16xf32>
        %div3A_230 = arith.constant 1.000000e+00 : f32
        %div3A_231 = vector.broadcast %div3A_230 : f32 to vector<16xf32>
        %div3A_232 = arith.divf %div3A_231, %add3A_229 : vector<16xf32>
        %get3A_233 = arith.index_cast %add3A_209 : i32 to index
        %get3A_234 = arith.constant 16 : index
        %get3A_235 = tpu.vector_load %arg18[%get3A_233, %get3A_234] {strides = array<i32>} : memref<80x128xf32, #tpu.memory_space<vmem>>, vector<16xf32>,
        %mul3A_236 = arith.mulf %get3A_235, %div3A_232 : vector<16xf32>
        %swap3A_237 = arith.index_cast %add3A_209 : i32 to index
        %swap3A_238 = arith.constant 16 : index
        %swap3A_239 = tpu.vector_load %arg18[%swap3A_237, %swap3A_238] {strides = array<i32>} : memref<80x128xf32, #tpu.memory_space<vmem>>, vector<16xf32>,
        tpu.vector_store %arg18[%swap3A_237, %swap3A_238], %mul3A_236 {strides = array<i32>} : memref<80x128xf32, #tpu.memory_space<vmem>>, vector<16xf32>,
        %mul3A_240 = arith.mulf %gather3A, %neg3A_15 : vector<16xf32>
        %add3A_241 = arith.addf %mul3A_240, %neg3A_55 : vector<16xf32>
        %exp3A_242 = math.exp %add3A_241 : vector<16xf32>
        %add3A_243 = arith.constant 1.000000e+00 : f32
        %add3A_244 = vector.broadcast %add3A_243 : f32 to vector<16xf32>
        %add3A_245 = arith.addf %add3A_244, %exp3A_242 : vector<16xf32>
        %div3A_246 = arith.constant 1.000000e+00 : f32
        %div3A_247 = vector.broadcast %div3A_246 : f32 to vector<16xf32>
        %div3A_248 = arith.divf %div3A_247, %add3A_245 : vector<16xf32>
        %get3A_249 = arith.index_cast %add3A_209 : i32 to index
        %get3A_250 = arith.constant 32 : index
        %get3A_251 = tpu.vector_load %arg18[%get3A_249, %get3A_250] {strides = array<i32>} : memref<80x128xf32, #tpu.memory_space<vmem>>, vector<16xf32>,
        %mul3A_252 = arith.mulf %get3A_251, %div3A_248 : vector<16xf32>
        %swap3A_253 = arith.index_cast %add3A_209 : i32 to index
        %swap3A_254 = arith.constant 32 : index
        %swap3A_255 = tpu.vector_load %arg18[%swap3A_253, %swap3A_254] {strides = array<i32>} : memref<80x128xf32, #tpu.memory_space<vmem>>, vector<16xf32>,
        tpu.vector_store %arg18[%swap3A_253, %swap3A_254], %mul3A_252 {strides = array<i32>} : memref<80x128xf32, #tpu.memory_space<vmem>>, vector<16xf32>,
        %mul3A_256 = arith.mulf %gather3A, %neg3A_20 : vector<16xf32>
        %add3A_257 = arith.addf %mul3A_256, %neg3A_60 : vector<16xf32>
        %exp3A_258 = math.exp %add3A_257 : vector<16xf32>
        %add3A_259 = arith.constant 1.000000e+00 : f32
        %add3A_260 = vector.broadcast %add3A_259 : f32 to vector<16xf32>
        %add3A_261 = arith.addf %add3A_260, %exp3A_258 : vector<16xf32>
        %div3A_262 = arith.constant 1.000000e+00 : f32
        %div3A_263 = vector.broadcast %div3A_262 : f32 to vector<16xf32>
        %div3A_264 = arith.divf %div3A_263, %add3A_261 : vector<16xf32>
        %get3A_265 = arith.index_cast %add3A_209 : i32 to index
        %get3A_266 = arith.constant 48 : index
        %get3A_267 = tpu.vector_load %arg18[%get3A_265, %get3A_266] {strides = array<i32>} : memref<80x128xf32, #tpu.memory_space<vmem>>, vector<16xf32>,
        %mul3A_268 = arith.mulf %get3A_267, %div3A_264 : vector<16xf32>
        %swap3A_269 = arith.index_cast %add3A_209 : i32 to index
        %swap3A_270 = arith.constant 48 : index
        %swap3A_271 = tpu.vector_load %arg18[%swap3A_269, %swap3A_270] {strides = array<i32>} : memref<80x128xf32, #tpu.memory_space<vmem>>, vector<16xf32>,
        tpu.vector_store %arg18[%swap3A_269, %swap3A_270], %mul3A_268 {strides = array<i32>} : memref<80x128xf32, #tpu.memory_space<vmem>>, vector<16xf32>,
        %mul3A_272 = arith.mulf %gather3A, %neg3A_25 : vector<16xf32>
        %add3A_273 = arith.addf %mul3A_272, %neg3A_65 : vector<16xf32>
        %exp3A_274 = math.exp %add3A_273 : vector<16xf32>
        %add3A_275 = arith.constant 1.000000e+00 : f32
        %add3A_276 = vector.broadcast %add3A_275 : f32 to vector<16xf32>
        %add3A_277 = arith.addf %add3A_276, %exp3A_274 : vector<16xf32>
        %div3A_278 = arith.constant 1.000000e+00 : f32
        %div3A_279 = vector.broadcast %div3A_278 : f32 to vector<16xf32>
        %div3A_280 = arith.divf %div3A_279, %add3A_277 : vector<16xf32>
        %get3A_281 = arith.index_cast %add3A_209 : i32 to index
        %get3A_282 = arith.constant 64 : index
        %get3A_283 = tpu.vector_load %arg18[%get3A_281, %get3A_282] {strides = array<i32>} : memref<80x128xf32, #tpu.memory_space<vmem>>, vector<16xf32>,
        %mul3A_284 = arith.mulf %get3A_283, %div3A_280 : vector<16xf32>
        %swap3A_285 = arith.index_cast %add3A_209 : i32 to index
        %swap3A_286 = arith.constant 64 : index
        %swap3A_287 = tpu.vector_load %arg18[%swap3A_285, %swap3A_286] {strides = array<i32>} : memref<80x128xf32, #tpu.memory_space<vmem>>, vector<16xf32>,
        tpu.vector_store %arg18[%swap3A_285, %swap3A_286], %mul3A_284 {strides = array<i32>} : memref<80x128xf32, #tpu.memory_space<vmem>>, vector<16xf32>,
        %mul3A_288 = arith.mulf %gather3A, %neg3A_30 : vector<16xf32>
        %add3A_289 = arith.addf %mul3A_288, %neg3A_70 : vector<16xf32>
        %exp3A_290 = math.exp %add3A_289 : vector<16xf32>
        %add3A_291 = arith.constant 1.000000e+00 : f32
        %add3A_292 = vector.broadcast %add3A_291 : f32 to vector<16xf32>
        %add3A_293 = arith.addf %add3A_292, %exp3A_290 : vector<16xf32>
        %div3A_294 = arith.constant 1.000000e+00 : f32
        %div3A_295 = vector.broadcast %div3A_294 : f32 to vector<16xf32>
        %div3A_296 = arith.divf %div3A_295, %add3A_293 : vector<16xf32>
        %get3A_297 = arith.index_cast %add3A_209 : i32 to index
        %get3A_298 = arith.constant 80 : index
        %get3A_299 = tpu.vector_load %arg18[%get3A_297, %get3A_298] {strides = array<i32>} : memref<80x128xf32, #tpu.memory_space<vmem>>, vector<16xf32>,
        %mul3A_300 = arith.mulf %get3A_299, %div3A_296 : vector<16xf32>
        %swap3A_301 = arith.index_cast %add3A_209 : i32 to index
        %swap3A_302 = arith.constant 80 : index
        %swap3A_303 = tpu.vector_load %arg18[%swap3A_301, %swap3A_302] {strides = array<i32>} : memref<80x128xf32, #tpu.memory_space<vmem>>, vector<16xf32>,
        tpu.vector_store %arg18[%swap3A_301, %swap3A_302], %mul3A_300 {strides = array<i32>} : memref<80x128xf32, #tpu.memory_space<vmem>>, vector<16xf32>,
        %mul3A_304 = arith.mulf %gather3A, %neg3A_35 : vector<16xf32>
        %add3A_305 = arith.addf %mul3A_304, %neg3A_75 : vector<16xf32>
        %exp3A_306 = math.exp %add3A_305 : vector<16xf32>
        %add3A_307 = arith.constant 1.000000e+00 : f32
        %add3A_308 = vector.broadcast %add3A_307 : f32 to vector<16xf32>
        %add3A_309 = arith.addf %add3A_308, %exp3A_306 : vector<16xf32>
        %div3A_310 = arith.constant 1.000000e+00 : f32
        %div3A_311 = vector.broadcast %div3A_310 : f32 to vector<16xf32>
        %div3A_312 = arith.divf %div3A_311, %add3A_309 : vector<16xf32>
        %get3A_313 = arith.index_cast %add3A_209 : i32 to index
        %get3A_314 = arith.constant 96 : index
        %get3A_315 = tpu.vector_load %arg18[%get3A_313, %get3A_314] {strides = array<i32>} : memref<80x128xf32, #tpu.memory_space<vmem>>, vector<16xf32>,
        %mul3A_316 = arith.mulf %get3A_315, %div3A_312 : vector<16xf32>
        %swap3A_317 = arith.index_cast %add3A_209 : i32 to index
        %swap3A_318 = arith.constant 96 : index
        %swap3A_319 = tpu.vector_load %arg18[%swap3A_317, %swap3A_318] {strides = array<i32>} : memref<80x128xf32, #tpu.memory_space<vmem>>, vector<16xf32>,
        tpu.vector_store %arg18[%swap3A_317, %swap3A_318], %mul3A_316 {strides = array<i32>} : memref<80x128xf32, #tpu.memory_space<vmem>>, vector<16xf32>,
        %mul3A_320 = arith.mulf %gather3A, %neg3A_40 : vector<16xf32>
        %add3A_321 = arith.addf %mul3A_320, %neg3A_80 : vector<16xf32>
        %exp3A_322 = math.exp %add3A_321 : vector<16xf32>
        %add3A_323 = arith.constant 1.000000e+00 : f32
        %add3A_324 = vector.broadcast %add3A_323 : f32 to vector<16xf32>
        %add3A_325 = arith.addf %add3A_324, %exp3A_322 : vector<16xf32>
        %div3A_326 = arith.constant 1.000000e+00 : f32
        %div3A_327 = vector.broadcast %div3A_326 : f32 to vector<16xf32>
        %div3A_328 = arith.divf %div3A_327, %add3A_325 : vector<16xf32>
        %get3A_329 = arith.index_cast %add3A_209 : i32 to index
        %get3A_330 = arith.constant 112 : index
        %get3A_331 = tpu.vector_load %arg18[%get3A_329, %get3A_330] {strides = array<i32>} : memref<80x128xf32, #tpu.memory_space<vmem>>, vector<16xf32>,
        %mul3A_332 = arith.mulf %get3A_331, %div3A_328 : vector<16xf32>
        %swap3A_333 = arith.index_cast %add3A_209 : i32 to index
        %swap3A_334 = arith.constant 112 : index
        %swap3A_335 = tpu.vector_load %arg18[%swap3A_333, %swap3A_334] {strides = array<i32>} : memref<80x128xf32, #tpu.memory_space<vmem>>, vector<16xf32>,
        tpu.vector_store %arg18[%swap3A_333, %swap3A_334], %mul3A_332 {strides = array<i32>} : memref<80x128xf32, #tpu.memory_space<vmem>>, vector<16xf32>,
        %mul3A_336 = arith.constant 2 : i32
        %mul3A_337 = arith.muli %mul3A_336, %scan3A_204 : i32
        %add3A_338 = arith.constant 1 : i32
        %add3A_339 = arith.addi %mul3A_337, %add3A_338 : i32
        %broadcast_in_dim3A_340 = vector.broadcast %add3A_339 : i32 to vector<16xi32>
        %gather3A_341 = tpu.vector_load_idx %arg14[%broadcast_in_dim3A_340] : memref<80xf32, #tpu.memory_space<vmem>>[vector<16xi32>], vector<16xf32>,
        %mul3A_342 = arith.mulf %gather3A_341, %neg3A_5 : vector<16xf32>
        %add3A_343 = arith.addf %mul3A_342, %neg3A_45 : vector<16xf32>
        %exp3A_344 = math.exp %add3A_343 : vector<16xf32>
        %add3A_345 = arith.constant 1.000000e+00 : f32
        %add3A_346 = vector.broadcast %add3A_345 : f32 to vector<16xf32>
        %add3A_347 = arith.addf %add3A_346, %exp3A_344 : vector<16xf32>
        %div3A_348 = arith.constant 1.000000e+00 : f32
        %div3A_349 = vector.broadcast %div3A_348 : f32 to vector<16xf32>
        %div3A_350 = arith.divf %div3A_349, %add3A_347 : vector<16xf32>
        %get3A_351 = arith.index_cast %add3A_339 : i32 to index
        %get3A_352 = arith.constant 0 : index
        %get3A_353 = tpu.vector_load %arg18[%get3A_351, %get3A_352] {strides = array<i32>} : memref<80x128xf32, #tpu.memory_space<vmem>>, vector<16xf32>,
        %mul3A_354 = arith.mulf %get3A_353, %div3A_350 : vector<16xf32>
        %swap3A_355 = arith.index_cast %add3A_339 : i32 to index
        %swap3A_356 = arith.constant 0 : index
        %swap3A_357 = tpu.vector_load %arg18[%swap3A_355, %swap3A_356] {strides = array<i32>} : memref<80x128xf32, #tpu.memory_space<vmem>>, vector<16xf32>,
        tpu.vector_store %arg18[%swap3A_355, %swap3A_356], %mul3A_354 {strides = array<i32>} : memref<80x128xf32, #tpu.memory_space<vmem>>, vector<16xf32>,
        %mul3A_358 = arith.mulf %gather3A_341, %neg3A_10 : vector<16xf32>
        %add3A_359 = arith.addf %mul3A_358, %neg3A_50 : vector<16xf32>
        %exp3A_360 = math.exp %add3A_359 : vector<16xf32>
        %add3A_361 = arith.constant 1.000000e+00 : f32
        %add3A_362 = vector.broadcast %add3A_361 : f32 to vector<16xf32>
        %add3A_363 = arith.addf %add3A_362, %exp3A_360 : vector<16xf32>
        %div3A_364 = arith.constant 1.000000e+00 : f32
        %div3A_365 = vector.broadcast %div3A_364 : f32 to vector<16xf32>
        %div3A_366 = arith.divf %div3A_365, %add3A_363 : vector<16xf32>
        %get3A_367 = arith.index_cast %add3A_339 : i32 to index
        %get3A_368 = arith.constant 16 : index
        %get3A_369 = tpu.vector_load %arg18[%get3A_367, %get3A_368] {strides = array<i32>} : memref<80x128xf32, #tpu.memory_space<vmem>>, vector<16xf32>,
        %mul3A_370 = arith.mulf %get3A_369, %div3A_366 : vector<16xf32>
        %swap3A_371 = arith.index_cast %add3A_339 : i32 to index
        %swap3A_372 = arith.constant 16 : index
        %swap3A_373 = tpu.vector_load %arg18[%swap3A_371, %swap3A_372] {strides = array<i32>} : memref<80x128xf32, #tpu.memory_space<vmem>>, vector<16xf32>,
        tpu.vector_store %arg18[%swap3A_371, %swap3A_372], %mul3A_370 {strides = array<i32>} : memref<80x128xf32, #tpu.memory_space<vmem>>, vector<16xf32>,
        %mul3A_374 = arith.mulf %gather3A_341, %neg3A_15 : vector<16xf32>
        %add3A_375 = arith.addf %mul3A_374, %neg3A_55 : vector<16xf32>
        %exp3A_376 = math.exp %add3A_375 : vector<16xf32>
        %add3A_377 = arith.constant 1.000000e+00 : f32
        %add3A_378 = vector.broadcast %add3A_377 : f32 to vector<16xf32>
        %add3A_379 = arith.addf %add3A_378, %exp3A_376 : vector<16xf32>
        %div3A_380 = arith.constant 1.000000e+00 : f32
        %div3A_381 = vector.broadcast %div3A_380 : f32 to vector<16xf32>
        %div3A_382 = arith.divf %div3A_381, %add3A_379 : vector<16xf32>
        %get3A_383 = arith.index_cast %add3A_339 : i32 to index
        %get3A_384 = arith.constant 32 : index
        %get3A_385 = tpu.vector_load %arg18[%get3A_383, %get3A_384] {strides = array<i32>} : memref<80x128xf32, #tpu.memory_space<vmem>>, vector<16xf32>,
        %mul3A_386 = arith.mulf %get3A_385, %div3A_382 : vector<16xf32>
        %swap3A_387 = arith.index_cast %add3A_339 : i32 to index
        %swap3A_388 = arith.constant 32 : index
        %swap3A_389 = tpu.vector_load %arg18[%swap3A_387, %swap3A_388] {strides = array<i32>} : memref<80x128xf32, #tpu.memory_space<vmem>>, vector<16xf32>,
        tpu.vector_store %arg18[%swap3A_387, %swap3A_388], %mul3A_386 {strides = array<i32>} : memref<80x128xf32, #tpu.memory_space<vmem>>, vector<16xf32>,
        %mul3A_390 = arith.mulf %gather3A_341, %neg3A_20 : vector<16xf32>
        %add3A_391 = arith.addf %mul3A_390, %neg3A_60 : vector<16xf32>
        %exp3A_392 = math.exp %add3A_391 : vector<16xf32>
        %add3A_393 = arith.constant 1.000000e+00 : f32
        %add3A_394 = vector.broadcast %add3A_393 : f32 to vector<16xf32>
        %add3A_395 = arith.addf %add3A_394, %exp3A_392 : vector<16xf32>
        %div3A_396 = arith.constant 1.000000e+00 : f32
        %div3A_397 = vector.broadcast %div3A_396 : f32 to vector<16xf32>
        %div3A_398 = arith.divf %div3A_397, %add3A_395 : vector<16xf32>
        %get3A_399 = arith.index_cast %add3A_339 : i32 to index
        %get3A_400 = arith.constant 48 : index
        %get3A_401 = tpu.vector_load %arg18[%get3A_399, %get3A_400] {strides = array<i32>} : memref<80x128xf32, #tpu.memory_space<vmem>>, vector<16xf32>,
        %mul3A_402 = arith.mulf %get3A_401, %div3A_398 : vector<16xf32>
        %swap3A_403 = arith.index_cast %add3A_339 : i32 to index
        %swap3A_404 = arith.constant 48 : index
        %swap3A_405 = tpu.vector_load %arg18[%swap3A_403, %swap3A_404] {strides = array<i32>} : memref<80x128xf32, #tpu.memory_space<vmem>>, vector<16xf32>,
        tpu.vector_store %arg18[%swap3A_403, %swap3A_404], %mul3A_402 {strides = array<i32>} : memref<80x128xf32, #tpu.memory_space<vmem>>, vector<16xf32>,
        %mul3A_406 = arith.mulf %gather3A_341, %neg3A_25 : vector<16xf32>
        %add3A_407 = arith.addf %mul3A_406, %neg3A_65 : vector<16xf32>
        %exp3A_408 = math.exp %add3A_407 : vector<16xf32>
        %add3A_409 = arith.constant 1.000000e+00 : f32
        %add3A_410 = vector.broadcast %add3A_409 : f32 to vector<16xf32>
        %add3A_411 = arith.addf %add3A_410, %exp3A_408 : vector<16xf32>
        %div3A_412 = arith.constant 1.000000e+00 : f32
        %div3A_413 = vector.broadcast %div3A_412 : f32 to vector<16xf32>
        %div3A_414 = arith.divf %div3A_413, %add3A_411 : vector<16xf32>
        %get3A_415 = arith.index_cast %add3A_339 : i32 to index
        %get3A_416 = arith.constant 64 : index
        %get3A_417 = tpu.vector_load %arg18[%get3A_415, %get3A_416] {strides = array<i32>} : memref<80x128xf32, #tpu.memory_space<vmem>>, vector<16xf32>,
        %mul3A_418 = arith.mulf %get3A_417, %div3A_414 : vector<16xf32>
        %swap3A_419 = arith.index_cast %add3A_339 : i32 to index
        %swap3A_420 = arith.constant 64 : index
        %swap3A_421 = tpu.vector_load %arg18[%swap3A_419, %swap3A_420] {strides = array<i32>} : memref<80x128xf32, #tpu.memory_space<vmem>>, vector<16xf32>,
        tpu.vector_store %arg18[%swap3A_419, %swap3A_420], %mul3A_418 {strides = array<i32>} : memref<80x128xf32, #tpu.memory_space<vmem>>, vector<16xf32>,
        %mul3A_422 = arith.mulf %gather3A_341, %neg3A_30 : vector<16xf32>
        %add3A_423 = arith.addf %mul3A_422, %neg3A_70 : vector<16xf32>
        %exp3A_424 = math.exp %add3A_423 : vector<16xf32>
        %add3A_425 = arith.constant 1.000000e+00 : f32
        %add3A_426 = vector.broadcast %add3A_425 : f32 to vector<16xf32>
        %add3A_427 = arith.addf %add3A_426, %exp3A_424 : vector<16xf32>
        %div3A_428 = arith.constant 1.000000e+00 : f32
        %div3A_429 = vector.broadcast %div3A_428 : f32 to vector<16xf32>
        %div3A_430 = arith.divf %div3A_429, %add3A_427 : vector<16xf32>
        %get3A_431 = arith.index_cast %add3A_339 : i32 to index
        %get3A_432 = arith.constant 80 : index
        %get3A_433 = tpu.vector_load %arg18[%get3A_431, %get3A_432] {strides = array<i32>} : memref<80x128xf32, #tpu.memory_space<vmem>>, vector<16xf32>,
        %mul3A_434 = arith.mulf %get3A_433, %div3A_430 : vector<16xf32>
        %swap3A_435 = arith.index_cast %add3A_339 : i32 to index
        %swap3A_436 = arith.constant 80 : index
        %swap3A_437 = tpu.vector_load %arg18[%swap3A_435, %swap3A_436] {strides = array<i32>} : memref<80x128xf32, #tpu.memory_space<vmem>>, vector<16xf32>,
        tpu.vector_store %arg18[%swap3A_435, %swap3A_436], %mul3A_434 {strides = array<i32>} : memref<80x128xf32, #tpu.memory_space<vmem>>, vector<16xf32>,
        %mul3A_438 = arith.mulf %gather3A_341, %neg3A_35 : vector<16xf32>
        %add3A_439 = arith.addf %mul3A_438, %neg3A_75 : vector<16xf32>
        %exp3A_440 = math.exp %add3A_439 : vector<16xf32>
        %add3A_441 = arith.constant 1.000000e+00 : f32
        %add3A_442 = vector.broadcast %add3A_441 : f32 to vector<16xf32>
        %add3A_443 = arith.addf %add3A_442, %exp3A_440 : vector<16xf32>
        %div3A_444 = arith.constant 1.000000e+00 : f32
        %div3A_445 = vector.broadcast %div3A_444 : f32 to vector<16xf32>
        %div3A_446 = arith.divf %div3A_445, %add3A_443 : vector<16xf32>
        %get3A_447 = arith.index_cast %add3A_339 : i32 to index
        %get3A_448 = arith.constant 96 : index
        %get3A_449 = tpu.vector_load %arg18[%get3A_447, %get3A_448] {strides = array<i32>} : memref<80x128xf32, #tpu.memory_space<vmem>>, vector<16xf32>,
        %mul3A_450 = arith.mulf %get3A_449, %div3A_446 : vector<16xf32>
        %swap3A_451 = arith.index_cast %add3A_339 : i32 to index
        %swap3A_452 = arith.constant 96 : index
        %swap3A_453 = tpu.vector_load %arg18[%swap3A_451, %swap3A_452] {strides = array<i32>} : memref<80x128xf32, #tpu.memory_space<vmem>>, vector<16xf32>,
        tpu.vector_store %arg18[%swap3A_451, %swap3A_452], %mul3A_450 {strides = array<i32>} : memref<80x128xf32, #tpu.memory_space<vmem>>, vector<16xf32>,
        %mul3A_454 = arith.mulf %gather3A_341, %neg3A_40 : vector<16xf32>
        %add3A_455 = arith.addf %mul3A_454, %neg3A_80 : vector<16xf32>
        %exp3A_456 = math.exp %add3A_455 : vector<16xf32>
        %add3A_457 = arith.constant 1.000000e+00 : f32
        %add3A_458 = vector.broadcast %add3A_457 : f32 to vector<16xf32>
        %add3A_459 = arith.addf %add3A_458, %exp3A_456 : vector<16xf32>
        %div3A_460 = arith.constant 1.000000e+00 : f32
        %div3A_461 = vector.broadcast %div3A_460 : f32 to vector<16xf32>
        %div3A_462 = arith.divf %div3A_461, %add3A_459 : vector<16xf32>
        %get3A_463 = arith.index_cast %add3A_339 : i32 to index
        %get3A_464 = arith.constant 112 : index
        %get3A_465 = tpu.vector_load %arg18[%get3A_463, %get3A_464] {strides = array<i32>} : memref<80x128xf32, #tpu.memory_space<vmem>>, vector<16xf32>,
        %mul3A_466 = arith.mulf %get3A_465, %div3A_462 : vector<16xf32>
        %swap3A_467 = arith.index_cast %add3A_339 : i32 to index
        %swap3A_468 = arith.constant 112 : index
        %swap3A_469 = tpu.vector_load %arg18[%swap3A_467, %swap3A_468] {strides = array<i32>} : memref<80x128xf32, #tpu.memory_space<vmem>>, vector<16xf32>,
        tpu.vector_store %arg18[%swap3A_467, %swap3A_468], %mul3A_466 {strides = array<i32>} : memref<80x128xf32, #tpu.memory_space<vmem>>, vector<16xf32>,
        %scan3A_470 = arith.constant 0 : i32
        scf.yield %scan3A_470 : i32
      }
      %scan3A_197 = arith.constant 40 : i32
      "tpu.region"() ({
        %run_scoped3A = tpu.sem_alloc : memref<!tpu.dma_semaphore, #tpu.memory_space<semaphore_mem>>
        %dma_start3A_204 = arith.constant 0 : i32
        %dma_start3A_205 = arith.constant 0 : i32
        %dma_start3A_206 = tpu.memref_slice %arg19[%dma_start3A_204, %dma_start3A_205] : memref<10240x128xf32, #tpu.memory_space<vmem_shared>> -> memref<10240x128xf32, #tpu.memory_space<vmem_shared>>
        tpu.enqueue_indirect_dma source(%arg18 : memref<80x128xf32, #tpu.memory_space<vmem>>) target(%dma_start3A_206 : memref<10240x128xf32, #tpu.memory_space<vmem_shared>>) offsets(%arg12 : memref<80xi32, #tpu.memory_space<vmem>>) semaphore(%run_scoped3A : memref<!tpu.dma_semaphore, #tpu.memory_space<semaphore_mem>>) {add = true}
        %dma_wait3A_207 = arith.constant 0 : i32
        %dma_wait3A_208 = arith.constant 0 : i32
        %dma_wait3A_209 = tpu.memref_slice %arg19[%dma_wait3A_207, %dma_wait3A_208] : memref<10240x128xf32, #tpu.memory_space<vmem_shared>> -> memref<10240x128xf32, #tpu.memory_space<vmem_shared>>
        tpu.wait_indirect_dma semaphore(%run_scoped3A : memref<!tpu.dma_semaphore, #tpu.memory_space<semaphore_mem>>) src(%arg18 : memref<80x128xf32, #tpu.memory_space<vmem>>) dst(%dma_wait3A_209 : memref<10240x128xf32, #tpu.memory_space<vmem_shared>>)
        tpu.yield
      }) : () -> ()
      %lt3A_198 = arith.constant 61 : i32
      %lt3A_199 = arith.cmpi slt, %scan3A_168, %lt3A_198 : i32
      %convert_element_type3A_200 = arith.extui %lt3A_199 : i1 to i32
      %cond3A_201 = arith.constant 0 : i32
      %cond3A_202 = arith.cmpi ne, %convert_element_type3A_200, %cond3A_201 : i32
      scf.if %cond3A_202 {
        %add3A_204 = arith.constant 2 : i32
        %add3A_205 = arith.addi %add3A_187, %add3A_204 : i32
        %mul3A_206 = arith.constant 80 : i32
        %mul3A_207 = arith.muli %add3A_205, %mul3A_206 : i32
        %add3A_208 = arith.addi %mul3A_2, %mul3A_207 : i32
        %dma_start3A_209 = tpu.memref_slice %arg3[%add3A_208] : memref<317440xi32, #tpu.memory_space<hbm>> -> memref<80xi32, #tpu.memory_space<hbm>>
        %dma_start3A_210 = tpu.memref_slice %arg3[%add3A_208] : memref<317440xi32, #tpu.memory_space<hbm>> -> memref<80xi32, #tpu.memory_space<hbm>>
        tpu.enqueue_dma source(%dma_start3A_210 : memref<80xi32, #tpu.memory_space<hbm>>) target(%arg10 : memref<80xi32, #tpu.memory_space<vmem>>) target_semaphore(%arg23 : memref<!tpu.dma_semaphore, #tpu.memory_space<semaphore_mem>>)
        %dma_start3A_211 = tpu.memref_slice %arg4[%add3A_208] : memref<317440xi32, #tpu.memory_space<hbm>> -> memref<80xi32, #tpu.memory_space<hbm>>
        %dma_start3A_212 = tpu.memref_slice %arg4[%add3A_208] : memref<317440xi32, #tpu.memory_space<hbm>> -> memref<80xi32, #tpu.memory_space<hbm>>
        tpu.enqueue_dma source(%dma_start3A_212 : memref<80xi32, #tpu.memory_space<hbm>>) target(%arg12 : memref<80xi32, #tpu.memory_space<vmem>>) target_semaphore(%arg23 : memref<!tpu.dma_semaphore, #tpu.memory_space<semaphore_mem>>)
        %dma_start3A_213 = tpu.memref_slice %arg5[%add3A_208] : memref<317440xf32, #tpu.memory_space<hbm>> -> memref<80xf32, #tpu.memory_space<hbm>>
        %dma_start3A_214 = tpu.memref_slice %arg5[%add3A_208] : memref<317440xf32, #tpu.memory_space<hbm>> -> memref<80xf32, #tpu.memory_space<hbm>>
        tpu.enqueue_dma source(%dma_start3A_214 : memref<80xf32, #tpu.memory_space<hbm>>) target(%arg14 : memref<80xf32, #tpu.memory_space<vmem>>) target_semaphore(%arg23 : memref<!tpu.dma_semaphore, #tpu.memory_space<semaphore_mem>>)
        %add3A_215 = arith.constant 2 : i32
        %add3A_216 = arith.addi %mul3A_171, %add3A_215 : i32
        %mul3A_217 = arith.constant 80 : i32
        %mul3A_218 = arith.muli %add3A_216, %mul3A_217 : i32
        %add3A_219 = arith.addi %mul3A_2, %mul3A_218 : i32
        %dma_wait3A_220 = tpu.memref_slice %arg3[%add3A_219] : memref<317440xi32, #tpu.memory_space<hbm>> -> memref<80xi32, #tpu.memory_space<hbm>>
        %dma_wait3A_221 = tpu.memref_slice %arg3[%add3A_219] : memref<317440xi32, #tpu.memory_space<hbm>> -> memref<80xi32, #tpu.memory_space<hbm>>
        tpu.wait_dma2 semaphore(%arg22 : memref<!tpu.dma_semaphore, #tpu.memory_space<semaphore_mem>>) src(%dma_wait3A_221 : memref<80xi32, #tpu.memory_space<hbm>>) dst(%arg9 : memref<80xi32, #tpu.memory_space<vmem>>)
        %dma_wait3A_222 = tpu.memref_slice %arg4[%add3A_219] : memref<317440xi32, #tpu.memory_space<hbm>> -> memref<80xi32, #tpu.memory_space<hbm>>
        %dma_wait3A_223 = tpu.memref_slice %arg4[%add3A_219] : memref<317440xi32, #tpu.memory_space<hbm>> -> memref<80xi32, #tpu.memory_space<hbm>>
        tpu.wait_dma2 semaphore(%arg22 : memref<!tpu.dma_semaphore, #tpu.memory_space<semaphore_mem>>) src(%dma_wait3A_223 : memref<80xi32, #tpu.memory_space<hbm>>) dst(%arg11 : memref<80xi32, #tpu.memory_space<vmem>>)
        %dma_wait3A_224 = tpu.memref_slice %arg5[%add3A_219] : memref<317440xf32, #tpu.memory_space<hbm>> -> memref<80xf32, #tpu.memory_space<hbm>>
        %dma_wait3A_225 = tpu.memref_slice %arg5[%add3A_219] : memref<317440xf32, #tpu.memory_space<hbm>> -> memref<80xf32, #tpu.memory_space<hbm>>
        tpu.wait_dma2 semaphore(%arg22 : memref<!tpu.dma_semaphore, #tpu.memory_space<semaphore_mem>>) src(%dma_wait3A_225 : memref<80xf32, #tpu.memory_space<hbm>>) dst(%arg13 : memref<80xf32, #tpu.memory_space<vmem>>)
        %dma_start3A_226 = arith.constant 0 : i32
        %dma_start3A_227 = arith.constant 0 : i32
        %dma_start3A_228 = tpu.memref_slice %arg2[%dma_start3A_226, %dma_start3A_227] : memref<10064x128xf32, #tpu.memory_space<hbm>> -> memref<10064x128xf32, #tpu.memory_space<hbm>>
        tpu.enqueue_indirect_dma source(%dma_start3A_228 : memref<10064x128xf32, #tpu.memory_space<hbm>>) target(%arg17 : memref<80x128xf32, #tpu.memory_space<vmem>>) offsets(%arg9 : memref<80xi32, #tpu.memory_space<vmem>>) semaphore(%arg20 : memref<!tpu.dma_semaphore, #tpu.memory_space<semaphore_mem>>)
        %add3A_229 = arith.constant 2 : i32
        %add3A_230 = arith.addi %add3A_187, %add3A_229 : i32
        %mul3A_231 = arith.constant 80 : i32
        %mul3A_232 = arith.muli %add3A_230, %mul3A_231 : i32
        %add3A_233 = arith.addi %mul3A_2, %mul3A_232 : i32
        %dma_wait3A_234 = tpu.memref_slice %arg3[%add3A_233] : memref<317440xi32, #tpu.memory_space<hbm>> -> memref<80xi32, #tpu.memory_space<hbm>>
        %dma_wait3A_235 = tpu.memref_slice %arg3[%add3A_233] : memref<317440xi32, #tpu.memory_space<hbm>> -> memref<80xi32, #tpu.memory_space<hbm>>
        tpu.wait_dma2 semaphore(%arg23 : memref<!tpu.dma_semaphore, #tpu.memory_space<semaphore_mem>>) src(%dma_wait3A_235 : memref<80xi32, #tpu.memory_space<hbm>>) dst(%arg10 : memref<80xi32, #tpu.memory_space<vmem>>)
        %dma_wait3A_236 = tpu.memref_slice %arg4[%add3A_233] : memref<317440xi32, #tpu.memory_space<hbm>> -> memref<80xi32, #tpu.memory_space<hbm>>
        %dma_wait3A_237 = tpu.memref_slice %arg4[%add3A_233] : memref<317440xi32, #tpu.memory_space<hbm>> -> memref<80xi32, #tpu.memory_space<hbm>>
        tpu.wait_dma2 semaphore(%arg23 : memref<!tpu.dma_semaphore, #tpu.memory_space<semaphore_mem>>) src(%dma_wait3A_237 : memref<80xi32, #tpu.memory_space<hbm>>) dst(%arg12 : memref<80xi32, #tpu.memory_space<vmem>>)
        %dma_wait3A_238 = tpu.memref_slice %arg5[%add3A_233] : memref<317440xf32, #tpu.memory_space<hbm>> -> memref<80xf32, #tpu.memory_space<hbm>>
        %dma_wait3A_239 = tpu.memref_slice %arg5[%add3A_233] : memref<317440xf32, #tpu.memory_space<hbm>> -> memref<80xf32, #tpu.memory_space<hbm>>
        tpu.wait_dma2 semaphore(%arg23 : memref<!tpu.dma_semaphore, #tpu.memory_space<semaphore_mem>>) src(%dma_wait3A_239 : memref<80xf32, #tpu.memory_space<hbm>>) dst(%arg14 : memref<80xf32, #tpu.memory_space<vmem>>)
        %dma_start3A_240 = arith.constant 0 : i32
        %dma_start3A_241 = arith.constant 0 : i32
        %dma_start3A_242 = tpu.memref_slice %arg2[%dma_start3A_240, %dma_start3A_241] : memref<10064x128xf32, #tpu.memory_space<hbm>> -> memref<10064x128xf32, #tpu.memory_space<hbm>>
        tpu.enqueue_indirect_dma source(%dma_start3A_242 : memref<10064x128xf32, #tpu.memory_space<hbm>>) target(%arg18 : memref<80x128xf32, #tpu.memory_space<vmem>>) offsets(%arg10 : memref<80xi32, #tpu.memory_space<vmem>>) semaphore(%arg21 : memref<!tpu.dma_semaphore, #tpu.memory_space<semaphore_mem>>)
      } else {
      }
      %scan3A_203 = arith.constant 0 : i32
      scf.yield %scan3A_203 : i32
    }
    %scan3A_162 = arith.constant 62 : i32
    %barrier3A_163 = arith.constant 0 : index
    tpu.barrier barrier_id(%barrier3A_163)
    %mul3A_164 = arith.constant 640 : i32
    %mul3A_165 = arith.muli %arg1, %mul3A_164 : i32
    %mul3A_166 = arith.constant 640 : i32
    %mul3A_167 = arith.muli %arg1, %mul3A_166 : i32
    "tpu.region"() ({
      %run_scoped3A = tpu.sem_alloc : memref<!tpu.dma_semaphore, #tpu.memory_space<semaphore_mem>>
      %dma_start3A_168 = arith.constant 0 : i32
      %dma_start3A_169 = tpu.memref_slice %arg8[%arg0, %mul3A_167, %dma_start3A_168] : memref<2x10240x128xf32, #tpu.memory_space<hbm>> -> memref<1x640x128xf32, #tpu.memory_space<hbm>>
      %dma_start3A_170 = tpu.memref_squeeze %dma_start3A_169 : memref<1x640x128xf32, #tpu.memory_space<hbm>> -> memref<640x128xf32, #tpu.memory_space<hbm>>
      %dma_start3A_171 = arith.constant 0 : i32
      %dma_start3A_172 = tpu.memref_slice %arg19[%mul3A_165, %dma_start3A_171] : memref<10240x128xf32, #tpu.memory_space<vmem_shared>> -> memref<640x128xf32, #tpu.memory_space<vmem_shared>>
      tpu.enqueue_dma source(%dma_start3A_172 : memref<640x128xf32, #tpu.memory_space<vmem_shared>>) target(%dma_start3A_170 : memref<640x128xf32, #tpu.memory_space<hbm>>) target_semaphore(%run_scoped3A : memref<!tpu.dma_semaphore, #tpu.memory_space<semaphore_mem>>)
      %dma_wait3A_173 = arith.constant 0 : i32
      %dma_wait3A_174 = tpu.memref_slice %arg8[%arg0, %mul3A_167, %dma_wait3A_173] : memref<2x10240x128xf32, #tpu.memory_space<hbm>> -> memref<1x640x128xf32, #tpu.memory_space<hbm>>
      %dma_wait3A_175 = tpu.memref_squeeze %dma_wait3A_174 : memref<1x640x128xf32, #tpu.memory_space<hbm>> -> memref<640x128xf32, #tpu.memory_space<hbm>>
      %dma_wait3A_176 = arith.constant 0 : i32
      %dma_wait3A_177 = tpu.memref_slice %arg19[%mul3A_165, %dma_wait3A_176] : memref<10240x128xf32, #tpu.memory_space<vmem_shared>> -> memref<640x128xf32, #tpu.memory_space<vmem_shared>>
      tpu.wait_dma2 semaphore(%run_scoped3A : memref<!tpu.dma_semaphore, #tpu.memory_space<semaphore_mem>>) src(%dma_wait3A_177 : memref<640x128xf32, #tpu.memory_space<vmem_shared>>) dst(%dma_wait3A_175 : memref<640x128xf32, #tpu.memory_space<hbm>>)
      tpu.yield
    }) : () -> ()
    return
  }
}

module attributes {stable_mosaic.version = 14 : i64} {
  func.func @_pre_body(%arg0: i32, %arg1: memref<1x268x268xf32, #tpu.memory_space<vmem>>, %arg2: memref<268x128xf32, #tpu.memory_space<vmem>>, %arg3: memref<1x128xf32, #tpu.memory_space<vmem>>, %arg4: memref<1x128xf32, #tpu.memory_space<vmem>>, %arg5: memref<1x128xf32, #tpu.memory_space<vmem>>, %arg6: memref<268x7xf32, #tpu.memory_space<vmem>>, %arg7: memref<7x128x128xf32, #tpu.memory_space<vmem>>, %arg8: memref<272x128xf32, #tpu.memory_space<vmem>>) attributes {dimension_semantics = [#tpu.dimension_semantics<arbitrary>], iteration_bounds = array<i64: 37>, scalar_prefetch = 0 : i64, scratch_operands = 0 : i64, tpu.core_type = #tpu.core_type<tc>, window_params = [{transform_indices = @transform_0, window_bounds = array<i64: 1, 268, 268>}, {pipeline_mode = #tpu.pipeline_mode<synchronous>, transform_indices = @transform_1, window_bounds = array<i64: 268, 128>}, {pipeline_mode = #tpu.pipeline_mode<synchronous>, transform_indices = @transform_2, window_bounds = array<i64: 1, 128>}, {pipeline_mode = #tpu.pipeline_mode<synchronous>, transform_indices = @transform_3, window_bounds = array<i64: 1, 128>}, {pipeline_mode = #tpu.pipeline_mode<synchronous>, transform_indices = @transform_4, window_bounds = array<i64: 1, 128>}, {pipeline_mode = #tpu.pipeline_mode<synchronous>, transform_indices = @transform_5, window_bounds = array<i64: 268, 7>}, {pipeline_mode = #tpu.pipeline_mode<synchronous>, transform_indices = @transform_6, window_bounds = array<i64: 7, 128, 128>}, {transform_indices = @transform_7, window_bounds = array<i64: 272, 128>}]} {
    %get3A = arith.constant 0 : index
    %get3A_0 = arith.constant 0 : index
    %get3A_1 = arith.constant 0 : index
    %get3A_2 = vector.load %arg1[%get3A, %get3A_0, %get3A_1] : memref<1x268x268xf32, #tpu.memory_space<vmem>>, vector<1x268x268xf32>
    %get3A_3 = vector.shape_cast %get3A_2 : vector<1x268x268xf32> to vector<268x268xf32>
    %get3A_4 = arith.constant 0 : index
    %get3A_5 = arith.constant 0 : index
    %get3A_6 = vector.load %arg2[%get3A_4, %get3A_5] : memref<268x128xf32, #tpu.memory_space<vmem>>, vector<268x128xf32>
    %dot_general3A = arith.constant dense<0.000000e+00> : vector<268x128xf32>
    %dot_general3A_7 = tpu.matmul %get3A_3, %get3A_6, %dot_general3A {dimension_numbers = #tpu.dot_dimension_numbers<[1], [0], [0], [1], [0, 0, 1, 1], [], []>, transpose_lhs_hint = false} : vector<268x268xf32>, vector<268x128xf32>, vector<268x128xf32> -> vector<268x128xf32>
    %get3A_8 = arith.constant 0 : index
    %get3A_9 = arith.constant 0 : index
    %get3A_10 = vector.load %arg3[%get3A_8, %get3A_9] : memref<1x128xf32, #tpu.memory_space<vmem>>, vector<1x128xf32>
    %add3A = vector.broadcast %get3A_10 : vector<1x128xf32> to vector<268x128xf32>
    %add3A_11 = arith.addf %dot_general3A_7, %add3A : vector<268x128xf32>
    %get3A_12 = arith.constant 0 : index
    %get3A_13 = arith.constant 0 : index
    %get3A_14 = vector.load %arg4[%get3A_12, %get3A_13] : memref<1x128xf32, #tpu.memory_space<vmem>>, vector<1x128xf32>
    %get3A_15 = arith.constant 0 : index
    %get3A_16 = arith.constant 0 : index
    %get3A_17 = vector.load %arg5[%get3A_15, %get3A_16] : memref<1x128xf32, #tpu.memory_space<vmem>>, vector<1x128xf32>
    %reduce_sum3A = arith.constant dense<0.000000e+00> : vector<268xf32>
    %reduce_sum3A_18 = vector.multi_reduction <add>, %add3A_11, %reduce_sum3A [1] : vector<268x128xf32> to vector<268xf32>
    %broadcast_in_dim3A = vector.shape_cast %reduce_sum3A_18 : vector<268xf32> to vector<268x1xf32>
    %div3A = arith.constant 1.280000e+02 : f32
    %div3A_19 = vector.broadcast %div3A : f32 to vector<268x1xf32>
    %div3A_20 = arith.divf %broadcast_in_dim3A, %div3A_19 : vector<268x1xf32>
    %sub3A = vector.broadcast %div3A_20 : vector<268x1xf32> to vector<268x128xf32>
    %sub3A_21 = arith.subf %add3A_11, %sub3A : vector<268x128xf32>
    %integer_pow3A = arith.mulf %sub3A_21, %sub3A_21 : vector<268x128xf32>
    %reduce_sum3A_22 = arith.constant dense<0.000000e+00> : vector<268xf32>
    %reduce_sum3A_23 = vector.multi_reduction <add>, %integer_pow3A, %reduce_sum3A_22 [1] : vector<268x128xf32> to vector<268xf32>
    %broadcast_in_dim3A_24 = vector.shape_cast %reduce_sum3A_23 : vector<268xf32> to vector<268x1xf32>
    %div3A_25 = arith.constant 1.280000e+02 : f32
    %div3A_26 = vector.broadcast %div3A_25 : f32 to vector<268x1xf32>
    %div3A_27 = arith.divf %broadcast_in_dim3A_24, %div3A_26 : vector<268x1xf32>
    %sub3A_28 = vector.broadcast %div3A_20 : vector<268x1xf32> to vector<268x128xf32>
    %sub3A_29 = arith.subf %add3A_11, %sub3A_28 : vector<268x128xf32>
    %add3A_30 = arith.constant 9.99999974E-6 : f32
    %add3A_31 = vector.broadcast %add3A_30 : f32 to vector<268x1xf32>
    %add3A_32 = arith.addf %div3A_27, %add3A_31 : vector<268x1xf32>
    %sqrt3A = math.sqrt %add3A_32 : vector<268x1xf32>
    %div3A_33 = vector.broadcast %sqrt3A : vector<268x1xf32> to vector<268x128xf32>
    %div3A_34 = arith.divf %sub3A_29, %div3A_33 : vector<268x128xf32>
    %mul3A = vector.broadcast %get3A_14 : vector<1x128xf32> to vector<268x128xf32>
    %mul3A_35 = arith.mulf %div3A_34, %mul3A : vector<268x128xf32>
    %add3A_36 = vector.broadcast %get3A_17 : vector<1x128xf32> to vector<268x128xf32>
    %add3A_37 = arith.addf %mul3A_35, %add3A_36 : vector<268x128xf32>
    %gt3A = arith.constant 0.000000e+00 : f32
    %gt3A_38 = vector.broadcast %gt3A : f32 to vector<268x128xf32>
    %gt3A_39 = arith.cmpf ogt, %add3A_37, %gt3A_38 : vector<268x128xf32>
    %exp3A = math.exp %add3A_37 : vector<268x128xf32>
    %sub3A_40 = arith.constant 1.000000e+00 : f32
    %sub3A_41 = vector.broadcast %sub3A_40 : f32 to vector<268x128xf32>
    %sub3A_42 = arith.subf %exp3A, %sub3A_41 : vector<268x128xf32>
    %select_n3A = arith.select %gt3A_39, %add3A_37, %sub3A_42 : vector<268x128xi1>, vector<268x128xf32>
    %get3A_43 = arith.constant 0 : index
    %get3A_44 = arith.constant 0 : index
    %get3A_45 = vector.load %arg6[%get3A_43, %get3A_44] : memref<268x7xf32, #tpu.memory_space<vmem>>, vector<268x7xf32>
    %reduce_max3A = arith.constant dense<0xFF800000> : vector<268xf32>
    %reduce_max3A_46 = vector.multi_reduction <maximumf>, %get3A_45, %reduce_max3A [1] : vector<268x7xf32> to vector<268xf32>
    %broadcast_in_dim3A_47 = vector.shape_cast %reduce_max3A_46 : vector<268xf32> to vector<268x1xf32>
    %sub3A_48 = vector.broadcast %broadcast_in_dim3A_47 : vector<268x1xf32> to vector<268x7xf32>
    %sub3A_49 = arith.subf %get3A_45, %sub3A_48 : vector<268x7xf32>
    %exp3A_50 = math.exp %sub3A_49 : vector<268x7xf32>
    %reduce_sum3A_51 = arith.constant dense<0.000000e+00> : vector<268xf32>
    %reduce_sum3A_52 = vector.multi_reduction <add>, %exp3A_50, %reduce_sum3A_51 [1] : vector<268x7xf32> to vector<268xf32>
    %broadcast_in_dim3A_53 = vector.shape_cast %reduce_sum3A_52 : vector<268xf32> to vector<268x1xf32>
    %div3A_54 = vector.broadcast %broadcast_in_dim3A_53 : vector<268x1xf32> to vector<268x7xf32>
    %div3A_55 = arith.divf %exp3A_50, %div3A_54 : vector<268x7xf32>
    %broadcast_in_dim3A_56 = arith.constant 0.000000e+00 : f32
    %broadcast_in_dim3A_57 = vector.broadcast %broadcast_in_dim3A_56 : f32 to vector<268x128xf32>
    %slice3A = vector.extract_strided_slice %div3A_55 {offsets = [0, 0], sizes = [268, 1], strides = [1, 1]} : vector<268x7xf32> to vector<268x1xf32>
    %mul3A_58 = vector.broadcast %slice3A : vector<268x1xf32> to vector<268x128xf32>
    %mul3A_59 = arith.mulf %select_n3A, %mul3A_58 : vector<268x128xf32>
    %get3A_60 = arith.constant 0 : index
    %get3A_61 = arith.constant 0 : index
    %get3A_62 = arith.constant 0 : index
    %get3A_63 = vector.load %arg7[%get3A_60, %get3A_61, %get3A_62] : memref<7x128x128xf32, #tpu.memory_space<vmem>>, vector<1x128x128xf32>
    %get3A_64 = vector.shape_cast %get3A_63 : vector<1x128x128xf32> to vector<128x128xf32>
    %dot_general3A_65 = arith.constant dense<0.000000e+00> : vector<268x128xf32>
    %dot_general3A_66 = tpu.matmul %mul3A_59, %get3A_64, %dot_general3A_65 {dimension_numbers = #tpu.dot_dimension_numbers<[1], [0], [0], [1], [0, 0, 1, 1], [], []>, transpose_lhs_hint = false} : vector<268x128xf32>, vector<128x128xf32>, vector<268x128xf32> -> vector<268x128xf32>
    %add3A_67 = arith.addf %broadcast_in_dim3A_57, %dot_general3A_66 : vector<268x128xf32>
    %slice3A_68 = vector.extract_strided_slice %div3A_55 {offsets = [0, 1], sizes = [268, 1], strides = [1, 1]} : vector<268x7xf32> to vector<268x1xf32>
    %mul3A_69 = vector.broadcast %slice3A_68 : vector<268x1xf32> to vector<268x128xf32>
    %mul3A_70 = arith.mulf %select_n3A, %mul3A_69 : vector<268x128xf32>
    %get3A_71 = arith.constant 1 : index
    %get3A_72 = arith.constant 0 : index
    %get3A_73 = arith.constant 0 : index
    %get3A_74 = vector.load %arg7[%get3A_71, %get3A_72, %get3A_73] : memref<7x128x128xf32, #tpu.memory_space<vmem>>, vector<1x128x128xf32>
    %get3A_75 = vector.shape_cast %get3A_74 : vector<1x128x128xf32> to vector<128x128xf32>
    %dot_general3A_76 = arith.constant dense<0.000000e+00> : vector<268x128xf32>
    %dot_general3A_77 = tpu.matmul %mul3A_70, %get3A_75, %dot_general3A_76 {dimension_numbers = #tpu.dot_dimension_numbers<[1], [0], [0], [1], [0, 0, 1, 1], [], []>, transpose_lhs_hint = false} : vector<268x128xf32>, vector<128x128xf32>, vector<268x128xf32> -> vector<268x128xf32>
    %add3A_78 = arith.addf %add3A_67, %dot_general3A_77 : vector<268x128xf32>
    %slice3A_79 = vector.extract_strided_slice %div3A_55 {offsets = [0, 2], sizes = [268, 1], strides = [1, 1]} : vector<268x7xf32> to vector<268x1xf32>
    %mul3A_80 = vector.broadcast %slice3A_79 : vector<268x1xf32> to vector<268x128xf32>
    %mul3A_81 = arith.mulf %select_n3A, %mul3A_80 : vector<268x128xf32>
    %get3A_82 = arith.constant 2 : index
    %get3A_83 = arith.constant 0 : index
    %get3A_84 = arith.constant 0 : index
    %get3A_85 = vector.load %arg7[%get3A_82, %get3A_83, %get3A_84] : memref<7x128x128xf32, #tpu.memory_space<vmem>>, vector<1x128x128xf32>
    %get3A_86 = vector.shape_cast %get3A_85 : vector<1x128x128xf32> to vector<128x128xf32>
    %dot_general3A_87 = arith.constant dense<0.000000e+00> : vector<268x128xf32>
    %dot_general3A_88 = tpu.matmul %mul3A_81, %get3A_86, %dot_general3A_87 {dimension_numbers = #tpu.dot_dimension_numbers<[1], [0], [0], [1], [0, 0, 1, 1], [], []>, transpose_lhs_hint = false} : vector<268x128xf32>, vector<128x128xf32>, vector<268x128xf32> -> vector<268x128xf32>
    %add3A_89 = arith.addf %add3A_78, %dot_general3A_88 : vector<268x128xf32>
    %slice3A_90 = vector.extract_strided_slice %div3A_55 {offsets = [0, 3], sizes = [268, 1], strides = [1, 1]} : vector<268x7xf32> to vector<268x1xf32>
    %mul3A_91 = vector.broadcast %slice3A_90 : vector<268x1xf32> to vector<268x128xf32>
    %mul3A_92 = arith.mulf %select_n3A, %mul3A_91 : vector<268x128xf32>
    %get3A_93 = arith.constant 3 : index
    %get3A_94 = arith.constant 0 : index
    %get3A_95 = arith.constant 0 : index
    %get3A_96 = vector.load %arg7[%get3A_93, %get3A_94, %get3A_95] : memref<7x128x128xf32, #tpu.memory_space<vmem>>, vector<1x128x128xf32>
    %get3A_97 = vector.shape_cast %get3A_96 : vector<1x128x128xf32> to vector<128x128xf32>
    %dot_general3A_98 = arith.constant dense<0.000000e+00> : vector<268x128xf32>
    %dot_general3A_99 = tpu.matmul %mul3A_92, %get3A_97, %dot_general3A_98 {dimension_numbers = #tpu.dot_dimension_numbers<[1], [0], [0], [1], [0, 0, 1, 1], [], []>, transpose_lhs_hint = false} : vector<268x128xf32>, vector<128x128xf32>, vector<268x128xf32> -> vector<268x128xf32>
    %add3A_100 = arith.addf %add3A_89, %dot_general3A_99 : vector<268x128xf32>
    %slice3A_101 = vector.extract_strided_slice %div3A_55 {offsets = [0, 4], sizes = [268, 1], strides = [1, 1]} : vector<268x7xf32> to vector<268x1xf32>
    %mul3A_102 = vector.broadcast %slice3A_101 : vector<268x1xf32> to vector<268x128xf32>
    %mul3A_103 = arith.mulf %select_n3A, %mul3A_102 : vector<268x128xf32>
    %get3A_104 = arith.constant 4 : index
    %get3A_105 = arith.constant 0 : index
    %get3A_106 = arith.constant 0 : index
    %get3A_107 = vector.load %arg7[%get3A_104, %get3A_105, %get3A_106] : memref<7x128x128xf32, #tpu.memory_space<vmem>>, vector<1x128x128xf32>
    %get3A_108 = vector.shape_cast %get3A_107 : vector<1x128x128xf32> to vector<128x128xf32>
    %dot_general3A_109 = arith.constant dense<0.000000e+00> : vector<268x128xf32>
    %dot_general3A_110 = tpu.matmul %mul3A_103, %get3A_108, %dot_general3A_109 {dimension_numbers = #tpu.dot_dimension_numbers<[1], [0], [0], [1], [0, 0, 1, 1], [], []>, transpose_lhs_hint = false} : vector<268x128xf32>, vector<128x128xf32>, vector<268x128xf32> -> vector<268x128xf32>
    %add3A_111 = arith.addf %add3A_100, %dot_general3A_110 : vector<268x128xf32>
    %slice3A_112 = vector.extract_strided_slice %div3A_55 {offsets = [0, 5], sizes = [268, 1], strides = [1, 1]} : vector<268x7xf32> to vector<268x1xf32>
    %mul3A_113 = vector.broadcast %slice3A_112 : vector<268x1xf32> to vector<268x128xf32>
    %mul3A_114 = arith.mulf %select_n3A, %mul3A_113 : vector<268x128xf32>
    %get3A_115 = arith.constant 5 : index
    %get3A_116 = arith.constant 0 : index
    %get3A_117 = arith.constant 0 : index
    %get3A_118 = vector.load %arg7[%get3A_115, %get3A_116, %get3A_117] : memref<7x128x128xf32, #tpu.memory_space<vmem>>, vector<1x128x128xf32>
    %get3A_119 = vector.shape_cast %get3A_118 : vector<1x128x128xf32> to vector<128x128xf32>
    %dot_general3A_120 = arith.constant dense<0.000000e+00> : vector<268x128xf32>
    %dot_general3A_121 = tpu.matmul %mul3A_114, %get3A_119, %dot_general3A_120 {dimension_numbers = #tpu.dot_dimension_numbers<[1], [0], [0], [1], [0, 0, 1, 1], [], []>, transpose_lhs_hint = false} : vector<268x128xf32>, vector<128x128xf32>, vector<268x128xf32> -> vector<268x128xf32>
    %add3A_122 = arith.addf %add3A_111, %dot_general3A_121 : vector<268x128xf32>
    %slice3A_123 = vector.extract_strided_slice %div3A_55 {offsets = [0, 6], sizes = [268, 1], strides = [1, 1]} : vector<268x7xf32> to vector<268x1xf32>
    %mul3A_124 = vector.broadcast %slice3A_123 : vector<268x1xf32> to vector<268x128xf32>
    %mul3A_125 = arith.mulf %select_n3A, %mul3A_124 : vector<268x128xf32>
    %get3A_126 = arith.constant 6 : index
    %get3A_127 = arith.constant 0 : index
    %get3A_128 = arith.constant 0 : index
    %get3A_129 = vector.load %arg7[%get3A_126, %get3A_127, %get3A_128] : memref<7x128x128xf32, #tpu.memory_space<vmem>>, vector<1x128x128xf32>
    %get3A_130 = vector.shape_cast %get3A_129 : vector<1x128x128xf32> to vector<128x128xf32>
    %dot_general3A_131 = arith.constant dense<0.000000e+00> : vector<268x128xf32>
    %dot_general3A_132 = tpu.matmul %mul3A_125, %get3A_130, %dot_general3A_131 {dimension_numbers = #tpu.dot_dimension_numbers<[1], [0], [0], [1], [0, 0, 1, 1], [], []>, transpose_lhs_hint = false} : vector<268x128xf32>, vector<128x128xf32>, vector<268x128xf32> -> vector<268x128xf32>
    %add3A_133 = arith.addf %add3A_122, %dot_general3A_132 : vector<268x128xf32>
    %broadcast_in_dim3A_134 = arith.constant 0.000000e+00 : f32
    %broadcast_in_dim3A_135 = vector.broadcast %broadcast_in_dim3A_134 : f32 to vector<4x128xf32>
    %concatenate3A = tpu.concatenate %add3A_133, %broadcast_in_dim3A_135 in 0 : vector<268x128xf32>, vector<4x128xf32> -> vector<272x128xf32>
    %swap3A = arith.constant 0 : index
    %swap3A_136 = arith.constant 0 : index
    %swap3A_137 = vector.load %arg8[%swap3A, %swap3A_136] : memref<272x128xf32, #tpu.memory_space<vmem>>, vector<272x128xf32>
    tpu.vector_store %arg8[%swap3A, %swap3A_136], %concatenate3A {strides = array<i32>} : memref<272x128xf32, #tpu.memory_space<vmem>>, vector<272x128xf32>,
    return
  }
  func.func @transform_0(%arg0: i32) -> (i32, i32, i32) {
    %c0_i32 = arith.constant 0 : i32
    %c0_i32_0 = arith.constant 0 : i32
    %c0_i32_1 = arith.constant 0 : i32
    return %arg0, %c0_i32, %c0_i32_0 : i32, i32, i32
  }
  func.func @transform_1(%arg0: i32) -> (i32, i32) {
    %c0_i32 = arith.constant 0 : i32
    %c0_i32_0 = arith.constant 0 : i32
    %c0_i32_1 = arith.constant 0 : i32
    return %c0_i32, %c0_i32_0 : i32, i32
  }
  func.func @transform_2(%arg0: i32) -> (i32, i32) {
    %c0_i32 = arith.constant 0 : i32
    %c0_i32_0 = arith.constant 0 : i32
    %c0_i32_1 = arith.constant 0 : i32
    return %c0_i32, %c0_i32_0 : i32, i32
  }
  func.func @transform_3(%arg0: i32) -> (i32, i32) {
    %c0_i32 = arith.constant 0 : i32
    %c0_i32_0 = arith.constant 0 : i32
    %c0_i32_1 = arith.constant 0 : i32
    return %c0_i32, %c0_i32_0 : i32, i32
  }
  func.func @transform_4(%arg0: i32) -> (i32, i32) {
    %c0_i32 = arith.constant 0 : i32
    %c0_i32_0 = arith.constant 0 : i32
    %c0_i32_1 = arith.constant 0 : i32
    return %c0_i32, %c0_i32_0 : i32, i32
  }
  func.func @transform_5(%arg0: i32) -> (i32, i32) {
    %c0_i32 = arith.constant 0 : i32
    %c0_i32_0 = arith.constant 0 : i32
    %c0_i32_1 = arith.constant 0 : i32
    return %c0_i32, %c0_i32_0 : i32, i32
  }
  func.func @transform_6(%arg0: i32) -> (i32, i32, i32) {
    %c0_i32 = arith.constant 0 : i32
    %c0_i32_0 = arith.constant 0 : i32
    %c0_i32_1 = arith.constant 0 : i32
    %c0_i32_2 = arith.constant 0 : i32
    return %c0_i32, %c0_i32_0, %c0_i32_1 : i32, i32, i32
  }
  func.func @transform_7(%arg0: i32) -> (i32, i32) {
    %c0_i32 = arith.constant 0 : i32
    %c0_i32_0 = arith.constant 0 : i32
    return %arg0, %c0_i32 : i32, i32
  }
}

module attributes {stable_mosaic.version = 14 : i64} {
  func.func @_post_body(%arg0: i32, %arg1: memref<1x272x128xf32, #tpu.memory_space<vmem>>, %arg2: memref<1x272x128xf32, #tpu.memory_space<vmem>>, %arg3: memref<272x128xf32, #tpu.memory_space<vmem>>, %arg4: memref<1x128xf32, #tpu.memory_space<vmem>>, %arg5: memref<1x128xf32, #tpu.memory_space<vmem>>, %arg6: memref<1x128xf32, #tpu.memory_space<vmem>>, %arg7: memref<1x128xf32, #tpu.memory_space<vmem>>, %arg8: memref<1x128xf32, #tpu.memory_space<vmem>>, %arg9: memref<128x128xf32, #tpu.memory_space<vmem>>, %arg10: memref<1x128xf32, #tpu.memory_space<vmem>>, %arg11: memref<128x1xf32, #tpu.memory_space<vmem>>, %arg12: memref<1x1xf32, #tpu.memory_space<vmem>>, %arg13: memref<128x128xf32, #tpu.memory_space<vmem>>, %arg14: memref<1x128xf32, #tpu.memory_space<vmem>>, %arg15: memref<128x1xf32, #tpu.memory_space<vmem>>, %arg16: memref<1x1xf32, #tpu.memory_space<vmem>>, %arg17: memref<128x128xf32, #tpu.memory_space<vmem>>, %arg18: memref<1x128xf32, #tpu.memory_space<vmem>>, %arg19: memref<1x128xf32, #tpu.memory_space<vmem>>, %arg20: memref<1x128xf32, #tpu.memory_space<vmem>>, %arg21: memref<128x64xf32, #tpu.memory_space<vmem>>, %arg22: memref<1x64xf32, #tpu.memory_space<vmem>>, %arg23: memref<64x1xf32, #tpu.memory_space<vmem>>, %arg24: memref<1x1xf32, #tpu.memory_space<vmem>>, %arg25: memref<1x8x128xf32, #tpu.memory_space<vmem>>) attributes {dimension_semantics = [#tpu.dimension_semantics<arbitrary>], iteration_bounds = array<i64: 37>, scalar_prefetch = 0 : i64, scratch_operands = 0 : i64, tpu.core_type = #tpu.core_type<tc>, window_params = [{transform_indices = @transform_0, window_bounds = array<i64: 1, 272, 128>}, {transform_indices = @transform_1, window_bounds = array<i64: 1, 272, 128>}, {transform_indices = @transform_2, window_bounds = array<i64: 272, 128>}, {pipeline_mode = #tpu.pipeline_mode<synchronous>, transform_indices = @transform_3, window_bounds = array<i64: 1, 128>}, {pipeline_mode = #tpu.pipeline_mode<synchronous>, transform_indices = @transform_4, window_bounds = array<i64: 1, 128>}, {pipeline_mode = #tpu.pipeline_mode<synchronous>, transform_indices = @transform_5, window_bounds = array<i64: 1, 128>}, {pipeline_mode = #tpu.pipeline_mode<synchronous>, transform_indices = @transform_6, window_bounds = array<i64: 1, 128>}, {pipeline_mode = #tpu.pipeline_mode<synchronous>, transform_indices = @transform_7, window_bounds = array<i64: 1, 128>}, {pipeline_mode = #tpu.pipeline_mode<synchronous>, transform_indices = @transform_8, window_bounds = array<i64: 128, 128>}, {pipeline_mode = #tpu.pipeline_mode<synchronous>, transform_indices = @transform_9, window_bounds = array<i64: 1, 128>}, {pipeline_mode = #tpu.pipeline_mode<synchronous>, transform_indices = @transform_10, window_bounds = array<i64: 128, 1>}, {pipeline_mode = #tpu.pipeline_mode<synchronous>, transform_indices = @transform_11, window_bounds = array<i64: 1, 1>}, {pipeline_mode = #tpu.pipeline_mode<synchronous>, transform_indices = @transform_12, window_bounds = array<i64: 128, 128>}, {pipeline_mode = #tpu.pipeline_mode<synchronous>, transform_indices = @transform_13, window_bounds = array<i64: 1, 128>}, {pipeline_mode = #tpu.pipeline_mode<synchronous>, transform_indices = @transform_14, window_bounds = array<i64: 128, 1>}, {pipeline_mode = #tpu.pipeline_mode<synchronous>, transform_indices = @transform_15, window_bounds = array<i64: 1, 1>}, {pipeline_mode = #tpu.pipeline_mode<synchronous>, transform_indices = @transform_16, window_bounds = array<i64: 128, 128>}, {pipeline_mode = #tpu.pipeline_mode<synchronous>, transform_indices = @transform_17, window_bounds = array<i64: 1, 128>}, {pipeline_mode = #tpu.pipeline_mode<synchronous>, transform_indices = @transform_18, window_bounds = array<i64: 1, 128>}, {pipeline_mode = #tpu.pipeline_mode<synchronous>, transform_indices = @transform_19, window_bounds = array<i64: 1, 128>}, {pipeline_mode = #tpu.pipeline_mode<synchronous>, transform_indices = @transform_20, window_bounds = array<i64: 128, 64>}, {pipeline_mode = #tpu.pipeline_mode<synchronous>, transform_indices = @transform_21, window_bounds = array<i64: 1, 64>}, {pipeline_mode = #tpu.pipeline_mode<synchronous>, transform_indices = @transform_22, window_bounds = array<i64: 64, 1>}, {pipeline_mode = #tpu.pipeline_mode<synchronous>, transform_indices = @transform_23, window_bounds = array<i64: 1, 1>}, {transform_indices = @transform_24, window_bounds = array<i64: 1, 8, 128>}]} {
    %get3A = arith.constant 0 : index
    %get3A_0 = arith.constant 0 : index
    %get3A_1 = vector.load %arg4[%get3A, %get3A_0] : memref<1x128xf32, #tpu.memory_space<vmem>>, vector<1x128xf32>
    %get3A_2 = arith.constant 0 : index
    %get3A_3 = arith.constant 0 : index
    %get3A_4 = vector.load %arg5[%get3A_2, %get3A_3] : memref<1x128xf32, #tpu.memory_space<vmem>>, vector<1x128xf32>
    %add3A = arith.addf %get3A_1, %get3A_4 : vector<1x128xf32>
    %neg3A = arith.constant 0.000000e+00 : f32
    %neg3A_5 = vector.broadcast %neg3A : f32 to vector<1x128xf32>
    %neg3A_6 = arith.subf %neg3A_5, %add3A : vector<1x128xf32>
    %exp3A = math.exp %neg3A_6 : vector<1x128xf32>
    %add3A_7 = arith.constant 1.000000e+00 : f32
    %add3A_8 = vector.broadcast %add3A_7 : f32 to vector<1x128xf32>
    %add3A_9 = arith.addf %add3A_8, %exp3A : vector<1x128xf32>
    %div3A = arith.constant 1.000000e+00 : f32
    %div3A_10 = vector.broadcast %div3A : f32 to vector<1x128xf32>
    %div3A_11 = arith.divf %div3A_10, %add3A_9 : vector<1x128xf32>
    %get3A_12 = arith.constant 0 : index
    %get3A_13 = arith.constant 0 : index
    %get3A_14 = arith.constant 0 : index
    %get3A_15 = vector.load %arg1[%get3A_12, %get3A_13, %get3A_14] : memref<1x272x128xf32, #tpu.memory_space<vmem>>, vector<1x272x128xf32>
    %get3A_16 = vector.shape_cast %get3A_15 : vector<1x272x128xf32> to vector<272x128xf32>
    %get3A_17 = arith.constant 0 : index
    %get3A_18 = arith.constant 0 : index
    %get3A_19 = arith.constant 0 : index
    %get3A_20 = vector.load %arg2[%get3A_17, %get3A_18, %get3A_19] : memref<1x272x128xf32, #tpu.memory_space<vmem>>, vector<1x272x128xf32>
    %get3A_21 = vector.shape_cast %get3A_20 : vector<1x272x128xf32> to vector<272x128xf32>
    %add3A_22 = arith.addf %get3A_16, %get3A_21 : vector<272x128xf32>
    %get3A_23 = arith.constant 0 : index
    %get3A_24 = arith.constant 0 : index
    %get3A_25 = vector.load %arg3[%get3A_23, %get3A_24] : memref<272x128xf32, #tpu.memory_space<vmem>>, vector<272x128xf32>
    %mul3A = vector.broadcast %div3A_11 : vector<1x128xf32> to vector<272x128xf32>
    %mul3A_26 = arith.mulf %get3A_25, %mul3A : vector<272x128xf32>
    %add3A_27 = arith.addf %add3A_22, %mul3A_26 : vector<272x128xf32>
    %get3A_28 = arith.constant 0 : index
    %get3A_29 = arith.constant 0 : index
    %get3A_30 = vector.load %arg6[%get3A_28, %get3A_29] : memref<1x128xf32, #tpu.memory_space<vmem>>, vector<1x128xf32>
    %add3A_31 = vector.broadcast %get3A_30 : vector<1x128xf32> to vector<272x128xf32>
    %add3A_32 = arith.addf %add3A_27, %add3A_31 : vector<272x128xf32>
    %gt3A = arith.constant 0.000000e+00 : f32
    %gt3A_33 = vector.broadcast %gt3A : f32 to vector<272x128xf32>
    %gt3A_34 = arith.cmpf ogt, %add3A_32, %gt3A_33 : vector<272x128xf32>
    %exp3A_35 = math.exp %add3A_32 : vector<272x128xf32>
    %sub3A = arith.constant 1.000000e+00 : f32
    %sub3A_36 = vector.broadcast %sub3A : f32 to vector<272x128xf32>
    %sub3A_37 = arith.subf %exp3A_35, %sub3A_36 : vector<272x128xf32>
    %select_n3A = arith.select %gt3A_34, %add3A_32, %sub3A_37 : vector<272x128xi1>, vector<272x128xf32>
    %get3A_38 = arith.constant 0 : index
    %get3A_39 = arith.constant 0 : index
    %get3A_40 = vector.load %arg7[%get3A_38, %get3A_39] : memref<1x128xf32, #tpu.memory_space<vmem>>, vector<1x128xf32>
    %get3A_41 = arith.constant 0 : index
    %get3A_42 = arith.constant 0 : index
    %get3A_43 = vector.load %arg8[%get3A_41, %get3A_42] : memref<1x128xf32, #tpu.memory_space<vmem>>, vector<1x128xf32>
    %reduce_sum3A = arith.constant dense<0.000000e+00> : vector<272xf32>
    %reduce_sum3A_44 = vector.multi_reduction <add>, %select_n3A, %reduce_sum3A [1] : vector<272x128xf32> to vector<272xf32>
    %broadcast_in_dim3A = vector.shape_cast %reduce_sum3A_44 : vector<272xf32> to vector<272x1xf32>
    %div3A_45 = arith.constant 1.280000e+02 : f32
    %div3A_46 = vector.broadcast %div3A_45 : f32 to vector<272x1xf32>
    %div3A_47 = arith.divf %broadcast_in_dim3A, %div3A_46 : vector<272x1xf32>
    %sub3A_48 = vector.broadcast %div3A_47 : vector<272x1xf32> to vector<272x128xf32>
    %sub3A_49 = arith.subf %select_n3A, %sub3A_48 : vector<272x128xf32>
    %integer_pow3A = arith.mulf %sub3A_49, %sub3A_49 : vector<272x128xf32>
    %reduce_sum3A_50 = arith.constant dense<0.000000e+00> : vector<272xf32>
    %reduce_sum3A_51 = vector.multi_reduction <add>, %integer_pow3A, %reduce_sum3A_50 [1] : vector<272x128xf32> to vector<272xf32>
    %broadcast_in_dim3A_52 = vector.shape_cast %reduce_sum3A_51 : vector<272xf32> to vector<272x1xf32>
    %div3A_53 = arith.constant 1.280000e+02 : f32
    %div3A_54 = vector.broadcast %div3A_53 : f32 to vector<272x1xf32>
    %div3A_55 = arith.divf %broadcast_in_dim3A_52, %div3A_54 : vector<272x1xf32>
    %sub3A_56 = vector.broadcast %div3A_47 : vector<272x1xf32> to vector<272x128xf32>
    %sub3A_57 = arith.subf %select_n3A, %sub3A_56 : vector<272x128xf32>
    %add3A_58 = arith.constant 9.99999974E-6 : f32
    %add3A_59 = vector.broadcast %add3A_58 : f32 to vector<272x1xf32>
    %add3A_60 = arith.addf %div3A_55, %add3A_59 : vector<272x1xf32>
    %sqrt3A = math.sqrt %add3A_60 : vector<272x1xf32>
    %div3A_61 = vector.broadcast %sqrt3A : vector<272x1xf32> to vector<272x128xf32>
    %div3A_62 = arith.divf %sub3A_57, %div3A_61 : vector<272x128xf32>
    %mul3A_63 = vector.broadcast %get3A_40 : vector<1x128xf32> to vector<272x128xf32>
    %mul3A_64 = arith.mulf %div3A_62, %mul3A_63 : vector<272x128xf32>
    %add3A_65 = vector.broadcast %get3A_43 : vector<1x128xf32> to vector<272x128xf32>
    %add3A_66 = arith.addf %mul3A_64, %add3A_65 : vector<272x128xf32>
    %get3A_67 = arith.constant 0 : index
    %get3A_68 = arith.constant 0 : index
    %get3A_69 = vector.load %arg9[%get3A_67, %get3A_68] : memref<128x128xf32, #tpu.memory_space<vmem>>, vector<128x128xf32>
    %dot_general3A = arith.constant dense<0.000000e+00> : vector<272x128xf32>
    %dot_general3A_70 = tpu.matmul %add3A_66, %get3A_69, %dot_general3A {dimension_numbers = #tpu.dot_dimension_numbers<[1], [0], [0], [1], [0, 0, 1, 1], [], []>, transpose_lhs_hint = false} : vector<272x128xf32>, vector<128x128xf32>, vector<272x128xf32> -> vector<272x128xf32>
    %get3A_71 = arith.constant 0 : index
    %get3A_72 = arith.constant 0 : index
    %get3A_73 = vector.load %arg10[%get3A_71, %get3A_72] : memref<1x128xf32, #tpu.memory_space<vmem>>, vector<1x128xf32>
    %add3A_74 = vector.broadcast %get3A_73 : vector<1x128xf32> to vector<272x128xf32>
    %add3A_75 = arith.addf %dot_general3A_70, %add3A_74 : vector<272x128xf32>
    %tanh3A = math.tanh %add3A_75 : vector<272x128xf32>
    %get3A_76 = arith.constant 0 : index
    %get3A_77 = arith.constant 0 : index
    %get3A_78 = vector.load %arg11[%get3A_76, %get3A_77] : memref<128x1xf32, #tpu.memory_space<vmem>>, vector<128x1xf32>
    %dot_general3A_79 = arith.constant dense<0.000000e+00> : vector<272x1xf32>
    %dot_general3A_80 = tpu.matmul %tanh3A, %get3A_78, %dot_general3A_79 {dimension_numbers = #tpu.dot_dimension_numbers<[1], [0], [0], [1], [0, 0, 1, 1], [], []>, transpose_lhs_hint = false} : vector<272x128xf32>, vector<128x1xf32>, vector<272x1xf32> -> vector<272x1xf32>
    %get3A_81 = arith.constant 0 : index
    %get3A_82 = arith.constant 0 : index
    %get3A_83 = vector.load %arg12[%get3A_81, %get3A_82] : memref<1x1xf32, #tpu.memory_space<vmem>>, vector<1x1xf32>
    %add3A_84 = vector.broadcast %get3A_83 : vector<1x1xf32> to vector<272x1xf32>
    %add3A_85 = arith.addf %dot_general3A_80, %add3A_84 : vector<272x1xf32>
    %iota3A = tpu.iota {dimensions = array<i32: 0>} : vector<272x272xi32>
    %iota3A_86 = tpu.iota {dimensions = array<i32: 1>} : vector<272x272xi32>
    %iota3A_87 = tpu.iota {dimensions = array<i32: 0>} : vector<272x1xi32>
    %lt3A = arith.constant 268 : i32
    %lt3A_88 = vector.broadcast %lt3A : i32 to vector<272x1xi32>
    %lt3A_89 = arith.cmpi slt, %iota3A_87, %lt3A_88 : vector<272x1xi32>
    %jit3A = arith.constant -3.000000e+38 : f32
    %broadcast_in_dim3A_90 = vector.broadcast %jit3A : f32 to vector<272x1xf32>
    %select_n3A_91 = arith.select %lt3A_89, %add3A_85, %broadcast_in_dim3A_90 : vector<272x1xi1>, vector<272x1xf32>
    %eq3A = arith.cmpi eq, %iota3A, %iota3A_86 : vector<272x272xi32>
    %convert_element_type3A = arith.extui %eq3A : vector<272x272xi1> to vector<272x272xi32>
    %convert_element_type3A_92 = arith.sitofp %convert_element_type3A : vector<272x272xi32> to vector<272x272xf32>
    %dot_general3A_93 = arith.constant dense<0.000000e+00> : vector<1x272xf32>
    %dot_general3A_94 = tpu.matmul %select_n3A_91, %convert_element_type3A_92, %dot_general3A_93 {dimension_numbers = #tpu.dot_dimension_numbers<[0], [0], [1], [1], [0, 1, 1, 1], [], []>, transpose_lhs_hint = false} : vector<272x1xf32>, vector<272x272xf32>, vector<1x272xf32> -> vector<1x272xf32>
    %gt3A_95 = vector.broadcast %dot_general3A_94 : vector<1x272xf32> to vector<272x272xf32>
    %gt3A_96 = vector.broadcast %select_n3A_91 : vector<272x1xf32> to vector<272x272xf32>
    %gt3A_97 = arith.cmpf ogt, %gt3A_95, %gt3A_96 : vector<272x272xf32>
    %convert_element_type3A_98 = arith.extui %gt3A_97 : vector<272x272xi1> to vector<272x272xi32>
    %convert_element_type3A_99 = arith.sitofp %convert_element_type3A_98 : vector<272x272xi32> to vector<272x272xf32>
    %eq3A_100 = vector.broadcast %dot_general3A_94 : vector<1x272xf32> to vector<272x272xf32>
    %eq3A_101 = vector.broadcast %select_n3A_91 : vector<272x1xf32> to vector<272x272xf32>
    %eq3A_102 = arith.cmpf oeq, %eq3A_100, %eq3A_101 : vector<272x272xf32>
    %lt3A_103 = arith.cmpi slt, %iota3A_86, %iota3A : vector<272x272xi32>
    %and3A = arith.andi %eq3A_102, %lt3A_103 : vector<272x272xi1>
    %convert_element_type3A_104 = arith.extui %and3A : vector<272x272xi1> to vector<272x272xi32>
    %convert_element_type3A_105 = arith.sitofp %convert_element_type3A_104 : vector<272x272xi32> to vector<272x272xf32>
    %add3A_106 = arith.addf %convert_element_type3A_99, %convert_element_type3A_105 : vector<272x272xf32>
    %reduce_sum3A_107 = arith.constant dense<0.000000e+00> : vector<272xf32>
    %reduce_sum3A_108 = vector.multi_reduction <add>, %add3A_106, %reduce_sum3A_107 [1] : vector<272x272xf32> to vector<272xf32>
    %broadcast_in_dim3A_109 = vector.shape_cast %reduce_sum3A_108 : vector<272xf32> to vector<272x1xf32>
    %lt3A_110 = arith.constant 2.140000e+02 : f32
    %lt3A_111 = vector.broadcast %lt3A_110 : f32 to vector<272x1xf32>
    %lt3A_112 = arith.cmpf olt, %broadcast_in_dim3A_109, %lt3A_111 : vector<272x1xf32>
    %neg3A_113 = arith.constant 0.000000e+00 : f32
    %neg3A_114 = vector.broadcast %neg3A_113 : f32 to vector<272x1xf32>
    %neg3A_115 = arith.subf %neg3A_114, %add3A_85 : vector<272x1xf32>
    %exp3A_116 = math.exp %neg3A_115 : vector<272x1xf32>
    %add3A_117 = arith.constant 1.000000e+00 : f32
    %add3A_118 = vector.broadcast %add3A_117 : f32 to vector<272x1xf32>
    %add3A_119 = arith.addf %add3A_118, %exp3A_116 : vector<272x1xf32>
    %div3A_120 = arith.constant 1.000000e+00 : f32
    %div3A_121 = vector.broadcast %div3A_120 : f32 to vector<272x1xf32>
    %div3A_122 = arith.divf %div3A_121, %add3A_119 : vector<272x1xf32>
    %mul3A_123 = vector.broadcast %div3A_122 : vector<272x1xf32> to vector<272x128xf32>
    %mul3A_124 = arith.mulf %add3A_66, %mul3A_123 : vector<272x128xf32>
    %get3A_125 = arith.constant 0 : index
    %get3A_126 = arith.constant 0 : index
    %get3A_127 = vector.load %arg13[%get3A_125, %get3A_126] : memref<128x128xf32, #tpu.memory_space<vmem>>, vector<128x128xf32>
    %dot_general3A_128 = arith.constant dense<0.000000e+00> : vector<272x128xf32>
    %dot_general3A_129 = tpu.matmul %mul3A_124, %get3A_127, %dot_general3A_128 {dimension_numbers = #tpu.dot_dimension_numbers<[1], [0], [0], [1], [0, 0, 1, 1], [], []>, transpose_lhs_hint = false} : vector<272x128xf32>, vector<128x128xf32>, vector<272x128xf32> -> vector<272x128xf32>
    %get3A_130 = arith.constant 0 : index
    %get3A_131 = arith.constant 0 : index
    %get3A_132 = vector.load %arg14[%get3A_130, %get3A_131] : memref<1x128xf32, #tpu.memory_space<vmem>>, vector<1x128xf32>
    %add3A_133 = vector.broadcast %get3A_132 : vector<1x128xf32> to vector<272x128xf32>
    %add3A_134 = arith.addf %dot_general3A_129, %add3A_133 : vector<272x128xf32>
    %tanh3A_135 = math.tanh %add3A_134 : vector<272x128xf32>
    %get3A_136 = arith.constant 0 : index
    %get3A_137 = arith.constant 0 : index
    %get3A_138 = vector.load %arg15[%get3A_136, %get3A_137] : memref<128x1xf32, #tpu.memory_space<vmem>>, vector<128x1xf32>
    %dot_general3A_139 = arith.constant dense<0.000000e+00> : vector<272x1xf32>
    %dot_general3A_140 = tpu.matmul %tanh3A_135, %get3A_138, %dot_general3A_139 {dimension_numbers = #tpu.dot_dimension_numbers<[1], [0], [0], [1], [0, 0, 1, 1], [], []>, transpose_lhs_hint = false} : vector<272x128xf32>, vector<128x1xf32>, vector<272x1xf32> -> vector<272x1xf32>
    %get3A_141 = arith.constant 0 : index
    %get3A_142 = arith.constant 0 : index
    %get3A_143 = vector.load %arg16[%get3A_141, %get3A_142] : memref<1x1xf32, #tpu.memory_space<vmem>>, vector<1x1xf32>
    %add3A_144 = vector.broadcast %get3A_143 : vector<1x1xf32> to vector<272x1xf32>
    %add3A_145 = arith.addf %dot_general3A_140, %add3A_144 : vector<272x1xf32>
    %jit3A_146 = arith.constant -3.000000e+38 : f32
    %broadcast_in_dim3A_147 = vector.broadcast %jit3A_146 : f32 to vector<272x1xf32>
    %select_n3A_148 = arith.select %lt3A_112, %add3A_145, %broadcast_in_dim3A_147 : vector<272x1xi1>, vector<272x1xf32>
    %reduce_max3A = arith.constant dense<0xFF800000> : vector<1xf32>
    %reduce_max3A_149 = vector.multi_reduction <maximumf>, %select_n3A_148, %reduce_max3A [0] : vector<272x1xf32> to vector<1xf32>
    %broadcast_in_dim3A_150 = vector.shape_cast %reduce_max3A_149 : vector<1xf32> to vector<1x1xf32>
    %sub3A_151 = vector.broadcast %broadcast_in_dim3A_150 : vector<1x1xf32> to vector<272x1xf32>
    %sub3A_152 = arith.subf %add3A_145, %sub3A_151 : vector<272x1xf32>
    %exp3A_153 = math.exp %sub3A_152 : vector<272x1xf32>
    %jit3A_154 = arith.constant 0.000000e+00 : f32
    %broadcast_in_dim3A_155 = vector.broadcast %jit3A_154 : f32 to vector<272x1xf32>
    %select_n3A_156 = arith.select %lt3A_112, %exp3A_153, %broadcast_in_dim3A_155 : vector<272x1xi1>, vector<272x1xf32>
    %reduce_sum3A_157 = arith.constant dense<0.000000e+00> : vector<1xf32>
    %reduce_sum3A_158 = vector.multi_reduction <add>, %select_n3A_156, %reduce_sum3A_157 [0] : vector<272x1xf32> to vector<1xf32>
    %broadcast_in_dim3A_159 = vector.shape_cast %reduce_sum3A_158 : vector<1xf32> to vector<1x1xf32>
    %dot_general3A_160 = arith.constant dense<0.000000e+00> : vector<1x128xf32>
    %dot_general3A_161 = tpu.matmul %select_n3A_156, %mul3A_124, %dot_general3A_160 {dimension_numbers = #tpu.dot_dimension_numbers<[0], [0], [1], [1], [0, 1, 1, 1], [], []>, transpose_lhs_hint = false} : vector<272x1xf32>, vector<272x128xf32>, vector<1x128xf32> -> vector<1x128xf32>
    %div3A_162 = vector.broadcast %broadcast_in_dim3A_159 : vector<1x1xf32> to vector<1x128xf32>
    %div3A_163 = arith.divf %dot_general3A_161, %div3A_162 : vector<1x128xf32>
    %get3A_164 = arith.constant 0 : index
    %get3A_165 = arith.constant 0 : index
    %get3A_166 = vector.load %arg17[%get3A_164, %get3A_165] : memref<128x128xf32, #tpu.memory_space<vmem>>, vector<128x128xf32>
    %dot_general3A_167 = arith.constant dense<0.000000e+00> : vector<1x128xf32>
    %dot_general3A_168 = tpu.matmul %div3A_163, %get3A_166, %dot_general3A_167 {dimension_numbers = #tpu.dot_dimension_numbers<[1], [0], [0], [1], [0, 0, 1, 1], [], []>, transpose_lhs_hint = false} : vector<1x128xf32>, vector<128x128xf32>, vector<1x128xf32> -> vector<1x128xf32>
    %get3A_169 = arith.constant 0 : index
    %get3A_170 = arith.constant 0 : index
    %get3A_171 = vector.load %arg18[%get3A_169, %get3A_170] : memref<1x128xf32, #tpu.memory_space<vmem>>, vector<1x128xf32>
    %add3A_172 = arith.addf %dot_general3A_168, %get3A_171 : vector<1x128xf32>
    %get3A_173 = arith.constant 0 : index
    %get3A_174 = arith.constant 0 : index
    %get3A_175 = vector.load %arg19[%get3A_173, %get3A_174] : memref<1x128xf32, #tpu.memory_space<vmem>>, vector<1x128xf32>
    %get3A_176 = arith.constant 0 : index
    %get3A_177 = arith.constant 0 : index
    %get3A_178 = vector.load %arg20[%get3A_176, %get3A_177] : memref<1x128xf32, #tpu.memory_space<vmem>>, vector<1x128xf32>
    %reduce_sum3A_179 = arith.constant dense<0.000000e+00> : vector<1xf32>
    %reduce_sum3A_180 = vector.multi_reduction <add>, %add3A_172, %reduce_sum3A_179 [1] : vector<1x128xf32> to vector<1xf32>
    %broadcast_in_dim3A_181 = vector.shape_cast %reduce_sum3A_180 : vector<1xf32> to vector<1x1xf32>
    %div3A_182 = arith.constant 1.280000e+02 : f32
    %div3A_183 = vector.broadcast %div3A_182 : f32 to vector<1x1xf32>
    %div3A_184 = arith.divf %broadcast_in_dim3A_181, %div3A_183 : vector<1x1xf32>
    %sub3A_185 = vector.broadcast %div3A_184 : vector<1x1xf32> to vector<1x128xf32>
    %sub3A_186 = arith.subf %add3A_172, %sub3A_185 : vector<1x128xf32>
    %integer_pow3A_187 = arith.mulf %sub3A_186, %sub3A_186 : vector<1x128xf32>
    %reduce_sum3A_188 = arith.constant dense<0.000000e+00> : vector<1xf32>
    %reduce_sum3A_189 = vector.multi_reduction <add>, %integer_pow3A_187, %reduce_sum3A_188 [1] : vector<1x128xf32> to vector<1xf32>
    %broadcast_in_dim3A_190 = vector.shape_cast %reduce_sum3A_189 : vector<1xf32> to vector<1x1xf32>
    %div3A_191 = arith.constant 1.280000e+02 : f32
    %div3A_192 = vector.broadcast %div3A_191 : f32 to vector<1x1xf32>
    %div3A_193 = arith.divf %broadcast_in_dim3A_190, %div3A_192 : vector<1x1xf32>
    %sub3A_194 = vector.broadcast %div3A_184 : vector<1x1xf32> to vector<1x128xf32>
    %sub3A_195 = arith.subf %add3A_172, %sub3A_194 : vector<1x128xf32>
    %add3A_196 = arith.constant 9.99999974E-6 : f32
    %add3A_197 = vector.broadcast %add3A_196 : f32 to vector<1x1xf32>
    %add3A_198 = arith.addf %div3A_193, %add3A_197 : vector<1x1xf32>
    %sqrt3A_199 = math.sqrt %add3A_198 : vector<1x1xf32>
    %div3A_200 = vector.broadcast %sqrt3A_199 : vector<1x1xf32> to vector<1x128xf32>
    %div3A_201 = arith.divf %sub3A_195, %div3A_200 : vector<1x128xf32>
    %mul3A_202 = arith.mulf %div3A_201, %get3A_175 : vector<1x128xf32>
    %add3A_203 = arith.addf %mul3A_202, %get3A_178 : vector<1x128xf32>
    %gt3A_204 = arith.constant 0.000000e+00 : f32
    %gt3A_205 = vector.broadcast %gt3A_204 : f32 to vector<1x128xf32>
    %gt3A_206 = arith.cmpf ogt, %add3A_203, %gt3A_205 : vector<1x128xf32>
    %exp3A_207 = math.exp %add3A_203 : vector<1x128xf32>
    %sub3A_208 = arith.constant 1.000000e+00 : f32
    %sub3A_209 = vector.broadcast %sub3A_208 : f32 to vector<1x128xf32>
    %sub3A_210 = arith.subf %exp3A_207, %sub3A_209 : vector<1x128xf32>
    %select_n3A_211 = arith.select %gt3A_206, %add3A_203, %sub3A_210 : vector<1x128xi1>, vector<1x128xf32>
    %get3A_212 = arith.constant 0 : index
    %get3A_213 = arith.constant 0 : index
    %get3A_214 = vector.load %arg21[%get3A_212, %get3A_213] : memref<128x64xf32, #tpu.memory_space<vmem>>, vector<128x64xf32>
    %dot_general3A_215 = arith.constant dense<0.000000e+00> : vector<1x64xf32>
    %dot_general3A_216 = tpu.matmul %select_n3A_211, %get3A_214, %dot_general3A_215 {dimension_numbers = #tpu.dot_dimension_numbers<[1], [0], [0], [1], [0, 0, 1, 1], [], []>, transpose_lhs_hint = false} : vector<1x128xf32>, vector<128x64xf32>, vector<1x64xf32> -> vector<1x64xf32>
    %get3A_217 = arith.constant 0 : index
    %get3A_218 = arith.constant 0 : index
    %get3A_219 = vector.load %arg22[%get3A_217, %get3A_218] : memref<1x64xf32, #tpu.memory_space<vmem>>, vector<1x64xf32>
    %add3A_220 = arith.addf %dot_general3A_216, %get3A_219 : vector<1x64xf32>
    %gt3A_221 = arith.constant 0.000000e+00 : f32
    %gt3A_222 = vector.broadcast %gt3A_221 : f32 to vector<1x64xf32>
    %gt3A_223 = arith.cmpf ogt, %add3A_220, %gt3A_222 : vector<1x64xf32>
    %exp3A_224 = math.exp %add3A_220 : vector<1x64xf32>
    %sub3A_225 = arith.constant 1.000000e+00 : f32
    %sub3A_226 = vector.broadcast %sub3A_225 : f32 to vector<1x64xf32>
    %sub3A_227 = arith.subf %exp3A_224, %sub3A_226 : vector<1x64xf32>
    %select_n3A_228 = arith.select %gt3A_223, %add3A_220, %sub3A_227 : vector<1x64xi1>, vector<1x64xf32>
    %get3A_229 = arith.constant 0 : index
    %get3A_230 = arith.constant 0 : index
    %get3A_231 = vector.load %arg23[%get3A_229, %get3A_230] : memref<64x1xf32, #tpu.memory_space<vmem>>, vector<64x1xf32>
    %dot_general3A_232 = arith.constant dense<0.000000e+00> : vector<1x1xf32>
    %dot_general3A_233 = tpu.matmul %select_n3A_228, %get3A_231, %dot_general3A_232 {dimension_numbers = #tpu.dot_dimension_numbers<[1], [0], [0], [1], [0, 0, 1, 1], [], []>, transpose_lhs_hint = false} : vector<1x64xf32>, vector<64x1xf32>, vector<1x1xf32> -> vector<1x1xf32>
    %get3A_234 = arith.constant 0 : index
    %get3A_235 = arith.constant 0 : index
    %get3A_236 = vector.load %arg24[%get3A_234, %get3A_235] : memref<1x1xf32, #tpu.memory_space<vmem>>, vector<1x1xf32>
    %add3A_237 = arith.addf %dot_general3A_233, %get3A_236 : vector<1x1xf32>
    %reshape3A = vector.shape_cast %add3A_237 : vector<1x1xf32> to vector<1x1x1xf32>
    %broadcast_in_dim3A_238 = vector.shape_cast %reshape3A : vector<1x1x1xf32> to vector<1x1x1xf32>
    %broadcast_in_dim3A_239 = vector.broadcast %broadcast_in_dim3A_238 : vector<1x1x1xf32> to vector<1x8x128xf32>
    %swap3A = arith.constant 0 : index
    %swap3A_240 = arith.constant 0 : index
    %swap3A_241 = arith.constant 0 : index
    %swap3A_242 = vector.load %arg25[%swap3A, %swap3A_240, %swap3A_241] : memref<1x8x128xf32, #tpu.memory_space<vmem>>, vector<1x8x128xf32>
    tpu.vector_store %arg25[%swap3A, %swap3A_240, %swap3A_241], %broadcast_in_dim3A_239 {strides = array<i32>} : memref<1x8x128xf32, #tpu.memory_space<vmem>>, vector<1x8x128xf32>,
    return
  }
  func.func @transform_0(%arg0: i32) -> (i32, i32, i32) {
    %c0_i32 = arith.constant 0 : i32
    %c0_i32_0 = arith.constant 0 : i32
    %c0_i32_1 = arith.constant 0 : i32
    return %c0_i32, %arg0, %c0_i32_0 : i32, i32, i32
  }
  func.func @transform_1(%arg0: i32) -> (i32, i32, i32) {
    %c1_i32 = arith.constant 1 : i32
    %c0_i32 = arith.constant 0 : i32
    %c0_i32_0 = arith.constant 0 : i32
    return %c1_i32, %arg0, %c0_i32 : i32, i32, i32
  }
  func.func @transform_2(%arg0: i32) -> (i32, i32) {
    %c0_i32 = arith.constant 0 : i32
    %c0_i32_0 = arith.constant 0 : i32
    return %arg0, %c0_i32 : i32, i32
  }
  func.func @transform_3(%arg0: i32) -> (i32, i32) {
    %c0_i32 = arith.constant 0 : i32
    %c0_i32_0 = arith.constant 0 : i32
    %c0_i32_1 = arith.constant 0 : i32
    return %c0_i32, %c0_i32_0 : i32, i32
  }
  func.func @transform_4(%arg0: i32) -> (i32, i32) {
    %c0_i32 = arith.constant 0 : i32
    %c0_i32_0 = arith.constant 0 : i32
    %c0_i32_1 = arith.constant 0 : i32
    return %c0_i32, %c0_i32_0 : i32, i32
  }
  func.func @transform_5(%arg0: i32) -> (i32, i32) {
    %c0_i32 = arith.constant 0 : i32
    %c0_i32_0 = arith.constant 0 : i32
    %c0_i32_1 = arith.constant 0 : i32
    return %c0_i32, %c0_i32_0 : i32, i32
  }
  func.func @transform_6(%arg0: i32) -> (i32, i32) {
    %c0_i32 = arith.constant 0 : i32
    %c0_i32_0 = arith.constant 0 : i32
    %c0_i32_1 = arith.constant 0 : i32
    return %c0_i32, %c0_i32_0 : i32, i32
  }
  func.func @transform_7(%arg0: i32) -> (i32, i32) {
    %c0_i32 = arith.constant 0 : i32
    %c0_i32_0 = arith.constant 0 : i32
    %c0_i32_1 = arith.constant 0 : i32
    return %c0_i32, %c0_i32_0 : i32, i32
  }
  func.func @transform_8(%arg0: i32) -> (i32, i32) {
    %c0_i32 = arith.constant 0 : i32
    %c0_i32_0 = arith.constant 0 : i32
    %c0_i32_1 = arith.constant 0 : i32
    return %c0_i32, %c0_i32_0 : i32, i32
  }
  func.func @transform_9(%arg0: i32) -> (i32, i32) {
    %c0_i32 = arith.constant 0 : i32
    %c0_i32_0 = arith.constant 0 : i32
    %c0_i32_1 = arith.constant 0 : i32
    return %c0_i32, %c0_i32_0 : i32, i32
  }
  func.func @transform_10(%arg0: i32) -> (i32, i32) {
    %c0_i32 = arith.constant 0 : i32
    %c0_i32_0 = arith.constant 0 : i32
    %c0_i32_1 = arith.constant 0 : i32
    return %c0_i32, %c0_i32_0 : i32, i32
  }
  func.func @transform_11(%arg0: i32) -> (i32, i32) {
    %c0_i32 = arith.constant 0 : i32
    %c0_i32_0 = arith.constant 0 : i32
    %c0_i32_1 = arith.constant 0 : i32
    return %c0_i32, %c0_i32_0 : i32, i32
  }
  func.func @transform_12(%arg0: i32) -> (i32, i32) {
    %c0_i32 = arith.constant 0 : i32
    %c0_i32_0 = arith.constant 0 : i32
    %c0_i32_1 = arith.constant 0 : i32
    return %c0_i32, %c0_i32_0 : i32, i32
  }
  func.func @transform_13(%arg0: i32) -> (i32, i32) {
    %c0_i32 = arith.constant 0 : i32
    %c0_i32_0 = arith.constant 0 : i32
    %c0_i32_1 = arith.constant 0 : i32
    return %c0_i32, %c0_i32_0 : i32, i32
  }
  func.func @transform_14(%arg0: i32) -> (i32, i32) {
    %c0_i32 = arith.constant 0 : i32
    %c0_i32_0 = arith.constant 0 : i32
    %c0_i32_1 = arith.constant 0 : i32
    return %c0_i32, %c0_i32_0 : i32, i32
  }
  func.func @transform_15(%arg0: i32) -> (i32, i32) {
    %c0_i32 = arith.constant 0 : i32
    %c0_i32_0 = arith.constant 0 : i32
    %c0_i32_1 = arith.constant 0 : i32
    return %c0_i32, %c0_i32_0 : i32, i32
  }
  func.func @transform_16(%arg0: i32) -> (i32, i32) {
    %c0_i32 = arith.constant 0 : i32
    %c0_i32_0 = arith.constant 0 : i32
    %c0_i32_1 = arith.constant 0 : i32
    return %c0_i32, %c0_i32_0 : i32, i32
  }
  func.func @transform_17(%arg0: i32) -> (i32, i32) {
    %c0_i32 = arith.constant 0 : i32
    %c0_i32_0 = arith.constant 0 : i32
    %c0_i32_1 = arith.constant 0 : i32
    return %c0_i32, %c0_i32_0 : i32, i32
  }
  func.func @transform_18(%arg0: i32) -> (i32, i32) {
    %c0_i32 = arith.constant 0 : i32
    %c0_i32_0 = arith.constant 0 : i32
    %c0_i32_1 = arith.constant 0 : i32
    return %c0_i32, %c0_i32_0 : i32, i32
  }
  func.func @transform_19(%arg0: i32) -> (i32, i32) {
    %c0_i32 = arith.constant 0 : i32
    %c0_i32_0 = arith.constant 0 : i32
    %c0_i32_1 = arith.constant 0 : i32
    return %c0_i32, %c0_i32_0 : i32, i32
  }
  func.func @transform_20(%arg0: i32) -> (i32, i32) {
    %c0_i32 = arith.constant 0 : i32
    %c0_i32_0 = arith.constant 0 : i32
    %c0_i32_1 = arith.constant 0 : i32
    return %c0_i32, %c0_i32_0 : i32, i32
  }
  func.func @transform_21(%arg0: i32) -> (i32, i32) {
    %c0_i32 = arith.constant 0 : i32
    %c0_i32_0 = arith.constant 0 : i32
    %c0_i32_1 = arith.constant 0 : i32
    return %c0_i32, %c0_i32_0 : i32, i32
  }
  func.func @transform_22(%arg0: i32) -> (i32, i32) {
    %c0_i32 = arith.constant 0 : i32
    %c0_i32_0 = arith.constant 0 : i32
    %c0_i32_1 = arith.constant 0 : i32
    return %c0_i32, %c0_i32_0 : i32, i32
  }
  func.func @transform_23(%arg0: i32) -> (i32, i32) {
    %c0_i32 = arith.constant 0 : i32
    %c0_i32_0 = arith.constant 0 : i32
    %c0_i32_1 = arith.constant 0 : i32
    return %c0_i32, %c0_i32_0 : i32, i32
  }
  func.func @transform_24(%arg0: i32) -> (i32, i32, i32) {
    %c0_i32 = arith.constant 0 : i32
    %c0_i32_0 = arith.constant 0 : i32
    %c0_i32_1 = arith.constant 0 : i32
    return %arg0, %c0_i32, %c0_i32_0 : i32, i32, i32
  }
}

</mosaic_0001>

<sc_bundles>
// kernel: kernel.5.cloned.1.call-start
scs
__scs_entry_jumppad:
0x0: {  	(pc) =	sbr.rel $0x88, $3  }
0x1: {  	(tag) =	ssettag $0x0;
	lr =	simm.s32 $0x1  }
0x2: {  	[smem:$0x3F83] =	sst lr;
	_ =	strace $0xD0000000  }
0x3: {  	_ = 	snop  }
0x4: {  	_ = 	snop  }
0x5: {  	_ = 	snop  }
0x6: {  	_ = 	snop  }
0x7: {  	_ = 	snop  }
__scs_overlays_trampoline_lowered:
0x8: {  	[smem:$0x3F92] =	sst s0  }
0x9: {  	[smem:$0x3F93] =	sst s1  }
0xa: {  	[smem:$0x3F94] =	sst s2  }
0xb: {  	[smem:$0x3F95] =	sst s3  }
0xc: {  	[smem:$0x3F96] =	sst s4  }
0xd: {  	[smem:$0x3F97] =	sst s5  }
0xe: {  	[smem:$0x3F98] =	sst s6  }
0xf: {  	[smem:$0x3F99] =	sst s7  }
0x10: {  	[smem:$0x3F9A] =	sst s8  }
0x11: {  	[smem:$0x3F9B] =	sst s9;
	s0 =	simm.s32 @!p0 $0x0  }
0x12: {  	s1 =	sld [smem:$0x3F81];
	s0 =	simm.s32 @p0 $0x1  }
0x13: {  	[smem:$0x3F9C] =	sst s0;
	s0 =	simm.s32 @!p1 $0x0  }
0x14: {  	s2 =	sld [smem:$0x3F80];
	s0 =	simm.s32 @p1 $0x1  }
0x15: {  	[smem:$0x3F9D] =	sst s0;
	s0 =	simm.s32 @!p2 $0x0  }
0x16: {  	s3 =	sld [smem:$0x3FDB];
	s0 =	simm.s32 @p2 $0x1  }
0x17: {  	s4 =	simm.s32 $0x1BF5;
	[smem:$0x3F9F] =	sst s0  }
0x18: {  	s0 =	sld [smem:$0x3F82];
	_ =	swait.ge [sflag:s4], $0x0  }
0x19: {  	s7 =	sld [smem:$0x3F83]  }
0x1a: {  	s8 =	sadd.s32 $0xFFFFE003, lr  }
0x1b: {  	s9 =	sadd.s32 $0xFFFFFEF7, lr;
	s5 =	simm.s32 $0xFFFFFFFF;
	p2 =	slt.u32 s8, $0xFFFFF086  }
0x1c: {  	p1 =	slt.u32 s9, $0xF7A;
	s5 =	simm.s32 @!p2 $0x0  }
0x1d: {  	s5 =	simm.s32 @p1 $0x1;
	p0 =	seq.s32 s7, s2  }
0x1e: {  	s7 =	smul.u32 @!p0 $0xF7A, s2;
	p2 =	seq.s32 @!p0 s5, $0x0  }
0x1f: {  	s9 =	smul.u32 $0xF7A, s1;
	s8 =	simm.s32 @!p0 $0x1BF5;
	p2 =	por !p2, p0  }
0x20: {  	[sflag:s8] =	ssyncset.s32 @!p0 $0xFFFFF086;
	s6 =	sadd.s32 @!p0 s3, s7;
	s7 =	simm.s32 @!p0 $0x108  }
0x21: {  	s3 =	sadd.s32 s3, s9;
	s6 =	sadd.s32 @!p0 $0x88, s6;
	s7 =	simm.s32 @p2 $0x1082  }
0x22: {  	[simem:s7], [sflag:s8] =	dma.local @!p0 [hbm:s6], $0xF7A  }
0x23: {  	s9 =	sor.u32 $0xD0000000, s2;
	s6 =	simm.s32 $0x108;
	_ =	swait.ge @!p0 [sflag:s8], $0x0  }
0x24: {  	s3 =	sadd.s32 $0x88, s3;
	s6 =	simm.s32 @!p1 $0x1082;
	[sflag:s4] =	ssyncset.s32 $0xFFFFF086  }
0x25: {  	[simem:s6], [sflag:s4] =	dma.local [hbm:s3], $0xF7A  }
0x26: {  	[smem:$0x3F83] =	sst s1;
	(tag) =	ssettag s2;
	_ =	strace s9  }
0x27: {  	s1 =	sld [smem:$0x3F93]  }
0x28: {  	s2 =	sld [smem:$0x3F94]  }
0x29: {  	s4 =	sld [smem:$0x3F96]  }
0x2a: {  	p0 =	seq.s32 s5, $0x0;
	s5 =	sld [smem:$0x3F97]  }
0x2b: {  	s6 =	sld [smem:$0x3F98]  }
0x2c: {  	s7 =	sld [smem:$0x3F99]  }
0x2d: {  	s3 =	simm.s32 $0x108;
	s8 =	sld [smem:$0x3F9A]  }
0x2e: {  	s3 =	simm.s32 @!p0 $0x1082;
	s9 =	sld [smem:$0x3F9B]  }
0x2f: {  	lr =	sadd.s32 s0, s3;
	s0 =	sld [smem:$0x3F92]  }
0x30: {  	s3 =	sld [smem:$0x3F95]  }
0x31: {  	[smem:$0x3F9E] =	sst s10  }
0x32: {  	s10 =	sld [smem:$0x3F9C];
	_ =	sdelay $0x3  }
0x33: {  	p0 =	seq.s32 s10, $0x1;
	s10 =	sld [smem:$0x3F9E];
	_ =	sdelay $0x3  }
0x34: {  	[smem:$0x3F9E] =	sst s10  }
0x35: {  	s10 =	sld [smem:$0x3F9D];
	_ =	sdelay $0x3  }
0x36: {  	p1 =	seq.s32 s10, $0x1;
	s10 =	sld [smem:$0x3F9E];
	_ =	sdelay $0x3  }
0x37: {  	[smem:$0x3F9E] =	sst s10  }
0x38: {  	s10 =	sld [smem:$0x3F9F]  }
0x39: {  	_ = 	snop;
	(pc) =	sbr.ind lr, $3  }
0x3a: {  	_ = 	snop  }
0x3b: {  	_ = 	snop  }
0x3c: {  	p2 =	seq.s32 s10, $0x1;
	s10 =	sld [smem:$0x3F9E]  }
0x3d: {  	_ =	shalt  }
0x3e: {  	_ =	shalt  }
0x3f: {  	_ =	shalt  }
0x40: {  	_ =	shalt  }
0x41: {  	_ =	shalt  }
0x42: {  	_ =	shalt  }
0x43: {  	_ =	shalt  }
0x44: {  	_ =	shalt  }
0x45: {  	_ =	shalt  }
0x46: {  	_ =	shalt  }
0x47: {  	_ =	shalt  }
0x48: {  	_ =	shalt  }
0x49: {  	_ =	shalt  }
0x4a: {  	_ =	shalt  }
0x4b: {  	_ =	shalt  }
0x4c: {  	_ =	shalt  }
0x4d: {  	_ =	shalt  }
0x4e: {  	_ =	shalt  }
0x4f: {  	_ =	shalt  }
0x50: {  	_ =	shalt  }
0x51: {  	_ =	shalt  }
0x52: {  	_ =	shalt  }
0x53: {  	_ =	shalt  }
0x54: {  	_ =	shalt  }
0x55: {  	_ =	shalt  }
0x56: {  	_ =	shalt  }
0x57: {  	_ =	shalt  }
0x58: {  	_ =	shalt  }
0x59: {  	_ =	shalt  }
0x5a: {  	_ =	shalt  }
0x5b: {  	_ =	shalt  }
0x5c: {  	_ =	shalt  }
0x5d: {  	_ =	shalt  }
0x5e: {  	_ =	shalt  }
0x5f: {  	_ =	shalt  }
0x60: {  	_ =	shalt  }
0x61: {  	_ =	shalt  }
0x62: {  	_ =	shalt  }
0x63: {  	_ =	shalt  }
0x64: {  	_ =	shalt  }
0x65: {  	_ =	shalt  }
0x66: {  	_ =	shalt  }
0x67: {  	_ =	shalt  }
0x68: {  	_ =	shalt  }
0x69: {  	_ =	shalt  }
0x6a: {  	_ =	shalt  }
0x6b: {  	_ =	shalt  }
0x6c: {  	_ =	shalt  }
0x6d: {  	_ =	shalt  }
0x6e: {  	_ =	shalt  }
0x6f: {  	_ =	shalt  }
0x70: {  	_ =	shalt  }
0x71: {  	_ =	shalt  }
0x72: {  	_ =	shalt  }
0x73: {  	_ =	shalt  }
0x74: {  	_ =	shalt  }
0x75: {  	_ =	shalt  }
0x76: {  	_ =	shalt  }
0x77: {  	_ =	shalt  }
0x78: {  	_ =	shalt  }
0x79: {  	_ =	shalt  }
0x7a: {  	_ =	shalt  }
0x7b: {  	_ =	shalt  }
0x7c: {  	_ =	shalt  }
0x7d: {  	_ =	shalt  }
0x7e: {  	_ =	shalt  }
0x7f: {  	_ =	shalt  }
0x80: {  	_ =	shalt  }
0x81: {  	_ =	shalt  }
0x82: {  	_ =	shalt  }
0x83: {  	_ =	shalt  }
0x84: {  	_ =	shalt  }
0x85: {  	_ =	shalt  }
0x86: {  	_ =	shalt  }
0x87: {  	_ =	shalt  }
.Lfunc_end0:
.L_simem_size_0:
called_computation_lowered:
.L_overlay_start_0:
0x88: {  	s2 =	sld [smem:$0x3FD9]  }
0x89: {  	s3 =	sld [smem:$0x3FFE];
	_ =	sdelay $0x1  }
0x8a: {  	s1 =	srdreg.scid  }
0x8b: {  	s0 =	sand.u32 $0x1, s1  }
0x8c: {  	s17 =	sshll.u32 s0, $0xA;
	s2 =	sadd.s32 s3, s2  }
0x8d: {  	s2 =	sadd.s32 s2, s17  }
0x8e: {  	[smem:$0x3FAA] =	sst s2  }
0x8f: {  	_ = 	snop  }
0x90: {  	s2 =	sld [smem:$0x3FC0]  }
0x91: {  	s18 =	sld [smem:$0x3FBF];
	(tm) =	ssettm $0x1  }
0x92: {  	s4 =	sld [smem:$0x3FFB];
	_ =	sdelay $0x3  }
0x93: {  	_ =	strace s4  }
0x94: {  	s4 =	sld [smem:$0x3FFC];
	_ =	sdelay $0x3  }
0x95: {  	_ =	strace s4  }
0x96: {  	s4 =	sld [smem:$0x3FFD];
	_ =	sdelay $0x3  }
0x97: {  	_ =	strace s4  }
0x98: {  	_ =	strace $0x8FFFFFFF  }
0x99: {  	s19 =	sld [smem:$0x3FDB];
	_ =	sdelay $0x1  }
0x9a: {  	s5 =	simm.s32 $_scs_section_size  }
0x9b: {  	s6 =	simm.s32 $_size__tile_overlayer_lowered;
	s7 =	simm.s32 $_tile_overlayer_lowered  }
0x9c: {  	s22 =	simm.s32 $0x1BFF;
	s21 =	sshll.u32 s7, $0x1;
	s4 =	sadd.s32 s5, s19  }
0x9d: {  	s8 =	simm.s32 $0x0;
	s20 =	sshll.u32 s6, $0x1;
	s6 =	sadd.s32 s21, s4  }
0x9e: {  	[timem:s8], [sflag:s22] =	dma.local [hbm:s6], s20  }
0x9f: {  	_ =	swait.ge [sflag:s22], s20  }
0xa0: {  	s5 =	ssub.s32 $0x0, s20;
	[sflag:s22] =	ssyncset.done $0x0  }
0xa1: {  	[sflag:s22] =	ssyncadd.s32 s5;
	_ =	sdelay $0x1  }
0xa2: {  	s23 =	simm.s32 $0x1B8B  }
0xa3: {  	_ =	swait.ge [sflag:s23], $0x1  }
0xa4: {  	[sflag:s23] =	ssyncset.done $0x0  }
0xa5: {  	s25 =	simm.s32 $0x1B8E;
	s24 =	sld [smem:$0x3FFE];
	[sflag:s23] =	ssyncadd.s32 $0xFFFFFFFF  }
0xa6: {  	s26 =	simm.s32 $execute0_lowered;
	[smem:$0x3FD2] =	sst s25  }
0xa7: {  	s6 =	sshll.u32 s26, $0x1;
	_ =	strace $0x80000046;
	[dreg:$0x1] =	wrdreg $0xFFFFFFFF  }
0xa8: {  	s28 =	simm.s32 $_size_execute0_lowered;
	s4 =	sadd.s32 s4, s6;
	[dreg:$0x0] =	wrdreg $0x0  }
0xa9: {  	s6 =	sshll.u32 s28, $0x1;
	[dreg:$0x2] =	wrdreg s4  }
0xaa: {  	[dreg:$0x3] =	wrdreg s6  }
0xab: {  	[dreg:$0x4] =	wrdreg $0xC0  }
0xac: {  	_ =	task [dreg:s8], $0x5FFFF  }
0xad: {  	[dreg:$0x1] =	wrdreg $0xFFFFFFFF  }
0xae: {  	[dreg:$0x0] =	wrdreg $0x60  }
0xaf: {  	[dreg:$0x2] =	wrdreg s24  }
0xb0: {  	[dreg:$0x3] =	wrdreg s2  }
0xb1: {  	[dreg:$0x4] =	wrdreg s18  }
0xb2: {  	[dreg:$0x5] =	wrdreg $0x54000  }
0xb3: {  	[dreg:$0x6] =	wrdreg $0x9  }
0xb4: {  	_ =	task.clear_ibuf [dreg:s8], $0x7FFFF;
	_ =	strace $0x90000046  }
0xb5: {  	s29 =	simm.s32 $0x9;
	_ =	strace $0x80000048  }
0xb6: {  	_ =	swait.ge [sflag:s29], $0x1  }
0xb7: {  	[sflag:s29] =	ssyncadd.s32 $0xFFFFFFFF  }
0xb8: {  	_ =	strace $0x90000048  }
0xb9: {  	_ =	sfence  }
0xba: {  	s30 =	sld [smem:$0x0];
	_ =	sdelay $0x2  }
0xbb: {  	s31 =	sshll.u32 s1, $0xD;
	s1 =	sshrl.u32 s1, $0x2  }
0xbc: {  	s3 =	sand.u32 $0x4000, s31;
	s1 =	sadd.s32 s1, s30  }
0xbd: {  	s0 =	sor.u32 s3, s0;
	s1 =	sshll.u32 s1, $0x11  }
0xbe: {  	s0 =	sor.u32 s1, s0  }
0xbf: {  	s0 =	sadd.s32 $0x8F2B, s0  }
0xc0: {  	[sflag:s0] =	ssyncadd.remote.s32 $0x1  }
0xc1: {  	_ =	sfence.sel $0xFFFF  }
0xc2: {  	[dreg:$0x0] =	wrdreg $0xFFFFFFFF;
	(pc) =	sbr.abs _section_cstart, $3  }
0xc3: {  	[dreg:$0x1] =	wrdreg $0xFFFFFFFF  }
0xc4: {  	_ =	task.clear_ibuf [dreg:s8], $0x2FFFF;
	_ =	strace $0x9FFFFFFF  }
0xc5: {  	(tm) =	ssettm $0x7FFFFFFF  }
tec
execute0_lowered:
.L_overlay_start_1:
0x0: {  	(tag) =	ssettag $0x1  }
0x1: {  	s0 =	rddreg [dreg:$0x0]  }
0x2: {  	s3 =	rddreg [dreg:$0x3]  }
0x3: {  	s1 =	srdreg.scid;
	s5 =	simm.s32 $0x0;
	s11 =	stileid.u32  }
0x4: {  	s30 =	simm.s32 $0x5;
	s29 =	simm.s32 $0x3;
	s31 =	simm.s32 $0x80  }
0x5: {  	s13 =	simm.s32 $0x50;
	s14 =	simm.s32 $0x2C00;
	s1 =	sand.u32 $0x1, s1  }
0x6: {  	[smem:$0x7FF] =	sst s5;
	s4 =	smul.u32 $0x14000, s11;
	s6 =	sadd.s32 $0x20600, s0  }
0x7: {  	s7 =	sadd.s32 $0x3200, s0;
	s8 =	sadd.s32 $0xCE00, s0;
	s15 =	smul.u32 $0x50000, s11  }
0x8: {  	s9 =	sadd.s32 $0x16A00, s0;
	s2 =	smul.u32 $0x140000, s1;
	s10 =	sshll.u32 s1, $0x4  }
0x9: {  	_ =	strace $0x80000047;
	s1 =	ssub.s32 $0x2, s1;
	s10 =	sor.u32 s11, s10  }
0xa: {  	s16 =	sshrl.u32 s1, $0x1;
	s2 =	sadd.s32 s4, s2;
	s4 =	sshrl.u32 s15, $0x2  }
0xb: {  	s11 =	simm.s32 $0x280;
	s12 =	smul.u32 $0x26C0, s10;
	s10 =	sadd.s32 s4, s3  }
0xc: {  	s1 =	ssub.s32 s1, s16;
	s15 =	simm.s32 $0x2;
	s17 =	sadd.s32 $0x2800, s10  }
0xd: {  	s16 =	simm.s32 $0x0;
	s18 =	sadd.s32 $0x5000, s10;
	[dreg:$0x5] =	wrdreg s17  }
0xe: {  	s2 =	sshrl.u32 s2, $0x3;
	s19 =	sadd.s32 $0x7800, s10;
	[dreg:$0x6] =	wrdreg s18  }
0xf: {  	s0 =	sadd.s32 s2, s0;
	s4 =	sadd.s32 $0xA000, s10;
	[dreg:$0x7] =	wrdreg s19  }
0x10: {  	s20 =	sshrl.u32 s12, $0x3;
	s21 =	sadd.s32 $0xC800, s10;
	[dreg:$0x8] =	wrdreg s4  }
0x11: {  	s28 =	sadd.s32 $0x11800, s10;
	[dreg:$0x9] =	wrdreg s21;
	s22 =	sadd.s32 s7, s20  }
0x12: {  	s23 =	sadd.s32 s8, s20;
	s24 =	sadd.s32 s9, s20;
	[dreg:$0xa] =	wrdreg s22  }
0x13: {  	s2 =	sadd.s32 $0xA, s20;
	s0 =	sadd.s32 $0x47C00, s0;
	[dreg:$0xb] =	wrdreg s23  }
0x14: {  	s4 =	simm.s32 $0x180;
	[dreg:$0xc] =	wrdreg s24;
	s25 =	sadd.s32 s7, s2  }
.Ltmp0:
0x15: {  	s26 =	sadd.s32 s8, s2;
	[dreg:$0x10] =	wrdreg s0;
	(pc) =	sbr.rel .LBB2_1-.Ltmp0, $4  }
0x16: {  	s2 =	sadd.s32 s9, s2;
	s22 =	sadd.s32 $0xA0, s12;
	[dreg:$0xd] =	wrdreg s25  }
0x17: {  	s23 =	sadd.s32 $0xF0, s12;
	s0 =	simm.s32 $0x400;
	[dreg:$0xe] =	wrdreg s26  }
0x18: {  	s12 =	simm.s32 $0x4;
	[dreg:$0xf] =	wrdreg s2;
	s25 =	smax.u32 s1, $0x1  }
0x19: {  	v0 =	vimm.f32 $0.0e+00;
	s26 =	sadd.s32 $0xF000, s10;
	s1 =	simm.s32 $0x100;
	s2 =	simm.s32 $0x200  }
.LBB2_10:
0x1a: {  	s17 =	stileid.u32;
	[bflag:$0x0] =	sbarrier.arrive $0xFFFF;
	s16 =	sadd.s32 $0x1, s16  }
0x1b: {  	s18 =	sshrl.u32 s10, $0x3;
	s17 =	sshll.u32 s17, $0x6;
	p0 =	sne.s32 s16, s25  }
.Ltmp1:
0x1c: {  	s19 =	rddreg [dreg:$0x10];
	s17 =	sor.u32 $0x1C05, s17;
	(pc) =	sbr.rel @!p0 .LBB2_11-.Ltmp1, $4  }
0x1d: {  	[hbm:s19], [sflag:s17] =	dma.local [spmem:s18], $0x2800  }
0x1e: {  	_ =	swait.ge [sflag:s30], $0x2800  }
0x1f: {  	[sflag:s30] =	ssyncset.done $0x0  }
0x20: {  	[sflag:s30] =	ssyncadd.s32 $0xFFFFD800  }
.LBB2_1:
0x21: {  	s17 =	rddreg [dreg:$0x1];
	s18 =	simm.s32 $0x300  }
0x22: {  	[tilespmem:s18], [sflag:$0x5] =	stream.linear.gather [hbm4b:s17+s5], $0x80, $0x38;
	[tilespmem:$0x19400] =	vst v63  }
0x23: {  	_ =	swait.ge [sflag:s30], $0x80  }
0x24: {  	[sflag:s30] =	ssyncset.done $0x0  }
0x25: {  	[sflag:s30] =	ssyncadd.s32 $0xFFFFFF80  }
0x26: {  	s24 =	simm.s32 $0x380;
	s21 =	rddreg [dreg:$0x2]  }
0x27: {  	[tilespmem:s24], [sflag:$0x5] =	stream.linear.gather [hbm4b:s21+s5], $0x80, $0x38;
	[tilespmem:$0x19400] =	vst v63  }
0x28: {  	_ =	swait.ge [sflag:s30], $0x80  }
0x29: {  	[sflag:s30] =	ssyncset.done $0x0  }
0x2a: {  	[sflag:s30] =	ssyncadd.s32 $0xFFFFFF80  }
0x2b: {  	v1 =	vld [tilespmem:$0x300]  }
0x2c: {  	v2 =	vld [tilespmem:$0x310]  }
0x2d: {  	v3 =	vld [tilespmem:$0x320]  }
0x2e: {  	v4 =	vld [tilespmem:$0x330]  }
0x2f: {  	v5 =	vld [tilespmem:$0x340]  }
0x30: {  	v6 =	vld [tilespmem:$0x350]  }
0x31: {  	v7 =	vld [tilespmem:$0x360]  }
0x32: {  	v8 =	vld [tilespmem:$0x370]  }
0x33: {  	v9 =	vld [tilespmem:$0x380]  }
0x34: {  	v10 =	vld [tilespmem:$0x390]  }
0x35: {  	v11 =	vld [tilespmem:$0x3A0]  }
0x36: {  	v12 =	vld [tilespmem:$0x3B0]  }
0x37: {  	v13 =	vld [tilespmem:$0x3C0]  }
0x38: {  	v14 =	vld [tilespmem:$0x3D0]  }
0x39: {  	v15 =	vld [tilespmem:$0x3E0]  }
0x3a: {  	s17 =	simm.s32 $0x0;
	s18 =	simm.s32 $0x200;
	v16 =	vld [tilespmem:$0x3F0]  }
.LBB2_2:
0x3b: {  	p0 =	sne.s32 s18, $0x9E00;
	[tilespmem:s17+$0x470] =	vst v0  }
0x3c: {  	[tilespmem:s17+$0x400] =	vst v0  }
0x3d: {  	[tilespmem:s17+$0x410] =	vst v0  }
.Ltmp2:
0x3e: {  	[tilespmem:s17+$0x420] =	vst v0;
	(pc) =	sbr.rel @p0 .LBB2_2-.Ltmp2, $4  }
0x3f: {  	[tilespmem:s17+$0x430] =	vst v0  }
0x40: {  	[tilespmem:s17+$0x440] =	vst v0  }
0x41: {  	[tilespmem:s17+$0x450] =	vst v0  }
0x42: {  	[tilespmem:s17+$0x460] =	vst v0;
	s17 =	sshra.s32 s18, $0x2;
	s18 =	sadd.s32 $0x200, s18  }
0x43: {  	[tilespmem:s17+$0x470] =	vst v0  }
0x44: {  	[tilespmem:s17+$0x400] =	vst v0  }
0x45: {  	[tilespmem:s17+$0x410] =	vst v0  }
0x46: {  	[tilespmem:s17+$0x420] =	vst v0  }
0x47: {  	[tilespmem:s17+$0x430] =	vst v0  }
0x48: {  	[tilespmem:s17+$0x440] =	vst v0  }
0x49: {  	[tilespmem:s17+$0x450] =	vst v0  }
0x4a: {  	[tilespmem:s17+$0x460] =	vst v0  }
0x4b: {  	[spmem:s10] =	stream.linear.scatter [tilespmem:s0], [sflag:$0x5], $0x2800, $0x38;
	[tilespmem:$0x19400] =	vst v63  }
0x4c: {  	_ =	swait.ge [sflag:s30], $0x2800  }
0x4d: {  	[sflag:s30] =	ssyncset.done $0x0  }
0x4e: {  	s24 =	rddreg [dreg:$0x5];
	[sflag:s30] =	ssyncadd.s32 $0xFFFFD800  }
0x4f: {  	[spmem:s24] =	stream.linear.scatter [tilespmem:s0], [sflag:$0x5], $0x2800, $0x38;
	[tilespmem:$0x19400] =	vst v63  }
0x50: {  	_ =	swait.ge [sflag:s30], $0x2800  }
0x51: {  	[sflag:s30] =	ssyncset.done $0x0  }
0x52: {  	s18 =	rddreg [dreg:$0x6];
	[sflag:s30] =	ssyncadd.s32 $0xFFFFD800  }
0x53: {  	[spmem:s18] =	stream.linear.scatter [tilespmem:s0], [sflag:$0x5], $0x2800, $0x38;
	[tilespmem:$0x19400] =	vst v63  }
0x54: {  	_ =	swait.ge [sflag:s30], $0x2800  }
0x55: {  	[sflag:s30] =	ssyncset.done $0x0  }
0x56: {  	s19 =	rddreg [dreg:$0x7];
	[sflag:s30] =	ssyncadd.s32 $0xFFFFD800  }
0x57: {  	[spmem:s19] =	stream.linear.scatter [tilespmem:s0], [sflag:$0x5], $0x2800, $0x38;
	[tilespmem:$0x19400] =	vst v63  }
0x58: {  	_ =	swait.ge [sflag:s30], $0x2800  }
0x59: {  	[sflag:s30] =	ssyncset.done $0x0  }
0x5a: {  	s20 =	rddreg [dreg:$0x8];
	[sflag:s30] =	ssyncadd.s32 $0xFFFFD800  }
0x5b: {  	[spmem:s20] =	stream.linear.scatter [tilespmem:s0], [sflag:$0x5], $0x2800, $0x38;
	[tilespmem:$0x19400] =	vst v63  }
0x5c: {  	_ =	swait.ge [sflag:s30], $0x2800  }
0x5d: {  	[sflag:s30] =	ssyncset.done $0x0  }
0x5e: {  	s21 =	rddreg [dreg:$0x9];
	[sflag:s30] =	ssyncadd.s32 $0xFFFFD800  }
0x5f: {  	[spmem:s21] =	stream.linear.scatter [tilespmem:s0], [sflag:$0x5], $0x2800, $0x38;
	[tilespmem:$0x19400] =	vst v63  }
0x60: {  	_ =	swait.ge [sflag:s30], $0x2800  }
0x61: {  	[sflag:s30] =	ssyncset.done $0x0  }
0x62: {  	[sflag:s30] =	ssyncadd.s32 $0xFFFFD800  }
0x63: {  	[spmem:s26] =	stream.linear.scatter [tilespmem:s0], [sflag:$0x5], $0x2800, $0x38;
	[tilespmem:$0x19400] =	vst v63  }
0x64: {  	_ =	swait.ge [sflag:s30], $0x2800  }
0x65: {  	[sflag:s30] =	ssyncset.done $0x0  }
0x66: {  	[sflag:s30] =	ssyncadd.s32 $0xFFFFD800  }
0x67: {  	[spmem:s28] =	stream.linear.scatter [tilespmem:s0], [sflag:$0x5], $0x2800, $0x38;
	[tilespmem:$0x19400] =	vst v63  }
0x68: {  	_ =	swait.ge [sflag:s30], $0x2800  }
0x69: {  	[sflag:s30] =	ssyncset.done $0x0  }
0x6a: {  	[sflag:s30] =	ssyncadd.s32 $0xFFFFD800  }
0x6b: {  	[bflag:$0x0] =	sbarrier.arrive $0xFFFF  }
0x6c: {  	s17 =	simm.s32 $0x0;
	s18 =	rddreg [dreg:$0xa]  }
0x6d: {  	[tilespmem:s17], [sflag:$0x3] =	stream.linear.gather [hbm4b:s18+s17], $0x50, $0x38;
	[tilespmem:$0x19400] =	vst v63  }
0x6e: {  	s24 =	rddreg [dreg:$0xb]  }
0x6f: {  	[tilespmem:s1], [sflag:$0x3] =	stream.linear.gather [hbm4b:s24+s17], $0x50, $0x38;
	[tilespmem:$0x19400] =	vst v63  }
0x70: {  	s19 =	rddreg [dreg:$0xc]  }
0x71: {  	[tilespmem:s2], [sflag:$0x3] =	stream.linear.gather [hbm4b:s19+s17], $0x50, $0x38;
	[tilespmem:$0x19400] =	vst v63  }
0x72: {  	_ =	swait.ge [sflag:s29], $0x50  }
0x73: {  	[sflag:s29] =	ssyncset.done $0x0  }
0x74: {  	[sflag:s29] =	ssyncadd.s32 $0xFFFFFFB0  }
0x75: {  	_ =	swait.ge [sflag:s29], $0x50  }
0x76: {  	[sflag:s29] =	ssyncset.done $0x0  }
0x77: {  	[sflag:s29] =	ssyncadd.s32 $0xFFFFFFB0  }
0x78: {  	_ =	swait.ge [sflag:s29], $0x50  }
0x79: {  	[sflag:s29] =	ssyncset.done $0x0  }
0x7a: {  	s20 =	rddreg [dreg:$0xd];
	[sflag:s29] =	ssyncadd.s32 $0xFFFFFFB0  }
0x7b: {  	[tilespmem:s31], [sflag:$0x4] =	stream.linear.gather [hbm4b:s20+s17], $0x50, $0x38;
	[tilespmem:$0x19400] =	vst v63  }
0x7c: {  	s21 =	rddreg [dreg:$0xe]  }
0x7d: {  	[tilespmem:s4], [sflag:$0x4] =	stream.linear.gather [hbm4b:s21+s17], $0x50, $0x38;
	[tilespmem:$0x19400] =	vst v63  }
0x7e: {  	s24 =	rddreg [dreg:$0xf]  }
0x7f: {  	[tilespmem:s11], [sflag:$0x4] =	stream.linear.gather [hbm4b:s24+s17], $0x50, $0x38;
	[tilespmem:$0x19400] =	vst v63  }
0x80: {  	_ =	swait.ge [sflag:s12], $0x50  }
0x81: {  	[sflag:s12] =	ssyncset.done $0x0  }
0x82: {  	[sflag:s12] =	ssyncadd.s32 $0xFFFFFFB0  }
0x83: {  	_ =	swait.ge [sflag:s12], $0x50  }
0x84: {  	v1 =	vsub.f32 $0.0e+00, v1;
	v2 =	vsub.f32 $0.0e+00, v2;
	[sflag:s12] =	ssyncset.done $0x0  }
0x85: {  	v3 =	vsub.f32 $0.0e+00, v3;
	v4 =	vsub.f32 $0.0e+00, v4;
	[sflag:s12] =	ssyncadd.s32 $0xFFFFFFB0  }
0x86: {  	v5 =	vsub.f32 $0.0e+00, v5;
	v6 =	vsub.f32 $0.0e+00, v6;
	_ =	swait.ge [sflag:s12], $0x50  }
0x87: {  	v7 =	vsub.f32 $0.0e+00, v7;
	v8 =	vsub.f32 $0.0e+00, v8;
	[sflag:s12] =	ssyncset.done $0x0  }
0x88: {  	v9 =	vsub.f32 $0.0e+00, v9;
	v10 =	vsub.f32 $0.0e+00, v10;
	[sflag:s12] =	ssyncadd.s32 $0xFFFFFFB0  }
0x89: {  	v11 =	vsub.f32 $0.0e+00, v11;
	v12 =	vsub.f32 $0.0e+00, v12;
	[tilespmem:s0], [sflag:$0x1] =	stream.indirect.gather [hbm4b:s6+s13], $0x80, s17, s13, $0xb8;
	[tilespmem:$0x19400] =	vst v63  }
0x8a: {  	v13 =	vsub.f32 $0.0e+00, v13;
	v14 =	vsub.f32 $0.0e+00, v14  }
0x8b: {  	v15 =	vsub.f32 $0.0e+00, v15;
	v16 =	vsub.f32 $0.0e+00, v16;
	[tilespmem:s14], [sflag:$0x2] =	stream.indirect.gather [hbm4b:s6+s13], $0x80, s31, s13, $0xb8;
	[tilespmem:$0x19400] =	vst v63  }
.LBB2_4:
0x8c: {  	s18 =	simm.s32 $0x0  }
0x8d: {  	v17 =	vmov s18  }
0x8e: {  	v17 =	vand.u32 $0xFFFFFFFE, v17  }
0x8f: {  	v17 =	vbroadcast v17, $0x0;
	_ =	sdelay $0x1  }
0x90: {  	s19 =	simm.s32 $0x1  }
0x91: {  	_ =	swait.ge [sflag:s19], $0x2800  }
0x92: {  	[sflag:s19] =	ssyncset.done $0x0  }
0x93: {  	[sflag:s19] =	ssyncadd.s32 $0xFFFFD800  }
0x94: {  	v17 =	vld.idx.msk [tilespmem:v17+s2+$0x0], $0xffff;
	_ =	sdelay $0x4  }
0x95: {  	v18 =	vmul.f32 v17, v7  }
0x96: {  	v19 =	vmul.f32 v17, v1  }
0x97: {  	v20 =	vmul.f32 v17, v5;
	v18 =	vadd.f32 v18, v15  }
0x98: {  	v21 =	vmul.f32 v17, v2;
	v22 =	vmul.f32 v17, v3;
	v19 =	vadd.f32 v19, v9  }
0x99: {  	v23 =	vmul.f32 v17, v6;
	v18 =	vmul.f32 $1.442695020e+00, v18  }
0x9a: {  	v24 =	vmul.f32 v17, v4;
	v20 =	vadd.f32 v20, v13;
	v19 =	vmul.f32 $1.442695020e+00, v19  }
0x9b: {  	v17 =	vmul.f32 v17, v8;
	v22 =	vadd.f32 v22, v11;
	(erf) = vpow2.f32 v18  }
0x9c: {  	v20 =	vmul.f32 $1.442695020e+00, v20;
	(erf) = vpow2.f32 v19  }
0x9d: {  	v51 =	vmul.f32 $1.442695020e+00, v22;
	v18 =	vadd.f32 v21, v10  }
0x9e: {  	v52 =	vadd.f32 v24, v12;
	v17 =	vadd.f32 v17, v16;
	(erf) = vpow2.f32 v20  }
0x9f: {  	v19 =	vadd.f32 v23, v14;
	v18 =	vmul.f32 $1.442695020e+00, v18;
	(erf) = vpow2.f32 v51  }
0xa0: {  	v17 =	vmul.f32 $1.442695020e+00, v17;
	v20 =	vmul.f32 $1.442695020e+00, v52  }
0xa1: {  	v19 =	vmul.f32 $1.442695020e+00, v19;
	(erf) = vpow2.f32 v18  }
0xa2: {  	(erf) = vpow2.f32 v20  }
0xa3: {  	(erf) = vpow2.f32 v19  }
0xa4: {  	(erf) = vpow2.f32 v17;
	v17 =	vpop (erf)  }
0xa5: {  	v18 =	vpop (erf)  }
0xa6: {  	v17 =	vadd.f32 $1.000000000e+00, v17;
	v18 =	vadd.f32 $1.000000000e+00, v18  }
0xa7: {  	v19 =	vpop (erf)  }
0xa8: {  	(erf) = vrcp.f32 v17;
	v17 =	vadd.f32 $1.000000000e+00, v19;
	v19 =	vpop (erf)  }
0xa9: {  	v19 =	vadd.f32 $1.000000000e+00, v19  }
0xaa: {  	(erf) = vrcp.f32 v18;
	v18 =	vpop (erf)  }
0xab: {  	(erf) = vrcp.f32 v17;
	v18 =	vadd.f32 $1.000000000e+00, v18  }
0xac: {  	v20 =	vpop (erf)  }
0xad: {  	(erf) = vrcp.f32 v19;
	v17 =	vadd.f32 $1.000000000e+00, v20;
	v19 =	vpop (erf)  }
0xae: {  	s18 =	simm.s32 $0x480;
	v19 =	vadd.f32 $1.000000000e+00, v19;
	(erf) = vrcp.f32 v18  }
0xaf: {  	v20 =	vld [tilespmem:s18+$0xFFFFFFE0];
	(erf) = vrcp.f32 v17;
	v18 =	vpop (erf)  }
0xb0: {  	(erf) = vrcp.f32 v19;
	v19 =	vld [tilespmem:s18+$0xFFFFFFC0];
	v18 =	vadd.f32 $1.000000000e+00, v18  }
0xb1: {  	v17 =	vld [tilespmem:s18+$0xFFFFFF80]  }
0xb2: {  	v54 =	vpop (erf);
	(erf) = vrcp.f32 v18  }
0xb3: {  	v56 =	vpop (erf);
	v18 =	vld [tilespmem:s18+$0xFFFFFFA0]  }
0xb4: {  	v53 =	vld [tilespmem:s18+$0xFFFFFF90];
	v58 =	vpop (erf)  }
0xb5: {  	v55 =	vld [tilespmem:s18+$0xFFFFFFB0];
	v20 =	vmul.f32 v20, v54;
	v19 =	vmul.f32 v19, v58  }
0xb6: {  	v57 =	vld [tilespmem:s18+$0xFFFFFFD0];
	v17 =	vmul.f32 v56, v17  }
0xb7: {  	[tilespmem:s18+$0xFFFFFFE0] =	vst v20;
	v20 =	vld [tilespmem:s18+$0xFFFFFFF0];
	v59 =	vpop (erf)  }
0xb8: {  	[tilespmem:s18+$0xFFFFFF80] =	vst v17;
	v17 =	vmul.f32 v59, v18;
	v18 =	vpop (erf)  }
0xb9: {  	[tilespmem:s18+$0xFFFFFFC0] =	vst v19;
	v18 =	vmul.f32 v18, v53;
	v19 =	vpop (erf)  }
0xba: {  	[tilespmem:s18+$0xFFFFFFA0] =	vst v17;
	v17 =	vmul.f32 v55, v19;
	v19 =	vmov s19;
	v60 =	vpop (erf)  }
0xbb: {  	[tilespmem:s18+$0xFFFFFF90] =	vst v18;
	v18 =	vmul.f32 v57, v60;
	v61 =	vpop (erf)  }
0xbc: {  	[tilespmem:s18+$0xFFFFFFB0] =	vst v17;
	v17 =	vmul.f32 v20, v61  }
0xbd: {  	[tilespmem:s18+$0xFFFFFFD0] =	vst v18  }
0xbe: {  	[tilespmem:s18+$0xFFFFFFF0] =	vst v17  }
0xbf: {  	v17 =	vld.idx.msk [tilespmem:v19+s2+$0x0], $0xffff;
	_ =	sdelay $0x4  }
0xc0: {  	v18 =	vmul.f32 v17, v1  }
0xc1: {  	v19 =	vmul.f32 v17, v2  }
0xc2: {  	v18 =	vadd.f32 v18, v9  }
0xc3: {  	v19 =	vadd.f32 v19, v10  }
0xc4: {  	v20 =	vmul.f32 v17, v5;
	v18 =	vmul.f32 $1.442695020e+00, v18  }
0xc5: {  	v62 =	vmul.f32 v17, v7;
	v19 =	vmul.f32 $1.442695020e+00, v19  }
0xc6: {  	(erf) = vpow2.f32 v18;
	v18 =	vadd.f32 v20, v13;
	v20 =	vmul.f32 v17, v8  }
0xc7: {  	v21 =	vadd.f32 v62, v15;
	(erf) = vpow2.f32 v19;
	v19 =	vmul.f32 v17, v3  }
0xc8: {  	v63 =	vmul.f32 v17, v4;
	v18 =	vmul.f32 $1.442695020e+00, v18;
	v20 =	vadd.f32 v20, v16  }
0xc9: {  	v21 =	vmul.f32 $1.442695020e+00, v21;
	v17 =	vmul.f32 v17, v6;
	v19 =	vadd.f32 v19, v11  }
0xca: {  	v22 =	vadd.f32 v63, v12;
	v20 =	vmul.f32 $1.442695020e+00, v20;
	(erf) = vpow2.f32 v18  }
0xcb: {  	v17 =	vadd.f32 v17, v14;
	v18 =	vmul.f32 $1.442695020e+00, v19;
	(erf) = vpow2.f32 v21  }
0xcc: {  	v19 =	vmul.f32 $1.442695020e+00, v22;
	(erf) = vpow2.f32 v20  }
0xcd: {  	v17 =	vmul.f32 $1.442695020e+00, v17;
	(erf) = vpow2.f32 v18  }
0xce: {  	(erf) = vpow2.f32 v19  }
0xcf: {  	v18 =	vpop (erf);
	(erf) = vpow2.f32 v17;
	_ =	sdelay $0x1  }
0xd0: {  	s20 =	simm.s32 $0x3;
	s19 =	simm.s32 $0x480;
	v17 =	vadd.f32 $1.000000000e+00, v18;
	v18 =	vpop (erf)  }
.LBB2_5:
0xd1: {  	p0 =	sne.s32 s20, $0x4F  }
0xd2: {  	v21 =	vadd.f32 $1.000000000e+00, v18;
	s18 =	sadd.s32 $0x100, s18;
	v19 =	vpop (erf);
	s21 =	smov.u32 s20;
	s20 =	sadd.s32 $0x2, s20  }
0xd3: {  	v19 =	vadd.f32 $1.000000000e+00, v19;
	(erf) = vrcp.f32 v17;
	v17 =	vpop (erf)  }
0xd4: {  	v17 =	vadd.f32 $1.000000000e+00, v17;
	(erf) = vrcp.f32 v21;
	v18 =	vpop (erf)  }
0xd5: {  	v18 =	vadd.f32 $1.000000000e+00, v18;
	v20 =	vpop (erf);
	(erf) = vrcp.f32 v19  }
0xd6: {  	v19 =	vadd.f32 $1.000000000e+00, v20;
	v20 =	vpop (erf);
	(erf) = vrcp.f32 v17  }
0xd7: {  	v17 =	vadd.f32 $1.000000000e+00, v20;
	v20 =	vpop (erf);
	(erf) = vrcp.f32 v18  }
0xd8: {  	v18 =	vld [tilespmem:s19+$0x0];
	v20 =	vadd.f32 $1.000000000e+00, v20;
	(erf) = vrcp.f32 v19  }
0xd9: {  	s24 =	sadd.s32 $0xFFFFFFFF, s21;
	v19 =	vld [tilespmem:s19+$0x10];
	(erf) = vrcp.f32 v17  }
0xda: {  	v17 =	vmov s24;
	v21 =	vld [tilespmem:s19+$0x40];
	(erf) = vrcp.f32 v20  }
0xdb: {  	v17 =	vand.u32 $0xFFFFFFFE, v17;
	v20 =	vld [tilespmem:s19+$0x60]  }
0xdc: {  	v17 =	vbroadcast v17, $0x0;
	v22 =	vld [tilespmem:s19+$0x70];
	v23 =	vpop (erf)  }
0xdd: {  	v18 =	vmul.f32 v23, v18;
	v23 =	vld [tilespmem:s19+$0x20];
	v24 =	vpop (erf)  }
0xde: {  	v19 =	vmul.f32 v24, v19;
	v24 =	vld [tilespmem:s19+$0x30];
	v25 =	vpop (erf)  }
0xdf: {  	[tilespmem:s19+$0x0] =	vst v18;
	v18 =	vmul.f32 v21, v25;
	v21 =	vld [tilespmem:s19+$0x50];
	v25 =	vpop (erf)  }
0xe0: {  	[tilespmem:s19+$0x10] =	vst v19;
	v25 =	vmul.f32 v20, v25;
	v20 =	vpop (erf)  }
0xe1: {  	[tilespmem:s19+$0x40] =	vst v18;
	v22 =	vmul.f32 v22, v20;
	v20 =	vpop (erf)  }
0xe2: {  	v20 =	vmul.f32 v20, v23;
	[tilespmem:s19+$0x60] =	vst v25;
	v19 =	vpop (erf)  }
0xe3: {  	v19 =	vmul.f32 v24, v19;
	[tilespmem:s19+$0x70] =	vst v22;
	v18 =	vpop (erf)  }
0xe4: {  	[tilespmem:s19+$0x20] =	vst v20;
	v18 =	vmul.f32 v21, v18  }
0xe5: {  	[tilespmem:s19+$0x30] =	vst v19  }
0xe6: {  	[tilespmem:s19+$0x50] =	vst v18;
	s19 =	smov.u32 s18  }
0xe7: {  	v17 =	vld.idx.msk [tilespmem:v17+s2+$0x0], $0xffff;
	_ =	sdelay $0x5  }
0xe8: {  	v18 =	vmul.f32 v17, v5;
	v19 =	vmul.f32 v17, v7  }
0xe9: {  	v20 =	vmul.f32 v17, v2;
	v21 =	vmul.f32 v17, v6  }
0xea: {  	v22 =	vmul.f32 v17, v1;
	v23 =	vmul.f32 v17, v3;
	v19 =	vadd.f32 v19, v15  }
0xeb: {  	v24 =	vmul.f32 v17, v8;
	v18 =	vadd.f32 v18, v13;
	v21 =	vadd.f32 v21, v14  }
0xec: {  	v17 =	vmul.f32 v17, v4;
	v22 =	vadd.f32 v22, v9;
	v20 =	vadd.f32 v20, v10  }
0xed: {  	v23 =	vadd.f32 v23, v11;
	v18 =	vmul.f32 $1.442695020e+00, v18;
	v19 =	vmul.f32 $1.442695020e+00, v19  }
0xee: {  	v24 =	vadd.f32 v24, v16;
	v22 =	vmul.f32 $1.442695020e+00, v22;
	v20 =	vmul.f32 $1.442695020e+00, v20  }
0xef: {  	v17 =	vadd.f32 v17, v12;
	v23 =	vmul.f32 $1.442695020e+00, v23;
	(erf) = vpow2.f32 v19  }
0xf0: {  	v19 =	vmul.f32 $1.442695020e+00, v24;
	(erf) = vpow2.f32 v22  }
0xf1: {  	v21 =	vmul.f32 $1.442695020e+00, v21;
	(erf) = vpow2.f32 v18  }
0xf2: {  	v17 =	vmul.f32 $1.442695020e+00, v17;
	(erf) = vpow2.f32 v23  }
0xf3: {  	(erf) = vpow2.f32 v20  }
0xf4: {  	(erf) = vpow2.f32 v17  }
0xf5: {  	(erf) = vpow2.f32 v21  }
0xf6: {  	(erf) = vpow2.f32 v19;
	_ =	sdelay $0x1  }
0xf7: {  	v17 =	vpop (erf)  }
0xf8: {  	v17 =	vadd.f32 $1.000000000e+00, v17;
	v18 =	vpop (erf)  }
0xf9: {  	v21 =	vadd.f32 $1.000000000e+00, v18;
	v19 =	vpop (erf)  }
0xfa: {  	v19 =	vadd.f32 $1.000000000e+00, v19;
	v20 =	vpop (erf);
	(erf) = vrcp.f32 v17  }
0xfb: {  	v22 =	vadd.f32 $1.000000000e+00, v20;
	(erf) = vrcp.f32 v21;
	v18 =	vpop (erf)  }
0xfc: {  	v21 =	vadd.f32 $1.000000000e+00, v18;
	v20 =	vpop (erf);
	(erf) = vrcp.f32 v19  }
0xfd: {  	v19 =	vadd.f32 $1.000000000e+00, v20;
	(erf) = vrcp.f32 v22;
	v17 =	vpop (erf)  }
0xfe: {  	v17 =	vadd.f32 $1.000000000e+00, v17;
	(erf) = vrcp.f32 v21;
	v18 =	vpop (erf)  }
0xff: {  	v20 =	vld [tilespmem:s18+$0xFFFFFFE0];
	v18 =	vadd.f32 $1.000000000e+00, v18;
	(erf) = vrcp.f32 v19  }
0x100: {  	v19 =	vld [tilespmem:s18+$0xFFFFFF80];
	(erf) = vrcp.f32 v17  }
0x101: {  	v17 =	vld [tilespmem:s18+$0xFFFFFFC0];
	(erf) = vrcp.f32 v18  }
0x102: {  	v18 =	vld [tilespmem:s18+$0xFFFFFFA0]  }
0x103: {  	v21 =	vld [tilespmem:s18+$0xFFFFFF90];
	v22 =	vpop (erf)  }
0x104: {  	v23 =	vld [tilespmem:s18+$0xFFFFFFB0];
	v20 =	vmul.f32 v20, v22;
	v22 =	vpop (erf)  }
0x105: {  	v25 =	vmul.f32 v22, v19;
	v22 =	vld [tilespmem:s18+$0xFFFFFFD0];
	v24 =	vpop (erf)  }
0x106: {  	v26 =	vmul.f32 v17, v24;
	[tilespmem:s18+$0xFFFFFFE0] =	vst v20;
	v20 =	vld [tilespmem:s18+$0xFFFFFFF0];
	v24 =	vpop (erf)  }
0x107: {  	[tilespmem:s18+$0xFFFFFF80] =	vst v25;
	v18 =	vmul.f32 v24, v18;
	v19 =	vpop (erf)  }
0x108: {  	v19 =	vmul.f32 v19, v21;
	[tilespmem:s18+$0xFFFFFFC0] =	vst v26;
	v17 =	vpop (erf)  }
0x109: {  	[tilespmem:s18+$0xFFFFFFA0] =	vst v18;
	v17 =	vmul.f32 v23, v17;
	v18 =	vmov s21;
	v21 =	vpop (erf)  }
0x10a: {  	[tilespmem:s18+$0xFFFFFF90] =	vst v19;
	v19 =	vmul.f32 v22, v21;
	v21 =	vpop (erf)  }
0x10b: {  	[tilespmem:s18+$0xFFFFFFB0] =	vst v17;
	v17 =	vmul.f32 v20, v21  }
0x10c: {  	[tilespmem:s18+$0xFFFFFFD0] =	vst v19  }
0x10d: {  	[tilespmem:s18+$0xFFFFFFF0] =	vst v17  }
0x10e: {  	v17 =	vld.idx.msk [tilespmem:v18+s2+$0x0], $0xffff;
	_ =	sdelay $0x5  }
0x10f: {  	v18 =	vmul.f32 v17, v1;
	v19 =	vmul.f32 v17, v5  }
0x110: {  	v20 =	vmul.f32 v17, v2;
	v21 =	vmul.f32 v17, v7  }
0x111: {  	v22 =	vmul.f32 v17, v8;
	v18 =	vadd.f32 v18, v9;
	v19 =	vadd.f32 v19, v13  }
0x112: {  	v23 =	vmul.f32 v17, v3;
	v20 =	vadd.f32 v20, v10;
	v21 =	vadd.f32 v21, v15  }
0x113: {  	v18 =	vmul.f32 $1.442695020e+00, v18;
	v19 =	vmul.f32 $1.442695020e+00, v19  }
0x114: {  	v23 =	vadd.f32 v23, v11;
	v20 =	vmul.f32 $1.442695020e+00, v20;
	v21 =	vmul.f32 $1.442695020e+00, v21  }
0x115: {  	v24 =	vmul.f32 v17, v4;
	v22 =	vadd.f32 v22, v16;
	(erf) = vpow2.f32 v18  }
0x116: {  	v17 =	vmul.f32 v17, v6;
	(erf) = vpow2.f32 v20  }
0x117: {  	v18 =	vadd.f32 v24, v12;
	v20 =	vmul.f32 $1.442695020e+00, v22;
	(erf) = vpow2.f32 v19  }
0x118: {  	v17 =	vadd.f32 v17, v14;
	v19 =	vmul.f32 $1.442695020e+00, v23;
	(erf) = vpow2.f32 v21  }
0x119: {  	v18 =	vmul.f32 $1.442695020e+00, v18;
	(erf) = vpow2.f32 v20  }
0x11a: {  	v17 =	vmul.f32 $1.442695020e+00, v17;
	(erf) = vpow2.f32 v19  }
.Ltmp3:
0x11b: {  	(erf) = vpow2.f32 v18;
	(pc) =	sbr.rel @p0 .LBB2_5-.Ltmp3, $3  }
0x11c: {  	(erf) = vpow2.f32 v17;
	_ =	sdelay $0x1  }
0x11d: {  	v17 =	vpop (erf)  }
0x11e: {  	v17 =	vadd.f32 $1.000000000e+00, v17;
	v18 =	vpop (erf)  }
0x11f: {  	v18 =	vadd.f32 $1.000000000e+00, v18;
	_ =	sdelay $0x1  }
0x120: {  	v19 =	vpop (erf)  }
0x121: {  	v19 =	vadd.f32 $1.000000000e+00, v19;
	(erf) = vrcp.f32 v17;
	v17 =	vpop (erf)  }
0x122: {  	v17 =	vadd.f32 $1.000000000e+00, v17;
	(erf) = vrcp.f32 v18;
	v18 =	vpop (erf)  }
0x123: {  	(erf) = vrcp.f32 v19;
	v18 =	vadd.f32 $1.000000000e+00, v18;
	v20 =	vpop (erf)  }
0x124: {  	v19 =	vadd.f32 $1.000000000e+00, v20;
	v20 =	vpop (erf);
	(erf) = vrcp.f32 v17  }
0x125: {  	v17 =	vadd.f32 $1.000000000e+00, v20;
	v20 =	vpop (erf);
	(erf) = vrcp.f32 v18  }
0x126: {  	v18 =	vld [tilespmem:s19+$0x0]  }
0x127: {  	v20 =	vadd.f32 $1.000000000e+00, v20;
	(erf) = vrcp.f32 v19;
	v19 =	vld [tilespmem:s19+$0x10]  }
0x128: {  	(erf) = vrcp.f32 v17;
	v17 =	vld [tilespmem:s19+$0x40]  }
0x129: {  	(erf) = vrcp.f32 v20;
	v20 =	vld [tilespmem:s19+$0x60]  }
0x12a: {  	v21 =	vld [tilespmem:s19+$0x70];
	v22 =	vpop (erf)  }
0x12b: {  	v23 =	vpop (erf);
	v18 =	vmul.f32 v22, v18  }
0x12c: {  	v19 =	vmul.f32 v23, v19;
	v24 =	vpop (erf)  }
0x12d: {  	v44 =	vld [tilespmem:s19+$0x20];
	[tilespmem:s19+$0x0] =	vst v18;
	v17 =	vmul.f32 v17, v24;
	v46 =	vpop (erf)  }
0x12e: {  	v45 =	vld [tilespmem:s19+$0x30];
	[tilespmem:s19+$0x10] =	vst v19;
	v19 =	vmul.f32 v20, v46;
	v20 =	vpop (erf)  }
0x12f: {  	v18 =	vld [tilespmem:s19+$0x50];
	[tilespmem:s19+$0x40] =	vst v17;
	v17 =	vmul.f32 v21, v20;
	_ =	sdelay $0x1  }
0x130: {  	v20 =	vpop (erf)  }
0x131: {  	v20 =	vmul.f32 v20, v44;
	[tilespmem:s19+$0x60] =	vst v19;
	v19 =	vpop (erf)  }
0x132: {  	[tilespmem:s19+$0x70] =	vst v17;
	v19 =	vmul.f32 v45, v19;
	v17 =	vpop (erf)  }
0x133: {  	[tilespmem:s19+$0x20] =	vst v20;
	v17 =	vmul.f32 v18, v17  }
0x134: {  	p0 =	seq.s32 s17, $0x3D;
	[tilespmem:s19+$0x30] =	vst v19  }
0x135: {  	s18 =	smul.u32 @!p0 $0xA0, s17;
	[tilespmem:s19+$0x50] =	vst v17  }
0x136: {  	[spmem:s3] =	stream.indirect.scatter.add.f32 [tilespmem:s0], [sflag:$0x5], $0x80, s1, s13, $0xb8;
	[tilespmem:$0x19400] =	vst v63  }
0x137: {  	s18 =	sadd.s32 @!p0 s18, s22;
	_ =	swait.ge [sflag:s30], $0x2800  }
0x138: {  	s21 =	simm.s32 $0x0;
	s18 =	sshrl.u32 @!p0 s18, $0x3;
	[sflag:s30] =	ssyncset.done $0x0  }
0x139: {  	s20 =	simm.s32 @!p0 $0x0;
	s19 =	sadd.s32 @!p0 s7, s18;
	[sflag:s30] =	ssyncadd.s32 $0xFFFFD800  }
0x13a: {  	v17 =	vmov s21;
	[tilespmem:s20], [sflag:$0x3] =	stream.linear.gather @!p0 [hbm4b:s19+s20], $0x50, $0x38;
	[tilespmem:$0x19400] =	vst v63  }
0x13b: {  	s21 =	simm.s32 @!p0 $0x100;
	v17 =	vand.u32 $0xFFFFFFFE, v17;
	s19 =	sadd.s32 @!p0 s8, s18  }
0x13c: {  	v17 =	vbroadcast v17, $0x0;
	[tilespmem:s21], [sflag:$0x3] =	stream.linear.gather @!p0 [hbm4b:s19+s20], $0x50, $0x38;
	[tilespmem:$0x19400] =	vst v63  }
0x13d: {  	s18 =	sadd.s32 @!p0 s9, s18;
	s19 =	simm.s32 @!p0 $0x200  }
0x13e: {  	[tilespmem:s19], [sflag:$0x3] =	stream.linear.gather @!p0 [hbm4b:s18+s20], $0x50, $0x38;
	[tilespmem:$0x19400] =	vst v63  }
0x13f: {  	_ =	swait.ge [sflag:s15], $0x2800  }
0x140: {  	[sflag:s15] =	ssyncset.done $0x0  }
0x141: {  	[sflag:s15] =	ssyncadd.s32 $0xFFFFD800  }
0x142: {  	v17 =	vld.idx.msk [tilespmem:v17+s11+$0x0], $0xffff;
	_ =	sdelay $0x4  }
0x143: {  	v18 =	vmul.f32 v17, v7  }
0x144: {  	v19 =	vmul.f32 v17, v1  }
0x145: {  	v20 =	vmul.f32 v17, v5;
	v18 =	vadd.f32 v18, v15  }
0x146: {  	v47 =	vmul.f32 v17, v2;
	v48 =	vmul.f32 v17, v3;
	v19 =	vadd.f32 v19, v9  }
0x147: {  	v49 =	vmul.f32 v17, v6;
	v18 =	vmul.f32 $1.442695020e+00, v18  }
0x148: {  	v50 =	vmul.f32 v17, v4;
	v20 =	vadd.f32 v20, v13;
	v19 =	vmul.f32 $1.442695020e+00, v19  }
0x149: {  	v17 =	vmul.f32 v17, v8;
	v22 =	vadd.f32 v48, v11;
	(erf) = vpow2.f32 v18  }
0x14a: {  	v20 =	vmul.f32 $1.442695020e+00, v20;
	(erf) = vpow2.f32 v19  }
0x14b: {  	v51 =	vmul.f32 $1.442695020e+00, v22;
	v18 =	vadd.f32 v47, v10  }
0x14c: {  	v52 =	vadd.f32 v50, v12;
	v17 =	vadd.f32 v17, v16;
	(erf) = vpow2.f32 v20  }
0x14d: {  	v19 =	vadd.f32 v49, v14;
	v18 =	vmul.f32 $1.442695020e+00, v18;
	(erf) = vpow2.f32 v51  }
0x14e: {  	v17 =	vmul.f32 $1.442695020e+00, v17;
	v20 =	vmul.f32 $1.442695020e+00, v52  }
0x14f: {  	v19 =	vmul.f32 $1.442695020e+00, v19;
	(erf) = vpow2.f32 v18  }
0x150: {  	(erf) = vpow2.f32 v20  }
0x151: {  	(erf) = vpow2.f32 v19  }
0x152: {  	(erf) = vpow2.f32 v17;
	v17 =	vpop (erf)  }
0x153: {  	v18 =	vpop (erf)  }
0x154: {  	v17 =	vadd.f32 $1.000000000e+00, v17;
	v18 =	vadd.f32 $1.000000000e+00, v18  }
0x155: {  	v19 =	vpop (erf)  }
0x156: {  	(erf) = vrcp.f32 v17;
	v17 =	vadd.f32 $1.000000000e+00, v19;
	v19 =	vpop (erf)  }
0x157: {  	v19 =	vadd.f32 $1.000000000e+00, v19  }
0x158: {  	(erf) = vrcp.f32 v18;
	v18 =	vpop (erf)  }
0x159: {  	(erf) = vrcp.f32 v17;
	v18 =	vadd.f32 $1.000000000e+00, v18  }
0x15a: {  	v20 =	vpop (erf)  }
0x15b: {  	(erf) = vrcp.f32 v19;
	v17 =	vadd.f32 $1.000000000e+00, v20;
	v19 =	vpop (erf)  }
0x15c: {  	s18 =	simm.s32 $0x2C80;
	v19 =	vadd.f32 $1.000000000e+00, v19;
	(erf) = vrcp.f32 v18  }
0x15d: {  	v20 =	vld [tilespmem:s18+$0xFFFFFFE0];
	(erf) = vrcp.f32 v17;
	v18 =	vpop (erf)  }
0x15e: {  	(erf) = vrcp.f32 v19;
	v19 =	vld [tilespmem:s18+$0xFFFFFFC0];
	v18 =	vadd.f32 $1.000000000e+00, v18  }
0x15f: {  	v17 =	vld [tilespmem:s18+$0xFFFFFF80]  }
0x160: {  	v54 =	vpop (erf);
	(erf) = vrcp.f32 v18  }
0x161: {  	v56 =	vpop (erf);
	v18 =	vld [tilespmem:s18+$0xFFFFFFA0]  }
0x162: {  	v53 =	vld [tilespmem:s18+$0xFFFFFF90];
	v58 =	vpop (erf)  }
0x163: {  	v55 =	vld [tilespmem:s18+$0xFFFFFFB0];
	v20 =	vmul.f32 v20, v54;
	v19 =	vmul.f32 v19, v58  }
0x164: {  	v57 =	vld [tilespmem:s18+$0xFFFFFFD0];
	v17 =	vmul.f32 v56, v17  }
0x165: {  	[tilespmem:s18+$0xFFFFFFE0] =	vst v20;
	v20 =	vld [tilespmem:s18+$0xFFFFFFF0];
	v59 =	vpop (erf)  }
0x166: {  	[tilespmem:s18+$0xFFFFFF80] =	vst v17;
	v17 =	vmul.f32 v59, v18;
	v18 =	vpop (erf)  }
0x167: {  	s24 =	simm.s32 $0x1;
	[tilespmem:s18+$0xFFFFFFC0] =	vst v19;
	v18 =	vmul.f32 v18, v53;
	v19 =	vpop (erf)  }
0x168: {  	[tilespmem:s18+$0xFFFFFFA0] =	vst v17;
	v17 =	vmul.f32 v55, v19;
	v19 =	vmov s24;
	v60 =	vpop (erf)  }
0x169: {  	[tilespmem:s18+$0xFFFFFF90] =	vst v18;
	v18 =	vmul.f32 v57, v60;
	v61 =	vpop (erf)  }
0x16a: {  	[tilespmem:s18+$0xFFFFFFB0] =	vst v17;
	v17 =	vmul.f32 v20, v61  }
0x16b: {  	[tilespmem:s18+$0xFFFFFFD0] =	vst v18  }
0x16c: {  	[tilespmem:s18+$0xFFFFFFF0] =	vst v17  }
0x16d: {  	v17 =	vld.idx.msk [tilespmem:v19+s11+$0x0], $0xffff;
	_ =	sdelay $0x4  }
0x16e: {  	v18 =	vmul.f32 v17, v1  }
0x16f: {  	v19 =	vmul.f32 v17, v2  }
0x170: {  	v18 =	vadd.f32 v18, v9  }
0x171: {  	v19 =	vadd.f32 v19, v10  }
0x172: {  	v20 =	vmul.f32 v17, v5;
	v18 =	vmul.f32 $1.442695020e+00, v18  }
0x173: {  	v62 =	vmul.f32 v17, v7;
	v19 =	vmul.f32 $1.442695020e+00, v19  }
0x174: {  	(erf) = vpow2.f32 v18;
	v18 =	vadd.f32 v20, v13;
	v20 =	vmul.f32 v17, v8  }
0x175: {  	v21 =	vadd.f32 v62, v15;
	(erf) = vpow2.f32 v19;
	v19 =	vmul.f32 v17, v3  }
0x176: {  	v63 =	vmul.f32 v17, v4;
	v18 =	vmul.f32 $1.442695020e+00, v18;
	v20 =	vadd.f32 v20, v16  }
0x177: {  	v21 =	vmul.f32 $1.442695020e+00, v21;
	v17 =	vmul.f32 v17, v6;
	v19 =	vadd.f32 v19, v11  }
0x178: {  	v22 =	vadd.f32 v63, v12;
	v20 =	vmul.f32 $1.442695020e+00, v20;
	(erf) = vpow2.f32 v18  }
0x179: {  	v17 =	vadd.f32 v17, v14;
	v18 =	vmul.f32 $1.442695020e+00, v19;
	(erf) = vpow2.f32 v21  }
0x17a: {  	v19 =	vmul.f32 $1.442695020e+00, v22;
	(erf) = vpow2.f32 v20  }
0x17b: {  	v17 =	vmul.f32 $1.442695020e+00, v17;
	(erf) = vpow2.f32 v18  }
0x17c: {  	(erf) = vpow2.f32 v19  }
0x17d: {  	v18 =	vpop (erf);
	(erf) = vpow2.f32 v17;
	_ =	sdelay $0x1  }
0x17e: {  	s20 =	simm.s32 $0x3;
	s19 =	simm.s32 $0x2C80;
	v17 =	vadd.f32 $1.000000000e+00, v18;
	v18 =	vpop (erf)  }
.LBB2_7:
0x17f: {  	p1 =	sne.s32 s20, $0x4F  }
0x180: {  	v21 =	vadd.f32 $1.000000000e+00, v18;
	s18 =	sadd.s32 $0x100, s18;
	v19 =	vpop (erf);
	s21 =	smov.u32 s20;
	s20 =	sadd.s32 $0x2, s20  }
0x181: {  	v19 =	vadd.f32 $1.000000000e+00, v19;
	(erf) = vrcp.f32 v17;
	v17 =	vpop (erf)  }
0x182: {  	v17 =	vadd.f32 $1.000000000e+00, v17;
	(erf) = vrcp.f32 v21;
	v18 =	vpop (erf)  }
0x183: {  	v18 =	vadd.f32 $1.000000000e+00, v18;
	v20 =	vpop (erf);
	(erf) = vrcp.f32 v19  }
0x184: {  	v19 =	vadd.f32 $1.000000000e+00, v20;
	v20 =	vpop (erf);
	(erf) = vrcp.f32 v17  }
0x185: {  	v17 =	vadd.f32 $1.000000000e+00, v20;
	v20 =	vpop (erf);
	(erf) = vrcp.f32 v18  }
0x186: {  	v18 =	vld [tilespmem:s19+$0x0];
	v20 =	vadd.f32 $1.000000000e+00, v20;
	(erf) = vrcp.f32 v19  }
0x187: {  	s24 =	sadd.s32 $0xFFFFFFFF, s21;
	v19 =	vld [tilespmem:s19+$0x10];
	(erf) = vrcp.f32 v17  }
0x188: {  	v17 =	vmov s24;
	v21 =	vld [tilespmem:s19+$0x40];
	(erf) = vrcp.f32 v20  }
0x189: {  	v17 =	vand.u32 $0xFFFFFFFE, v17;
	v20 =	vld [tilespmem:s19+$0x60]  }
0x18a: {  	v17 =	vbroadcast v17, $0x0;
	v22 =	vld [tilespmem:s19+$0x70];
	v23 =	vpop (erf)  }
0x18b: {  	v18 =	vmul.f32 v23, v18;
	v23 =	vld [tilespmem:s19+$0x20];
	v24 =	vpop (erf)  }
0x18c: {  	v19 =	vmul.f32 v24, v19;
	v24 =	vld [tilespmem:s19+$0x30];
	v25 =	vpop (erf)  }
0x18d: {  	[tilespmem:s19+$0x0] =	vst v18;
	v18 =	vmul.f32 v21, v25;
	v21 =	vld [tilespmem:s19+$0x50];
	v25 =	vpop (erf)  }
0x18e: {  	[tilespmem:s19+$0x10] =	vst v19;
	v25 =	vmul.f32 v20, v25;
	v20 =	vpop (erf)  }
0x18f: {  	[tilespmem:s19+$0x40] =	vst v18;
	v22 =	vmul.f32 v22, v20;
	v20 =	vpop (erf)  }
0x190: {  	v20 =	vmul.f32 v20, v23;
	[tilespmem:s19+$0x60] =	vst v25;
	v19 =	vpop (erf)  }
0x191: {  	v19 =	vmul.f32 v24, v19;
	[tilespmem:s19+$0x70] =	vst v22;
	v18 =	vpop (erf)  }
0x192: {  	[tilespmem:s19+$0x20] =	vst v20;
	v18 =	vmul.f32 v21, v18  }
0x193: {  	[tilespmem:s19+$0x30] =	vst v19  }
0x194: {  	[tilespmem:s19+$0x50] =	vst v18;
	s19 =	smov.u32 s18  }
0x195: {  	v17 =	vld.idx.msk [tilespmem:v17+s11+$0x0], $0xffff;
	_ =	sdelay $0x5  }
0x196: {  	v18 =	vmul.f32 v17, v5;
	v19 =	vmul.f32 v17, v7  }
0x197: {  	v20 =	vmul.f32 v17, v2;
	v21 =	vmul.f32 v17, v6  }
0x198: {  	v22 =	vmul.f32 v17, v1;
	v23 =	vmul.f32 v17, v3;
	v19 =	vadd.f32 v19, v15  }
0x199: {  	v24 =	vmul.f32 v17, v8;
	v18 =	vadd.f32 v18, v13;
	v21 =	vadd.f32 v21, v14  }
0x19a: {  	v17 =	vmul.f32 v17, v4;
	v22 =	vadd.f32 v22, v9;
	v20 =	vadd.f32 v20, v10  }
0x19b: {  	v23 =	vadd.f32 v23, v11;
	v18 =	vmul.f32 $1.442695020e+00, v18;
	v19 =	vmul.f32 $1.442695020e+00, v19  }
0x19c: {  	v24 =	vadd.f32 v24, v16;
	v22 =	vmul.f32 $1.442695020e+00, v22;
	v20 =	vmul.f32 $1.442695020e+00, v20  }
0x19d: {  	v17 =	vadd.f32 v17, v12;
	v23 =	vmul.f32 $1.442695020e+00, v23;
	(erf) = vpow2.f32 v19  }
0x19e: {  	v19 =	vmul.f32 $1.442695020e+00, v24;
	(erf) = vpow2.f32 v22  }
0x19f: {  	v21 =	vmul.f32 $1.442695020e+00, v21;
	(erf) = vpow2.f32 v18  }
0x1a0: {  	v17 =	vmul.f32 $1.442695020e+00, v17;
	(erf) = vpow2.f32 v23  }
0x1a1: {  	(erf) = vpow2.f32 v20  }
0x1a2: {  	(erf) = vpow2.f32 v17  }
0x1a3: {  	(erf) = vpow2.f32 v21  }
0x1a4: {  	(erf) = vpow2.f32 v19;
	_ =	sdelay $0x1  }
0x1a5: {  	v17 =	vpop (erf)  }
0x1a6: {  	v17 =	vadd.f32 $1.000000000e+00, v17;
	v18 =	vpop (erf)  }
0x1a7: {  	v21 =	vadd.f32 $1.000000000e+00, v18;
	v19 =	vpop (erf)  }
0x1a8: {  	v19 =	vadd.f32 $1.000000000e+00, v19;
	v20 =	vpop (erf);
	(erf) = vrcp.f32 v17  }
0x1a9: {  	v22 =	vadd.f32 $1.000000000e+00, v20;
	(erf) = vrcp.f32 v21;
	v18 =	vpop (erf)  }
0x1aa: {  	v21 =	vadd.f32 $1.000000000e+00, v18;
	v20 =	vpop (erf);
	(erf) = vrcp.f32 v19  }
0x1ab: {  	v19 =	vadd.f32 $1.000000000e+00, v20;
	(erf) = vrcp.f32 v22;
	v17 =	vpop (erf)  }
0x1ac: {  	v17 =	vadd.f32 $1.000000000e+00, v17;
	(erf) = vrcp.f32 v21;
	v18 =	vpop (erf)  }
0x1ad: {  	v20 =	vld [tilespmem:s18+$0xFFFFFFE0];
	v18 =	vadd.f32 $1.000000000e+00, v18;
	(erf) = vrcp.f32 v19  }
0x1ae: {  	v19 =	vld [tilespmem:s18+$0xFFFFFF80];
	(erf) = vrcp.f32 v17  }
0x1af: {  	v17 =	vld [tilespmem:s18+$0xFFFFFFC0];
	(erf) = vrcp.f32 v18  }
0x1b0: {  	v18 =	vld [tilespmem:s18+$0xFFFFFFA0]  }
0x1b1: {  	v21 =	vld [tilespmem:s18+$0xFFFFFF90];
	v22 =	vpop (erf)  }
0x1b2: {  	v23 =	vld [tilespmem:s18+$0xFFFFFFB0];
	v20 =	vmul.f32 v20, v22;
	v22 =	vpop (erf)  }
0x1b3: {  	v25 =	vmul.f32 v22, v19;
	v22 =	vld [tilespmem:s18+$0xFFFFFFD0];
	v24 =	vpop (erf)  }
0x1b4: {  	v26 =	vmul.f32 v17, v24;
	[tilespmem:s18+$0xFFFFFFE0] =	vst v20;
	v20 =	vld [tilespmem:s18+$0xFFFFFFF0];
	v24 =	vpop (erf)  }
0x1b5: {  	[tilespmem:s18+$0xFFFFFF80] =	vst v25;
	v18 =	vmul.f32 v24, v18;
	v19 =	vpop (erf)  }
0x1b6: {  	v19 =	vmul.f32 v19, v21;
	[tilespmem:s18+$0xFFFFFFC0] =	vst v26;
	v17 =	vpop (erf)  }
0x1b7: {  	[tilespmem:s18+$0xFFFFFFA0] =	vst v18;
	v17 =	vmul.f32 v23, v17;
	v18 =	vmov s21;
	v21 =	vpop (erf)  }
0x1b8: {  	[tilespmem:s18+$0xFFFFFF90] =	vst v19;
	v19 =	vmul.f32 v22, v21;
	v21 =	vpop (erf)  }
0x1b9: {  	[tilespmem:s18+$0xFFFFFFB0] =	vst v17;
	v17 =	vmul.f32 v20, v21  }
0x1ba: {  	[tilespmem:s18+$0xFFFFFFD0] =	vst v19  }
0x1bb: {  	[tilespmem:s18+$0xFFFFFFF0] =	vst v17  }
0x1bc: {  	v17 =	vld.idx.msk [tilespmem:v18+s11+$0x0], $0xffff;
	_ =	sdelay $0x5  }
0x1bd: {  	v18 =	vmul.f32 v17, v1;
	v19 =	vmul.f32 v17, v5  }
0x1be: {  	v20 =	vmul.f32 v17, v2;
	v21 =	vmul.f32 v17, v7  }
0x1bf: {  	v22 =	vmul.f32 v17, v8;
	v18 =	vadd.f32 v18, v9;
	v19 =	vadd.f32 v19, v13  }
0x1c0: {  	v23 =	vmul.f32 v17, v3;
	v20 =	vadd.f32 v20, v10;
	v21 =	vadd.f32 v21, v15  }
0x1c1: {  	v18 =	vmul.f32 $1.442695020e+00, v18;
	v19 =	vmul.f32 $1.442695020e+00, v19  }
0x1c2: {  	v23 =	vadd.f32 v23, v11;
	v20 =	vmul.f32 $1.442695020e+00, v20;
	v21 =	vmul.f32 $1.442695020e+00, v21  }
0x1c3: {  	v24 =	vmul.f32 v17, v4;
	v22 =	vadd.f32 v22, v16;
	(erf) = vpow2.f32 v18  }
0x1c4: {  	v17 =	vmul.f32 v17, v6;
	(erf) = vpow2.f32 v20  }
0x1c5: {  	v18 =	vadd.f32 v24, v12;
	v20 =	vmul.f32 $1.442695020e+00, v22;
	(erf) = vpow2.f32 v19  }
0x1c6: {  	v17 =	vadd.f32 v17, v14;
	v19 =	vmul.f32 $1.442695020e+00, v23;
	(erf) = vpow2.f32 v21  }
0x1c7: {  	v18 =	vmul.f32 $1.442695020e+00, v18;
	(erf) = vpow2.f32 v20  }
0x1c8: {  	v17 =	vmul.f32 $1.442695020e+00, v17;
	(erf) = vpow2.f32 v19  }
.Ltmp4:
0x1c9: {  	(erf) = vpow2.f32 v18;
	(pc) =	sbr.rel @p1 .LBB2_7-.Ltmp4, $3  }
0x1ca: {  	(erf) = vpow2.f32 v17;
	_ =	sdelay $0x1  }
0x1cb: {  	v17 =	vpop (erf)  }
0x1cc: {  	v17 =	vadd.f32 $1.000000000e+00, v17;
	v18 =	vpop (erf)  }
0x1cd: {  	v18 =	vadd.f32 $1.000000000e+00, v18;
	_ =	sdelay $0x1  }
0x1ce: {  	v19 =	vpop (erf)  }
0x1cf: {  	v19 =	vadd.f32 $1.000000000e+00, v19;
	(erf) = vrcp.f32 v17;
	v17 =	vpop (erf)  }
0x1d0: {  	v17 =	vadd.f32 $1.000000000e+00, v17;
	(erf) = vrcp.f32 v18;
	v18 =	vpop (erf)  }
0x1d1: {  	(erf) = vrcp.f32 v19;
	v18 =	vadd.f32 $1.000000000e+00, v18;
	v20 =	vpop (erf)  }
0x1d2: {  	v56 =	vpop (erf);
	(erf) = vrcp.f32 v17  }
0x1d3: {  	v19 =	vadd.f32 $1.000000000e+00, v20;
	v57 =	vpop (erf);
	(erf) = vrcp.f32 v18  }
0x1d4: {  	v17 =	vadd.f32 $1.000000000e+00, v56;
	v18 =	vld [tilespmem:s19+$0x0]  }
0x1d5: {  	(erf) = vrcp.f32 v19;
	v19 =	vld [tilespmem:s19+$0x10]  }
0x1d6: {  	v20 =	vadd.f32 $1.000000000e+00, v57;
	(erf) = vrcp.f32 v17;
	v17 =	vld [tilespmem:s19+$0x40]  }
0x1d7: {  	v58 =	vld [tilespmem:s19+$0x60]  }
0x1d8: {  	v21 =	vld [tilespmem:s19+$0x70];
	(erf) = vrcp.f32 v20;
	v22 =	vpop (erf)  }
0x1d9: {  	v23 =	vpop (erf);
	v18 =	vmul.f32 v22, v18  }
0x1da: {  	v19 =	vmul.f32 v23, v19;
	v24 =	vpop (erf)  }
0x1db: {  	v59 =	vld [tilespmem:s19+$0x20];
	[tilespmem:s19+$0x0] =	vst v18;
	v17 =	vmul.f32 v17, v24;
	v61 =	vpop (erf)  }
0x1dc: {  	v60 =	vld [tilespmem:s19+$0x30];
	[tilespmem:s19+$0x10] =	vst v19;
	v19 =	vmul.f32 v58, v61;
	v62 =	vpop (erf)  }
0x1dd: {  	v18 =	vld [tilespmem:s19+$0x50];
	[tilespmem:s19+$0x40] =	vst v17;
	v17 =	vmul.f32 v21, v62;
	_ =	sdelay $0x1  }
0x1de: {  	v63 =	vpop (erf)  }
0x1df: {  	v20 =	vmul.f32 v63, v59;
	[tilespmem:s19+$0x60] =	vst v19;
	v19 =	vpop (erf)  }
0x1e0: {  	[tilespmem:s19+$0x70] =	vst v17;
	v19 =	vmul.f32 v60, v19;
	v17 =	vpop (erf)  }
0x1e1: {  	[tilespmem:s19+$0x20] =	vst v20;
	v17 =	vmul.f32 v18, v17  }
0x1e2: {  	[tilespmem:s19+$0x30] =	vst v19  }
.Ltmp5:
0x1e3: {  	[tilespmem:s19+$0x50] =	vst v17;
	(pc) =	sbr.rel @p0 .LBB2_10-.Ltmp5, $4  }
0x1e4: {  	[spmem:s3] =	stream.indirect.scatter.add.f32 [tilespmem:s14], [sflag:$0x5], $0x80, s4, s13, $0xb8;
	[tilespmem:$0x19400] =	vst v63  }
0x1e5: {  	_ =	swait.ge [sflag:s30], $0x2800  }
0x1e6: {  	[sflag:s30] =	ssyncset.done $0x0  }
0x1e7: {  	[sflag:s30] =	ssyncadd.s32 $0xFFFFD800  }
0x1e8: {  	s18 =	smul.u32 $0xA0, s17;
	_ =	sdelay $0x1  }
0x1e9: {  	s18 =	sadd.s32 s18, s23  }
0x1ea: {  	s18 =	sshrl.u32 s18, $0x3  }
0x1eb: {  	s19 =	sadd.s32 s7, s18  }
0x1ec: {  	[tilespmem:s31], [sflag:$0x4] =	stream.linear.gather [hbm4b:s19+s5], $0x50, $0x38;
	[tilespmem:$0x19400] =	vst v63  }
0x1ed: {  	s24 =	sadd.s32 s8, s18  }
0x1ee: {  	[tilespmem:s4], [sflag:$0x4] =	stream.linear.gather [hbm4b:s24+s5], $0x50, $0x38;
	[tilespmem:$0x19400] =	vst v63  }
0x1ef: {  	s18 =	sadd.s32 s9, s18  }
0x1f0: {  	[tilespmem:s11], [sflag:$0x4] =	stream.linear.gather [hbm4b:s18+s5], $0x50, $0x38;
	[tilespmem:$0x19400] =	vst v63  }
0x1f1: {  	_ =	swait.ge [sflag:s29], $0x50  }
0x1f2: {  	[sflag:s29] =	ssyncset.done $0x0  }
0x1f3: {  	[sflag:s29] =	ssyncadd.s32 $0xFFFFFFB0  }
0x1f4: {  	_ =	swait.ge [sflag:s29], $0x50  }
0x1f5: {  	[sflag:s29] =	ssyncset.done $0x0  }
0x1f6: {  	[sflag:s29] =	ssyncadd.s32 $0xFFFFFFB0  }
0x1f7: {  	_ =	swait.ge [sflag:s29], $0x50  }
0x1f8: {  	[sflag:s29] =	ssyncset.done $0x0  }
0x1f9: {  	[sflag:s29] =	ssyncadd.s32 $0xFFFFFFB0  }
0x1fa: {  	[tilespmem:s0], [sflag:$0x1] =	stream.indirect.gather [hbm4b:s6+s13], $0x80, s5, s13, $0xb8;
	[tilespmem:$0x19400] =	vst v63  }
0x1fb: {  	_ =	swait.ge [sflag:s12], $0x50  }
0x1fc: {  	[sflag:s12] =	ssyncset.done $0x0  }
0x1fd: {  	[sflag:s12] =	ssyncadd.s32 $0xFFFFFFB0  }
0x1fe: {  	_ =	swait.ge [sflag:s12], $0x50  }
0x1ff: {  	[sflag:s12] =	ssyncset.done $0x0  }
.Ltmp6:
0x200: {  	[sflag:s12] =	ssyncadd.s32 $0xFFFFFFB0;
	(pc) =	sbr.rel .LBB2_4-.Ltmp6, $4  }
0x201: {  	_ =	swait.ge [sflag:s12], $0x50  }
0x202: {  	[sflag:s12] =	ssyncset.done $0x0  }
0x203: {  	s17 =	sadd.s32 $0x1, s17;
	[sflag:s12] =	ssyncadd.s32 $0xFFFFFFB0  }
0x204: {  	[tilespmem:s14], [sflag:$0x2] =	stream.indirect.gather [hbm4b:s6+s13], $0x80, s31, s13, $0xb8;
	[tilespmem:$0x19400] =	vst v63  }
.LBB2_11:
0x205: {  	_ =	sfence.sel $0x180000  }
0x206: {  	[bflag:$0x0] =	sbarrier.arrive $0xFFFF  }
0x207: {  	_ =	strace $0x90000047  }
0x208: {  	s0 =	stileid.u32;
	[bflag:$0x2] =	sbarrier.arrive $0xFFFF  }
0x209: {  	p0 =	sne.s32 s0, $0x0;
	s0 =	rddreg [dreg:$0x4]  }
0x20a: {  	s0 =	sadd.s32 @!p0 $0x100000, s0  }
0x20b: {  	[sflag:s0] =	ssyncadd.tile.s32 @!p0 $0x1;
	_ =	shalt  }
.Lfunc_end2:
_tile_overlayer_lowered:
.L_overlay_start_2:
0x20c: {  	(tag) =	ssettag $0x2  }
0x20d: {  	s0 =	rddreg [dreg:$0x0];
	s2 =	stileid.u32  }
0x20e: {  	s1 =	rddreg [dreg:$0x1];
	p0 =	sne.s32 s2, $0x0  }
0x20f: {  	s3 =	rddreg [dreg:$0x2];
	[bflag:$0x3] =	sbarrier.arrive $0xFFFF;
	s2 =	simm.s32 @!p0 $0x1C05  }
0x210: {  	[timem:s3], [sflag:s2] =	dma.local @!p0 [hbm:s0], s1  }
0x211: {  	s0 =	simm.s32 @!p0 $0x5  }
0x212: {  	_ =	swait.ge @!p0 [sflag:s0], s1  }
0x213: {  	s1 =	ssub.s32 @!p0 $0x0, s1;
	[sflag:s0] =	ssyncset.done @!p0 $0x0  }
0x214: {  	[sflag:s0] =	ssyncadd.s32 @!p0 s1  }
0x215: {  	[bflag:$0x3] =	sbarrier.arrive $0xFFFF  }
0x216: {  	_ =	shalt  }

</sc_bundles>
